<compile_context>
chip_gen: v7x
topology: tpu7x:2x2x1
jax: 0.10.2.dev20260603
libtpu: 0.0.44.dev20260713+nightly
codegen_flags: <defaults>
</compile_context>

<pallas_src>
import functools

import jax
import jax.numpy as jnp
from jax import lax
from jax.experimental import pallas as pl
from jax.experimental.pallas import tpu as pltpu
from jax.experimental.pallas import tpu_sc as plsc

_EPS = 0.0001
_NW = 32
_CHUNK = 128



def _sc_gather_body(nums, srcs_and_idx_and_outs):
    n_tasks = len(nums)
    srcs = srcs_and_idx_and_outs[:n_tasks]
    idxs = srcs_and_idx_and_outs[n_tasks:2 * n_tasks]
    outs = srcs_and_idx_and_outs[2 * n_tasks:3 * n_tasks]
    idx_v, val_v, sem = srcs_and_idx_and_outs[3 * n_tasks:]
    wid = lax.axis_index("s") * 2 + lax.axis_index("c")
    for t in range(n_tasks):
        n = nums[t]
        base = wid * n
        pltpu.sync_copy(idxs[t].at[pl.ds(base, n)], idx_v.at[pl.ds(0, n)])
        for c in range(n // _CHUNK):
            pltpu.async_copy(
                srcs[t].at[idx_v.at[pl.ds(c * _CHUNK, _CHUNK)]],
                val_v.at[pl.ds(c * _CHUNK, _CHUNK)],
                sem,
            ).wait()
        pltpu.sync_copy(val_v.at[pl.ds(0, n)], outs[t].at[pl.ds(base, n)])


def _sc_gather(srcs, idxs):
    nums = tuple(i.shape[0] // _NW for i in idxs)
    max_n = max(nums)
    mesh = plsc.VectorSubcoreMesh(core_axis_name="c", subcore_axis_name="s")
    kern = functools.partial(
        pl.kernel,
        mesh=mesh,
        out_type=[jax.ShapeDtypeStruct(i.shape, jnp.float32) for i in idxs],
        scratch_types=[
            pltpu.VMEM((max_n,), jnp.int32),
            pltpu.VMEM((max_n,), jnp.float32),
            pltpu.SemaphoreType.DMA,
        ],
    )(lambda *refs: _sc_gather_body(nums, refs))
    return kern(*srcs, *idxs)



def _dense_body(out_hm_ref, hm_ref, out_lc_ref, lc_ref, lcm_ref,
                pl_ref, nl_ref, npos_ref, cnum_ref, cden_ref):
    zero = jnp.zeros((1, 1), jnp.float32)

    @pl.when(pl.program_id(0) == 0)
    def _():
        pl_ref[...] = zero
        nl_ref[...] = zero
        npos_ref[...] = zero
        cnum_ref[...] = zero
        cden_ref[...] = zero

    x = out_hm_ref[...]
    gt = hm_ref[...]
    pred = jnp.clip(jax.nn.sigmoid(x), 1e-4, 1.0 - 1e-4)
    pos = (gt == 1.0).astype(jnp.float32)
    neg = (gt < 1.0).astype(jnp.float32)
    one_m_gt = 1.0 - gt
    nw2 = one_m_gt * one_m_gt
    nw = nw2 * nw2
    one_m_p = 1.0 - pred
    s11 = lambda v: jnp.sum(v).reshape(1, 1)
    pl_ref[...] += s11(jnp.log(pred) * one_m_p * one_m_p * pos)
    nl_ref[...] += s11(jnp.log(one_m_p) * pred * pred * nw * neg)
    npos_ref[...] += s11(pos)

    co = out_lc_ref[...]
    cg = lc_ref[...]
    cm = lcm_ref[...]
    cnum_ref[...] += s11(jnp.abs(co * cm - cg * cm))
    cden_ref[...] += s11(cm)


def _dense_sums(out_hm, hm, out_lc, lc, lc_mask):
    B = out_hm.shape[0]
    H, W = out_hm.shape[2], out_hm.shape[3]
    n = B * out_hm.shape[1]
    rs = lambda a: a.reshape(n, H, W)
    blk = pl.BlockSpec((1, H, W), lambda g: (g, 0, 0))
    sblk = pl.BlockSpec((1, 1), lambda g: (0, 0))
    return pl.pallas_call(
        _dense_body,
        grid=(n,),
        in_specs=[blk] * 5,
        out_specs=[sblk] * 5,
        out_shape=[jax.ShapeDtypeStruct((1, 1), jnp.float32)] * 5,
    )(rs(out_hm), rs(hm), rs(out_lc), rs(lc), rs(lc_mask))



def _final_body(reg_p_ref, reg_ref, regm_ref,
                ct_p_ref, ct_g_ref, ctm_ref,
                cn_p_ref, cn_g_ref, cnm_ref,
                pp_ref, pg_ref,
                lc_p_ref, span_ref,
                pl_s_ref, nl_s_ref, npos_ref, cnum_ref, cden_ref,
                *outs):
    (o_loss, o_hm, o_reg, o_ct2cn, o_cn2ct, o_icn, o_lcc, o_lcsd) = outs

    pl_s = pl_s_ref[...]
    nl_s = nl_s_ref[...]
    npos = npos_ref[...]
    hm_loss = jnp.where(npos == 0.0, -nl_s,
                        -(pl_s + nl_s) / jnp.where(npos == 0.0, 1.0, npos))
    s11 = lambda v: jnp.sum(v).reshape(1, 1)

    reg_p = reg_p_ref[...]
    reg_g = reg_ref[...]
    m = regm_ref[...][:, :, None].astype(jnp.float32)
    reg_loss = s11(jnp.abs(reg_p * m - reg_g * m)) / (2.0 * s11(m[:, :, 0]) + _EPS)

    ct_p = ct_p_ref[...]
    ct_g = ct_g_ref[...]
    pp = pp_ref[...]
    pg = pg_ref[...]
    ct_m = ctm_ref[...][:, :, None].astype(jnp.float32)
    num_ct = 8.0 * s11(ct_m[:, :, 0]) + _EPS
    delta = (jnp.abs(ct_p - ct_g) + jnp.abs(pp - pg)) / (jnp.abs(ct_g) + _EPS)
    delta = jnp.minimum(delta, 1.0)
    weight = jnp.sin(1.570796 * delta)
    ct2cn_loss = s11(jnp.abs(ct_p * ct_m * weight - ct_g * ct_m * weight)) / num_ct
    cn2ct_loss = 0.5 * (s11(jnp.abs(pp * ct_m * weight - pg * ct_m * weight)) / num_ct)

    cn_p = cn_p_ref[...]
    cn_g = cn_g_ref[...]
    cn_m = cnm_ref[...][:, :, None] * jnp.ones_like(cn_p)
    inv = (cn_g == 0.0).astype(jnp.float32)
    inv_m = (inv == cn_m).astype(jnp.float32)
    icn_loss = 0.2 * (s11(jnp.abs(cn_p * inv_m - cn_g * inv_m)) / (s11(inv_m) + _EPS))

    lc_p = lc_p_ref[...]
    cols = lc_p[:, :, :, 0]
    rows = lc_p[:, :, :, 1]
    col_diff = cols[:, :, 1:3] - jnp.concatenate(
        [cols[:, :, 0:1], cols[:, :, 3:4]], axis=2)
    row_diff = jnp.concatenate(
        [rows[:, :, 3:4], rows[:, :, 2:3]], axis=2) - rows[:, :, 0:2]
    span = span_ref[...]
    sm = ct_m[:, :, 0:1] * jnp.ones_like(col_diff)
    num_span = 2.0 * s11(ct_m[:, :, 0]) + _EPS
    col_gt = span[:, :, 0:1] * jnp.ones_like(col_diff)
    row_gt = span[:, :, 1:2] * jnp.ones_like(row_diff)
    col_loss = s11(jnp.abs(col_diff * sm - col_gt * sm)) / num_span
    row_loss = s11(jnp.abs(row_diff * sm - row_gt * sm)) / num_span
    lc_sd = col_loss + row_loss
    lc_coord = cnum_ref[...] / (cden_ref[...] + _EPS)

    loss = (hm_loss + reg_loss + ct2cn_loss + (cn2ct_loss + icn_loss)
            + (lc_coord + lc_sd))

    o_loss[...] = loss
    o_hm[...] = hm_loss
    o_reg[...] = reg_loss
    o_ct2cn[...] = ct2cn_loss
    o_cn2ct[...] = cn2ct_loss
    o_icn[...] = icn_loss
    o_lcc[...] = lc_coord
    o_lcsd[...] = lc_sd



def kernel(out_hm, out_reg, out_ct2cn, out_cn2ct, out_lc, hm, reg, reg_mask,
           ct_mask, ct2cn, cn_mask, cn2ct, lc, lc_mask, lc_span,
           reg_ind, ct_ind, cn_ind, ct_cn_ind, lc_ind):
    B, _, H, W = out_hm.shape
    HW = H * W
    K = reg_ind.shape[1]
    M = ct_ind.shape[1]
    N = cn_ind.shape[1]

    i32 = lambda a: a.astype(jnp.int32)
    boff = (jnp.arange(B, dtype=jnp.int32) * 1)[:, None, None]
    ch2 = jnp.arange(2, dtype=jnp.int32)[None, None, :]
    ch8 = jnp.arange(8, dtype=jnp.int32)[None, None, :]

    reg_idx = (boff * (2 * HW) + ch2 * HW + i32(reg_ind)[:, :, None]).reshape(-1)
    ct_idx = (boff * (8 * HW) + ch8 * HW + i32(ct_ind)[:, :, None]).reshape(-1)
    cn_idx = (boff * (8 * HW) + ch8 * HW + i32(cn_ind)[:, :, None]).reshape(-1)
    j = i32(ct_cn_ind)
    n_of_j = jnp.take_along_axis(i32(cn_ind), j // 4, axis=1)
    ch_pair = (j % 4)[:, :, None] * 2 + ch2
    pp_idx = (boff * (8 * HW) + ch_pair * HW + n_of_j[:, :, None]).reshape(-1)
    pg_idx = (boff * (8 * N) + (2 * j)[:, :, None] + ch2).reshape(-1)
    lc_idx = (boff * (2 * HW) + ch2 * HW
              + i32(lc_ind).reshape(B, 4 * M)[:, :, None]).reshape(-1)

    flat = lambda a: a.reshape(-1)
    gathered = _sc_gather(
        [flat(out_reg), flat(out_ct2cn), flat(out_cn2ct), flat(out_cn2ct),
         flat(cn2ct), flat(out_lc)],
        [reg_idx, ct_idx, cn_idx, pp_idx, pg_idx, lc_idx],
    )
    reg_p = gathered[0].reshape(B, K, 2)
    ct_p = gathered[1].reshape(B, M, 8)
    cn_p = gathered[2].reshape(B, N, 8)
    pp = gathered[3].reshape(B, M, 8)
    pg = gathered[4].reshape(B, M, 8)
    lc_p = gathered[5].reshape(B, M, 4, 2)

    dense = _dense_sums(out_hm, hm, out_lc, lc, lc_mask)

    outs = pl.pallas_call(
        _final_body,
        out_shape=[jax.ShapeDtypeStruct((1, 1), jnp.float32)] * 8,
    )(reg_p, reg, reg_mask, ct_p, ct2cn, ct_mask, cn_p, cn2ct, cn_mask,
      pp, pg, lc_p, lc_span, *dense)

    return tuple(o.reshape(()) for o in outs)

# --- scband reference (transcript-rebuilt; emitter-appended) ---
"""Pipeline reference for scband-table-loss-395136991504 (READ-ONLY COPY).

The authoritative reference and input builder live on the scoring server;
editing this copy changes nothing except your own understanding.
"""

import jax, jax.numpy as jnp
import numpy as np

EPS = 0.0001

def _tg(feat, ind):
    B, C, H, W = feat.shape
    f = jnp.transpose(feat, (0, 2, 3, 1)).reshape(B, H * W, C)
    idx = jnp.broadcast_to(ind[:, :, None], (B, ind.shape[1], C))
    return jnp.take_along_axis(f, idx, axis=1)

def _sig(x):
    return jnp.clip(jax.nn.sigmoid(x), 1e-4, 1.0 - 1e-4)

def _focal(pred, gt):
    pos = (gt == 1.0).astype(jnp.float32)
    neg = (gt < 1.0).astype(jnp.float32)
    nw = jnp.power(1.0 - gt, 4)
    pl = jnp.sum(jnp.log(pred) * jnp.power(1.0 - pred, 2) * pos)
    nl = jnp.sum(jnp.log(1.0 - pred) * jnp.power(pred, 2) * nw * neg)
    npos = jnp.sum(pos)
    return jnp.where(npos == 0, -nl, -(pl + nl) / jnp.where(npos == 0, 1.0, npos))

def _reg_l1(output, ind, mask, target):
    pred = _tg(output, ind)
    m = jnp.broadcast_to(mask[:, :, None], pred.shape).astype(jnp.float32)
    return jnp.sum(jnp.abs(pred * m - target * m)) / (jnp.sum(m) + EPS)

def _vec_pair(ct2cn, ct_ind, ct_mask, ct2cn_gt, cn2ct, cn_ind, cn_mask, cn2ct_gt, ct_cn_ind):
    ct2cn_pred = _tg(ct2cn, ct_ind)
    cn2ct_pred = _tg(cn2ct, cn_ind)
    cn2ct_pred_temp = cn2ct_pred
    cn2ct_gt_temp = cn2ct_gt
    B, M, N = ct2cn_pred.shape[0], ct2cn_pred.shape[1], cn2ct_pred.shape[1]
    idx = jnp.broadcast_to(ct_cn_ind[:, :, None], (B, 4 * M, 2))
    cn2ct_pred_g = jnp.take_along_axis(cn2ct_pred.reshape(B, 4 * N, 2), idx, axis=1).reshape(B, M, 8)
    cn2ct_gt_g = jnp.take_along_axis(cn2ct_gt.reshape(B, 4 * N, 2), idx, axis=1).reshape(B, M, 8)
    ct_m = jnp.broadcast_to(ct_mask[:, :, None], ct2cn_pred.shape).astype(jnp.float32)
    num_ct = jnp.sum(ct_m) + EPS
    cn_m = jnp.broadcast_to(cn_mask[:, :, None], cn2ct_pred_temp.shape)
    delta = (jnp.abs(ct2cn_pred - ct2cn_gt) + jnp.abs(cn2ct_pred_g - cn2ct_gt_g)) / (jnp.abs(ct2cn_gt) + EPS)
    delta = jnp.minimum(delta, 1.0)
    weight = jnp.sin(1.570796 * delta)
    ct2cn_loss = jnp.sum(jnp.abs(ct2cn_pred * ct_m * weight - ct2cn_gt * ct_m * weight)) / num_ct
    cn2ct_loss = jnp.sum(jnp.abs(cn2ct_pred_g * ct_m * weight - cn2ct_gt_g * ct_m * weight)) / num_ct
    inv = (cn2ct_gt_temp == 0).astype(cn_m.dtype)
    inv_m = (inv == cn_m).astype(jnp.float32)
    inv_loss = jnp.sum(jnp.abs(cn2ct_pred_temp * inv_m - cn2ct_gt_temp * inv_m)) / (jnp.sum(inv_m) + EPS)
    return ct2cn_loss, 0.5 * cn2ct_loss, 0.2 * inv_loss

def _logic_coord(coord, coord_gt, coord_mask, lc_ind, lc_span, ct_mask):
    B, N = lc_span.shape[0], lc_span.shape[1]
    coords_pred = _tg(coord, lc_ind.reshape(B, N * 4)).reshape(B, N, 4, 2)
    cols_pred = coords_pred[..., 0]
    rows_pred = coords_pred[..., 1]
    span_mask = jnp.broadcast_to(ct_mask[:, :, None], (B, N, 2)).astype(jnp.float32)
    num_span = jnp.sum(span_mask) + EPS
    coord_loss = jnp.sum(jnp.abs(coord * coord_mask - coord_gt * coord_mask)) / (jnp.sum(coord_mask) + EPS)
    col_diff = cols_pred[:, :, jnp.array([1, 2])] - cols_pred[:, :, jnp.array([0, 3])]
    row_diff = rows_pred[:, :, jnp.array([3, 2])] - rows_pred[:, :, jnp.array([0, 1])]
    col_gt = jnp.broadcast_to(lc_span[..., 0][:, :, None], (B, N, 2))
    row_gt = jnp.broadcast_to(lc_span[..., 1][:, :, None], (B, N, 2))
    col_loss = jnp.sum(jnp.abs(col_diff * span_mask - col_gt * span_mask)) / num_span
    row_loss = jnp.sum(jnp.abs(row_diff * span_mask - row_gt * span_mask)) / num_span
    return coord_loss, col_loss + row_loss

def _table_loss(out_hm, out_reg, out_ct2cn, out_cn2ct, out_lc, hm, reg, reg_mask, ct_mask, ct2cn, cn_mask, cn2ct, lc, lc_mask, lc_span, reg_ind, ct_ind, cn_ind, ct_cn_ind, lc_ind):
    pred_hm = _sig(out_hm)
    hm_loss = _focal(pred_hm, hm)
    reg_loss = _reg_l1(out_reg, reg_ind, reg_mask, reg)
    ct2cn_loss, cn2ct_loss, icn_loss = _vec_pair(out_ct2cn, ct_ind, ct_mask, ct2cn, out_cn2ct, cn_ind, cn_mask, cn2ct, ct_cn_ind)
    lc_coord, lc_sd = _logic_coord(out_lc, lc, lc_mask, lc_ind, lc_span, ct_mask)
    lc_loss = lc_coord + lc_sd
    loss = 1.0 * hm_loss + 1.0 * reg_loss + 1.0 * ct2cn_loss + 1.0 * (cn2ct_loss + icn_loss) + 1.0 * lc_loss
    return loss, hm_loss, reg_loss, ct2cn_loss, cn2ct_loss, icn_loss, lc_coord, lc_sd

def setup_inputs():
    k = jax.random.split(jax.random.key(0), 20)
    B, H, W = 8, 256, 256
    HW = H * W
    M, N, K = 256, 1024, 1280
    inp = {}
    inp["out_hm"] = jax.random.normal(k[0], (B, 2, H, W), jnp.float32)
    inp["out_reg"] = jax.random.normal(k[1], (B, 2, H, W), jnp.float32)
    inp["out_ct2cn"] = jax.random.normal(k[2], (B, 8, H, W), jnp.float32)
    inp["out_cn2ct"] = jax.random.normal(k[3], (B, 8, H, W), jnp.float32)
    inp["out_lc"] = jax.random.normal(k[4], (B, 2, H, W), jnp.float32)
    inp["hm"] = jax.random.uniform(k[5], (B, 2, H, W), jnp.float32)
    inp["reg"] = jax.random.normal(k[6], (B, K, 2), jnp.float32)
    inp["reg_mask"] = jax.random.randint(k[7], (B, K), 0, 2).astype(jnp.float32)
    inp["ct_mask"] = jax.random.randint(k[8], (B, M), 0, 2).astype(jnp.float32)
    inp["ct2cn"] = jax.random.normal(k[9], (B, M, 8), jnp.float32)
    inp["cn_mask"] = jax.random.randint(k[10], (B, N), 0, 2).astype(jnp.float32)
    inp["cn2ct"] = jax.random.normal(k[11], (B, N, 8), jnp.float32)
    inp["lc"] = jax.random.normal(k[12], (B, 2, H, W), jnp.float32)
    inp["lc_mask"] = jax.random.randint(k[13], (B, 2, H, W), 0, 2).astype(jnp.float32)
    inp["lc_span"] = jax.random.uniform(k[14], (B, M, 2), jnp.float32)
    inp["reg_ind"] = jax.random.randint(k[15], (B, K), 0, HW)
    inp["ct_ind"] = jax.random.randint(k[16], (B, M), 0, HW)
    inp["cn_ind"] = jax.random.randint(k[17], (B, N), 0, HW)
    inp["ct_cn_ind"] = jax.random.randint(k[18], (B, 4 * M), 0, 4 * N)
    inp["lc_ind"] = jax.random.randint(k[19], (B, M, 4), 0, HW)
    return inp

def reference(out_hm, out_reg, out_ct2cn, out_cn2ct, out_lc, hm, reg, reg_mask, ct_mask, ct2cn, cn_mask, cn2ct, lc, lc_mask, lc_span, reg_ind, ct_ind, cn_ind, ct_cn_ind, lc_ind):
    return _table_loss(out_hm, out_reg, out_ct2cn, out_cn2ct, out_lc, hm, reg, reg_mask, ct_mask, ct2cn, cn_mask, cn2ct, lc, lc_mask, lc_span, reg_ind, ct_ind, cn_ind, ct_cn_ind, lc_ind)

if __name__ == "__main__":
    import jax
    _d = setup_inputs()
    print(jax.jit(kernel)(*tuple(_d.values())))

</pallas_src>

<mosaic_0001>
#map = affine_map<(d0, d1) -> (0)>
module attributes {stable_mosaic.version = 14 : i64} {
  func.func @_lambda_(%arg0: i32, %arg1: i32, %arg2: memref<1048576xf32, #tpu.memory_space<hbm>>, %arg3: memref<4194304xf32, #tpu.memory_space<hbm>>, %arg4: memref<4194304xf32, #tpu.memory_space<hbm>>, %arg5: memref<4194304xf32, #tpu.memory_space<hbm>>, %arg6: memref<65536xf32, #tpu.memory_space<hbm>>, %arg7: memref<1048576xf32, #tpu.memory_space<hbm>>, %arg8: memref<20480xi32, #tpu.memory_space<hbm>>, %arg9: memref<16384xi32, #tpu.memory_space<hbm>>, %arg10: memref<65536xi32, #tpu.memory_space<hbm>>, %arg11: memref<16384xi32, #tpu.memory_space<hbm>>, %arg12: memref<16384xi32, #tpu.memory_space<hbm>>, %arg13: memref<16384xi32, #tpu.memory_space<hbm>>, %arg14: memref<20480xf32, #tpu.memory_space<hbm>>, %arg15: memref<16384xf32, #tpu.memory_space<hbm>>, %arg16: memref<65536xf32, #tpu.memory_space<hbm>>, %arg17: memref<16384xf32, #tpu.memory_space<hbm>>, %arg18: memref<16384xf32, #tpu.memory_space<hbm>>, %arg19: memref<16384xf32, #tpu.memory_space<hbm>>, %arg20: memref<2048xi32, #tpu.memory_space<vmem>>, %arg21: memref<2048xf32, #tpu.memory_space<vmem>>, %arg22: memref<!tpu.dma_semaphore, #tpu.memory_space<semaphore_mem>>) attributes {dimension_semantics = [#tpu.dimension_semantics<core_parallel>, #tpu.dimension_semantics<subcore_parallel>], iteration_bounds = array<i64: 2, 16>, scalar_prefetch = 0 : i64, scratch_operands = 3 : i64, tpu.core_type = #tpu.core_type<sc_vector_subcore>, window_params = [{transform_indices = #map}, {transform_indices = #map}, {transform_indices = #map}, {transform_indices = #map}, {transform_indices = #map}, {transform_indices = #map}, {transform_indices = #map}, {transform_indices = #map}, {transform_indices = #map}, {transform_indices = #map}, {transform_indices = #map}, {transform_indices = #map}, {transform_indices = #map}, {transform_indices = #map}, {transform_indices = #map}, {transform_indices = #map}, {transform_indices = #map}, {transform_indices = #map}]} {
    %mul3A = arith.constant 2 : i32
    %mul3A_0 = arith.muli %arg1, %mul3A : i32
    %add3A = arith.addi %mul3A_0, %arg0 : i32
    %mul3A_1 = arith.constant 640 : i32
    %mul3A_2 = arith.muli %add3A, %mul3A_1 : i32
    "tpu.region"() ({
      %run_scoped3A = tpu.sem_alloc : memref<!tpu.dma_semaphore, #tpu.memory_space<semaphore_mem>>
      %dma_start3A_455 = arith.constant 0 : i32
      %dma_start3A_456 = tpu.memref_slice %arg20[%dma_start3A_455] : memref<2048xi32, #tpu.memory_space<vmem>> -> memref<640xi32, #tpu.memory_space<vmem>>
      %dma_start3A_457 = tpu.memref_slice %arg8[%mul3A_2] : memref<20480xi32, #tpu.memory_space<hbm>> -> memref<640xi32, #tpu.memory_space<hbm>>
      %dma_start3A_458 = arith.constant 0 : i32
      %dma_start3A_459 = tpu.memref_slice %arg20[%dma_start3A_458] : memref<2048xi32, #tpu.memory_space<vmem>> -> memref<640xi32, #tpu.memory_space<vmem>>
      %dma_start3A_460 = tpu.memref_slice %arg8[%mul3A_2] : memref<20480xi32, #tpu.memory_space<hbm>> -> memref<640xi32, #tpu.memory_space<hbm>>
      tpu.enqueue_dma source(%dma_start3A_460 : memref<640xi32, #tpu.memory_space<hbm>>) target(%dma_start3A_459 : memref<640xi32, #tpu.memory_space<vmem>>) target_semaphore(%run_scoped3A : memref<!tpu.dma_semaphore, #tpu.memory_space<semaphore_mem>>)
      %dma_wait3A_461 = arith.constant 0 : i32
      %dma_wait3A_462 = tpu.memref_slice %arg20[%dma_wait3A_461] : memref<2048xi32, #tpu.memory_space<vmem>> -> memref<640xi32, #tpu.memory_space<vmem>>
      %dma_wait3A_463 = tpu.memref_slice %arg8[%mul3A_2] : memref<20480xi32, #tpu.memory_space<hbm>> -> memref<640xi32, #tpu.memory_space<hbm>>
      %dma_wait3A_464 = arith.constant 0 : i32
      %dma_wait3A_465 = tpu.memref_slice %arg20[%dma_wait3A_464] : memref<2048xi32, #tpu.memory_space<vmem>> -> memref<640xi32, #tpu.memory_space<vmem>>
      %dma_wait3A_466 = tpu.memref_slice %arg8[%mul3A_2] : memref<20480xi32, #tpu.memory_space<hbm>> -> memref<640xi32, #tpu.memory_space<hbm>>
      tpu.wait_dma2 semaphore(%run_scoped3A : memref<!tpu.dma_semaphore, #tpu.memory_space<semaphore_mem>>) src(%dma_wait3A_466 : memref<640xi32, #tpu.memory_space<hbm>>) dst(%dma_wait3A_465 : memref<640xi32, #tpu.memory_space<vmem>>)
      tpu.yield
    }) : () -> ()
    %dma_start3A = arith.constant 0 : i32
    %dma_start3A_3 = tpu.memref_slice %arg21[%dma_start3A] : memref<2048xf32, #tpu.memory_space<vmem>> -> memref<128xf32, #tpu.memory_space<vmem>>
    %dma_start3A_4 = arith.constant 0 : i32
    %dma_start3A_5 = tpu.memref_slice %arg20[%dma_start3A_4] : memref<2048xi32, #tpu.memory_space<vmem>> -> memref<128xi32, #tpu.memory_space<vmem>>
    %dma_start3A_6 = arith.constant 0 : i32
    %dma_start3A_7 = tpu.memref_slice %arg2[%dma_start3A_6] : memref<1048576xf32, #tpu.memory_space<hbm>> -> memref<1048576xf32, #tpu.memory_space<hbm>>
    tpu.enqueue_indirect_dma source(%dma_start3A_7 : memref<1048576xf32, #tpu.memory_space<hbm>>) target(%dma_start3A_3 : memref<128xf32, #tpu.memory_space<vmem>>) offsets(%dma_start3A_5 : memref<128xi32, #tpu.memory_space<vmem>>) semaphore(%arg22 : memref<!tpu.dma_semaphore, #tpu.memory_space<semaphore_mem>>)
    %dma_wait3A = arith.constant 0 : i32
    %dma_wait3A_8 = tpu.memref_slice %arg21[%dma_wait3A] : memref<2048xf32, #tpu.memory_space<vmem>> -> memref<128xf32, #tpu.memory_space<vmem>>
    %dma_wait3A_9 = arith.constant 0 : i32
    %dma_wait3A_10 = tpu.memref_slice %arg20[%dma_wait3A_9] : memref<2048xi32, #tpu.memory_space<vmem>> -> memref<128xi32, #tpu.memory_space<vmem>>
    %dma_wait3A_11 = arith.constant 0 : i32
    %dma_wait3A_12 = tpu.memref_slice %arg2[%dma_wait3A_11] : memref<1048576xf32, #tpu.memory_space<hbm>> -> memref<1048576xf32, #tpu.memory_space<hbm>>
    tpu.wait_indirect_dma semaphore(%arg22 : memref<!tpu.dma_semaphore, #tpu.memory_space<semaphore_mem>>) src(%dma_wait3A_12 : memref<1048576xf32, #tpu.memory_space<hbm>>) dst(%dma_wait3A_8 : memref<128xf32, #tpu.memory_space<vmem>>)
    %dma_start3A_13 = arith.constant 128 : i32
    %dma_start3A_14 = tpu.memref_slice %arg21[%dma_start3A_13] : memref<2048xf32, #tpu.memory_space<vmem>> -> memref<128xf32, #tpu.memory_space<vmem>>
    %dma_start3A_15 = arith.constant 128 : i32
    %dma_start3A_16 = tpu.memref_slice %arg20[%dma_start3A_15] : memref<2048xi32, #tpu.memory_space<vmem>> -> memref<128xi32, #tpu.memory_space<vmem>>
    %dma_start3A_17 = arith.constant 0 : i32
    %dma_start3A_18 = tpu.memref_slice %arg2[%dma_start3A_17] : memref<1048576xf32, #tpu.memory_space<hbm>> -> memref<1048576xf32, #tpu.memory_space<hbm>>
    tpu.enqueue_indirect_dma source(%dma_start3A_18 : memref<1048576xf32, #tpu.memory_space<hbm>>) target(%dma_start3A_14 : memref<128xf32, #tpu.memory_space<vmem>>) offsets(%dma_start3A_16 : memref<128xi32, #tpu.memory_space<vmem>>) semaphore(%arg22 : memref<!tpu.dma_semaphore, #tpu.memory_space<semaphore_mem>>)
    %dma_wait3A_19 = arith.constant 128 : i32
    %dma_wait3A_20 = tpu.memref_slice %arg21[%dma_wait3A_19] : memref<2048xf32, #tpu.memory_space<vmem>> -> memref<128xf32, #tpu.memory_space<vmem>>
    %dma_wait3A_21 = arith.constant 128 : i32
    %dma_wait3A_22 = tpu.memref_slice %arg20[%dma_wait3A_21] : memref<2048xi32, #tpu.memory_space<vmem>> -> memref<128xi32, #tpu.memory_space<vmem>>
    %dma_wait3A_23 = arith.constant 0 : i32
    %dma_wait3A_24 = tpu.memref_slice %arg2[%dma_wait3A_23] : memref<1048576xf32, #tpu.memory_space<hbm>> -> memref<1048576xf32, #tpu.memory_space<hbm>>
    tpu.wait_indirect_dma semaphore(%arg22 : memref<!tpu.dma_semaphore, #tpu.memory_space<semaphore_mem>>) src(%dma_wait3A_24 : memref<1048576xf32, #tpu.memory_space<hbm>>) dst(%dma_wait3A_20 : memref<128xf32, #tpu.memory_space<vmem>>)
    %dma_start3A_25 = arith.constant 256 : i32
    %dma_start3A_26 = tpu.memref_slice %arg21[%dma_start3A_25] : memref<2048xf32, #tpu.memory_space<vmem>> -> memref<128xf32, #tpu.memory_space<vmem>>
    %dma_start3A_27 = arith.constant 256 : i32
    %dma_start3A_28 = tpu.memref_slice %arg20[%dma_start3A_27] : memref<2048xi32, #tpu.memory_space<vmem>> -> memref<128xi32, #tpu.memory_space<vmem>>
    %dma_start3A_29 = arith.constant 0 : i32
    %dma_start3A_30 = tpu.memref_slice %arg2[%dma_start3A_29] : memref<1048576xf32, #tpu.memory_space<hbm>> -> memref<1048576xf32, #tpu.memory_space<hbm>>
    tpu.enqueue_indirect_dma source(%dma_start3A_30 : memref<1048576xf32, #tpu.memory_space<hbm>>) target(%dma_start3A_26 : memref<128xf32, #tpu.memory_space<vmem>>) offsets(%dma_start3A_28 : memref<128xi32, #tpu.memory_space<vmem>>) semaphore(%arg22 : memref<!tpu.dma_semaphore, #tpu.memory_space<semaphore_mem>>)
    %dma_wait3A_31 = arith.constant 256 : i32
    %dma_wait3A_32 = tpu.memref_slice %arg21[%dma_wait3A_31] : memref<2048xf32, #tpu.memory_space<vmem>> -> memref<128xf32, #tpu.memory_space<vmem>>
    %dma_wait3A_33 = arith.constant 256 : i32
    %dma_wait3A_34 = tpu.memref_slice %arg20[%dma_wait3A_33] : memref<2048xi32, #tpu.memory_space<vmem>> -> memref<128xi32, #tpu.memory_space<vmem>>
    %dma_wait3A_35 = arith.constant 0 : i32
    %dma_wait3A_36 = tpu.memref_slice %arg2[%dma_wait3A_35] : memref<1048576xf32, #tpu.memory_space<hbm>> -> memref<1048576xf32, #tpu.memory_space<hbm>>
    tpu.wait_indirect_dma semaphore(%arg22 : memref<!tpu.dma_semaphore, #tpu.memory_space<semaphore_mem>>) src(%dma_wait3A_36 : memref<1048576xf32, #tpu.memory_space<hbm>>) dst(%dma_wait3A_32 : memref<128xf32, #tpu.memory_space<vmem>>)
    %dma_start3A_37 = arith.constant 384 : i32
    %dma_start3A_38 = tpu.memref_slice %arg21[%dma_start3A_37] : memref<2048xf32, #tpu.memory_space<vmem>> -> memref<128xf32, #tpu.memory_space<vmem>>
    %dma_start3A_39 = arith.constant 384 : i32
    %dma_start3A_40 = tpu.memref_slice %arg20[%dma_start3A_39] : memref<2048xi32, #tpu.memory_space<vmem>> -> memref<128xi32, #tpu.memory_space<vmem>>
    %dma_start3A_41 = arith.constant 0 : i32
    %dma_start3A_42 = tpu.memref_slice %arg2[%dma_start3A_41] : memref<1048576xf32, #tpu.memory_space<hbm>> -> memref<1048576xf32, #tpu.memory_space<hbm>>
    tpu.enqueue_indirect_dma source(%dma_start3A_42 : memref<1048576xf32, #tpu.memory_space<hbm>>) target(%dma_start3A_38 : memref<128xf32, #tpu.memory_space<vmem>>) offsets(%dma_start3A_40 : memref<128xi32, #tpu.memory_space<vmem>>) semaphore(%arg22 : memref<!tpu.dma_semaphore, #tpu.memory_space<semaphore_mem>>)
    %dma_wait3A_43 = arith.constant 384 : i32
    %dma_wait3A_44 = tpu.memref_slice %arg21[%dma_wait3A_43] : memref<2048xf32, #tpu.memory_space<vmem>> -> memref<128xf32, #tpu.memory_space<vmem>>
    %dma_wait3A_45 = arith.constant 384 : i32
    %dma_wait3A_46 = tpu.memref_slice %arg20[%dma_wait3A_45] : memref<2048xi32, #tpu.memory_space<vmem>> -> memref<128xi32, #tpu.memory_space<vmem>>
    %dma_wait3A_47 = arith.constant 0 : i32
    %dma_wait3A_48 = tpu.memref_slice %arg2[%dma_wait3A_47] : memref<1048576xf32, #tpu.memory_space<hbm>> -> memref<1048576xf32, #tpu.memory_space<hbm>>
    tpu.wait_indirect_dma semaphore(%arg22 : memref<!tpu.dma_semaphore, #tpu.memory_space<semaphore_mem>>) src(%dma_wait3A_48 : memref<1048576xf32, #tpu.memory_space<hbm>>) dst(%dma_wait3A_44 : memref<128xf32, #tpu.memory_space<vmem>>)
    %dma_start3A_49 = arith.constant 512 : i32
    %dma_start3A_50 = tpu.memref_slice %arg21[%dma_start3A_49] : memref<2048xf32, #tpu.memory_space<vmem>> -> memref<128xf32, #tpu.memory_space<vmem>>
    %dma_start3A_51 = arith.constant 512 : i32
    %dma_start3A_52 = tpu.memref_slice %arg20[%dma_start3A_51] : memref<2048xi32, #tpu.memory_space<vmem>> -> memref<128xi32, #tpu.memory_space<vmem>>
    %dma_start3A_53 = arith.constant 0 : i32
    %dma_start3A_54 = tpu.memref_slice %arg2[%dma_start3A_53] : memref<1048576xf32, #tpu.memory_space<hbm>> -> memref<1048576xf32, #tpu.memory_space<hbm>>
    tpu.enqueue_indirect_dma source(%dma_start3A_54 : memref<1048576xf32, #tpu.memory_space<hbm>>) target(%dma_start3A_50 : memref<128xf32, #tpu.memory_space<vmem>>) offsets(%dma_start3A_52 : memref<128xi32, #tpu.memory_space<vmem>>) semaphore(%arg22 : memref<!tpu.dma_semaphore, #tpu.memory_space<semaphore_mem>>)
    %dma_wait3A_55 = arith.constant 512 : i32
    %dma_wait3A_56 = tpu.memref_slice %arg21[%dma_wait3A_55] : memref<2048xf32, #tpu.memory_space<vmem>> -> memref<128xf32, #tpu.memory_space<vmem>>
    %dma_wait3A_57 = arith.constant 512 : i32
    %dma_wait3A_58 = tpu.memref_slice %arg20[%dma_wait3A_57] : memref<2048xi32, #tpu.memory_space<vmem>> -> memref<128xi32, #tpu.memory_space<vmem>>
    %dma_wait3A_59 = arith.constant 0 : i32
    %dma_wait3A_60 = tpu.memref_slice %arg2[%dma_wait3A_59] : memref<1048576xf32, #tpu.memory_space<hbm>> -> memref<1048576xf32, #tpu.memory_space<hbm>>
    tpu.wait_indirect_dma semaphore(%arg22 : memref<!tpu.dma_semaphore, #tpu.memory_space<semaphore_mem>>) src(%dma_wait3A_60 : memref<1048576xf32, #tpu.memory_space<hbm>>) dst(%dma_wait3A_56 : memref<128xf32, #tpu.memory_space<vmem>>)
    "tpu.region"() ({
      %run_scoped3A = tpu.sem_alloc : memref<!tpu.dma_semaphore, #tpu.memory_space<semaphore_mem>>
      %dma_start3A_455 = arith.constant 0 : i32
      %dma_start3A_456 = tpu.memref_slice %arg21[%dma_start3A_455] : memref<2048xf32, #tpu.memory_space<vmem>> -> memref<640xf32, #tpu.memory_space<vmem>>
      %dma_start3A_457 = tpu.memref_slice %arg14[%mul3A_2] : memref<20480xf32, #tpu.memory_space<hbm>> -> memref<640xf32, #tpu.memory_space<hbm>>
      %dma_start3A_458 = tpu.memref_slice %arg14[%mul3A_2] : memref<20480xf32, #tpu.memory_space<hbm>> -> memref<640xf32, #tpu.memory_space<hbm>>
      %dma_start3A_459 = arith.constant 0 : i32
      %dma_start3A_460 = tpu.memref_slice %arg21[%dma_start3A_459] : memref<2048xf32, #tpu.memory_space<vmem>> -> memref<640xf32, #tpu.memory_space<vmem>>
      tpu.enqueue_dma source(%dma_start3A_460 : memref<640xf32, #tpu.memory_space<vmem>>) target(%dma_start3A_458 : memref<640xf32, #tpu.memory_space<hbm>>) target_semaphore(%run_scoped3A : memref<!tpu.dma_semaphore, #tpu.memory_space<semaphore_mem>>)
      %dma_wait3A_461 = arith.constant 0 : i32
      %dma_wait3A_462 = tpu.memref_slice %arg21[%dma_wait3A_461] : memref<2048xf32, #tpu.memory_space<vmem>> -> memref<640xf32, #tpu.memory_space<vmem>>
      %dma_wait3A_463 = tpu.memref_slice %arg14[%mul3A_2] : memref<20480xf32, #tpu.memory_space<hbm>> -> memref<640xf32, #tpu.memory_space<hbm>>
      %dma_wait3A_464 = tpu.memref_slice %arg14[%mul3A_2] : memref<20480xf32, #tpu.memory_space<hbm>> -> memref<640xf32, #tpu.memory_space<hbm>>
      %dma_wait3A_465 = arith.constant 0 : i32
      %dma_wait3A_466 = tpu.memref_slice %arg21[%dma_wait3A_465] : memref<2048xf32, #tpu.memory_space<vmem>> -> memref<640xf32, #tpu.memory_space<vmem>>
      tpu.wait_dma2 semaphore(%run_scoped3A : memref<!tpu.dma_semaphore, #tpu.memory_space<semaphore_mem>>) src(%dma_wait3A_466 : memref<640xf32, #tpu.memory_space<vmem>>) dst(%dma_wait3A_464 : memref<640xf32, #tpu.memory_space<hbm>>)
      tpu.yield
    }) : () -> ()
    %mul3A_61 = arith.constant 512 : i32
    %mul3A_62 = arith.muli %add3A, %mul3A_61 : i32
    "tpu.region"() ({
      %run_scoped3A = tpu.sem_alloc : memref<!tpu.dma_semaphore, #tpu.memory_space<semaphore_mem>>
      %dma_start3A_455 = arith.constant 0 : i32
      %dma_start3A_456 = tpu.memref_slice %arg20[%dma_start3A_455] : memref<2048xi32, #tpu.memory_space<vmem>> -> memref<512xi32, #tpu.memory_space<vmem>>
      %dma_start3A_457 = tpu.memref_slice %arg9[%mul3A_62] : memref<16384xi32, #tpu.memory_space<hbm>> -> memref<512xi32, #tpu.memory_space<hbm>>
      %dma_start3A_458 = arith.constant 0 : i32
      %dma_start3A_459 = tpu.memref_slice %arg20[%dma_start3A_458] : memref<2048xi32, #tpu.memory_space<vmem>> -> memref<512xi32, #tpu.memory_space<vmem>>
      %dma_start3A_460 = tpu.memref_slice %arg9[%mul3A_62] : memref<16384xi32, #tpu.memory_space<hbm>> -> memref<512xi32, #tpu.memory_space<hbm>>
      tpu.enqueue_dma source(%dma_start3A_460 : memref<512xi32, #tpu.memory_space<hbm>>) target(%dma_start3A_459 : memref<512xi32, #tpu.memory_space<vmem>>) target_semaphore(%run_scoped3A : memref<!tpu.dma_semaphore, #tpu.memory_space<semaphore_mem>>)
      %dma_wait3A_461 = arith.constant 0 : i32
      %dma_wait3A_462 = tpu.memref_slice %arg20[%dma_wait3A_461] : memref<2048xi32, #tpu.memory_space<vmem>> -> memref<512xi32, #tpu.memory_space<vmem>>
      %dma_wait3A_463 = tpu.memref_slice %arg9[%mul3A_62] : memref<16384xi32, #tpu.memory_space<hbm>> -> memref<512xi32, #tpu.memory_space<hbm>>
      %dma_wait3A_464 = arith.constant 0 : i32
      %dma_wait3A_465 = tpu.memref_slice %arg20[%dma_wait3A_464] : memref<2048xi32, #tpu.memory_space<vmem>> -> memref<512xi32, #tpu.memory_space<vmem>>
      %dma_wait3A_466 = tpu.memref_slice %arg9[%mul3A_62] : memref<16384xi32, #tpu.memory_space<hbm>> -> memref<512xi32, #tpu.memory_space<hbm>>
      tpu.wait_dma2 semaphore(%run_scoped3A : memref<!tpu.dma_semaphore, #tpu.memory_space<semaphore_mem>>) src(%dma_wait3A_466 : memref<512xi32, #tpu.memory_space<hbm>>) dst(%dma_wait3A_465 : memref<512xi32, #tpu.memory_space<vmem>>)
      tpu.yield
    }) : () -> ()
    %dma_start3A_63 = arith.constant 0 : i32
    %dma_start3A_64 = tpu.memref_slice %arg21[%dma_start3A_63] : memref<2048xf32, #tpu.memory_space<vmem>> -> memref<128xf32, #tpu.memory_space<vmem>>
    %dma_start3A_65 = arith.constant 0 : i32
    %dma_start3A_66 = tpu.memref_slice %arg20[%dma_start3A_65] : memref<2048xi32, #tpu.memory_space<vmem>> -> memref<128xi32, #tpu.memory_space<vmem>>
    %dma_start3A_67 = arith.constant 0 : i32
    %dma_start3A_68 = tpu.memref_slice %arg3[%dma_start3A_67] : memref<4194304xf32, #tpu.memory_space<hbm>> -> memref<4194304xf32, #tpu.memory_space<hbm>>
    tpu.enqueue_indirect_dma source(%dma_start3A_68 : memref<4194304xf32, #tpu.memory_space<hbm>>) target(%dma_start3A_64 : memref<128xf32, #tpu.memory_space<vmem>>) offsets(%dma_start3A_66 : memref<128xi32, #tpu.memory_space<vmem>>) semaphore(%arg22 : memref<!tpu.dma_semaphore, #tpu.memory_space<semaphore_mem>>)
    %dma_wait3A_69 = arith.constant 0 : i32
    %dma_wait3A_70 = tpu.memref_slice %arg21[%dma_wait3A_69] : memref<2048xf32, #tpu.memory_space<vmem>> -> memref<128xf32, #tpu.memory_space<vmem>>
    %dma_wait3A_71 = arith.constant 0 : i32
    %dma_wait3A_72 = tpu.memref_slice %arg20[%dma_wait3A_71] : memref<2048xi32, #tpu.memory_space<vmem>> -> memref<128xi32, #tpu.memory_space<vmem>>
    %dma_wait3A_73 = arith.constant 0 : i32
    %dma_wait3A_74 = tpu.memref_slice %arg3[%dma_wait3A_73] : memref<4194304xf32, #tpu.memory_space<hbm>> -> memref<4194304xf32, #tpu.memory_space<hbm>>
    tpu.wait_indirect_dma semaphore(%arg22 : memref<!tpu.dma_semaphore, #tpu.memory_space<semaphore_mem>>) src(%dma_wait3A_74 : memref<4194304xf32, #tpu.memory_space<hbm>>) dst(%dma_wait3A_70 : memref<128xf32, #tpu.memory_space<vmem>>)
    %dma_start3A_75 = arith.constant 128 : i32
    %dma_start3A_76 = tpu.memref_slice %arg21[%dma_start3A_75] : memref<2048xf32, #tpu.memory_space<vmem>> -> memref<128xf32, #tpu.memory_space<vmem>>
    %dma_start3A_77 = arith.constant 128 : i32
    %dma_start3A_78 = tpu.memref_slice %arg20[%dma_start3A_77] : memref<2048xi32, #tpu.memory_space<vmem>> -> memref<128xi32, #tpu.memory_space<vmem>>
    %dma_start3A_79 = arith.constant 0 : i32
    %dma_start3A_80 = tpu.memref_slice %arg3[%dma_start3A_79] : memref<4194304xf32, #tpu.memory_space<hbm>> -> memref<4194304xf32, #tpu.memory_space<hbm>>
    tpu.enqueue_indirect_dma source(%dma_start3A_80 : memref<4194304xf32, #tpu.memory_space<hbm>>) target(%dma_start3A_76 : memref<128xf32, #tpu.memory_space<vmem>>) offsets(%dma_start3A_78 : memref<128xi32, #tpu.memory_space<vmem>>) semaphore(%arg22 : memref<!tpu.dma_semaphore, #tpu.memory_space<semaphore_mem>>)
    %dma_wait3A_81 = arith.constant 128 : i32
    %dma_wait3A_82 = tpu.memref_slice %arg21[%dma_wait3A_81] : memref<2048xf32, #tpu.memory_space<vmem>> -> memref<128xf32, #tpu.memory_space<vmem>>
    %dma_wait3A_83 = arith.constant 128 : i32
    %dma_wait3A_84 = tpu.memref_slice %arg20[%dma_wait3A_83] : memref<2048xi32, #tpu.memory_space<vmem>> -> memref<128xi32, #tpu.memory_space<vmem>>
    %dma_wait3A_85 = arith.constant 0 : i32
    %dma_wait3A_86 = tpu.memref_slice %arg3[%dma_wait3A_85] : memref<4194304xf32, #tpu.memory_space<hbm>> -> memref<4194304xf32, #tpu.memory_space<hbm>>
    tpu.wait_indirect_dma semaphore(%arg22 : memref<!tpu.dma_semaphore, #tpu.memory_space<semaphore_mem>>) src(%dma_wait3A_86 : memref<4194304xf32, #tpu.memory_space<hbm>>) dst(%dma_wait3A_82 : memref<128xf32, #tpu.memory_space<vmem>>)
    %dma_start3A_87 = arith.constant 256 : i32
    %dma_start3A_88 = tpu.memref_slice %arg21[%dma_start3A_87] : memref<2048xf32, #tpu.memory_space<vmem>> -> memref<128xf32, #tpu.memory_space<vmem>>
    %dma_start3A_89 = arith.constant 256 : i32
    %dma_start3A_90 = tpu.memref_slice %arg20[%dma_start3A_89] : memref<2048xi32, #tpu.memory_space<vmem>> -> memref<128xi32, #tpu.memory_space<vmem>>
    %dma_start3A_91 = arith.constant 0 : i32
    %dma_start3A_92 = tpu.memref_slice %arg3[%dma_start3A_91] : memref<4194304xf32, #tpu.memory_space<hbm>> -> memref<4194304xf32, #tpu.memory_space<hbm>>
    tpu.enqueue_indirect_dma source(%dma_start3A_92 : memref<4194304xf32, #tpu.memory_space<hbm>>) target(%dma_start3A_88 : memref<128xf32, #tpu.memory_space<vmem>>) offsets(%dma_start3A_90 : memref<128xi32, #tpu.memory_space<vmem>>) semaphore(%arg22 : memref<!tpu.dma_semaphore, #tpu.memory_space<semaphore_mem>>)
    %dma_wait3A_93 = arith.constant 256 : i32
    %dma_wait3A_94 = tpu.memref_slice %arg21[%dma_wait3A_93] : memref<2048xf32, #tpu.memory_space<vmem>> -> memref<128xf32, #tpu.memory_space<vmem>>
    %dma_wait3A_95 = arith.constant 256 : i32
    %dma_wait3A_96 = tpu.memref_slice %arg20[%dma_wait3A_95] : memref<2048xi32, #tpu.memory_space<vmem>> -> memref<128xi32, #tpu.memory_space<vmem>>
    %dma_wait3A_97 = arith.constant 0 : i32
    %dma_wait3A_98 = tpu.memref_slice %arg3[%dma_wait3A_97] : memref<4194304xf32, #tpu.memory_space<hbm>> -> memref<4194304xf32, #tpu.memory_space<hbm>>
    tpu.wait_indirect_dma semaphore(%arg22 : memref<!tpu.dma_semaphore, #tpu.memory_space<semaphore_mem>>) src(%dma_wait3A_98 : memref<4194304xf32, #tpu.memory_space<hbm>>) dst(%dma_wait3A_94 : memref<128xf32, #tpu.memory_space<vmem>>)
    %dma_start3A_99 = arith.constant 384 : i32
    %dma_start3A_100 = tpu.memref_slice %arg21[%dma_start3A_99] : memref<2048xf32, #tpu.memory_space<vmem>> -> memref<128xf32, #tpu.memory_space<vmem>>
    %dma_start3A_101 = arith.constant 384 : i32
    %dma_start3A_102 = tpu.memref_slice %arg20[%dma_start3A_101] : memref<2048xi32, #tpu.memory_space<vmem>> -> memref<128xi32, #tpu.memory_space<vmem>>
    %dma_start3A_103 = arith.constant 0 : i32
    %dma_start3A_104 = tpu.memref_slice %arg3[%dma_start3A_103] : memref<4194304xf32, #tpu.memory_space<hbm>> -> memref<4194304xf32, #tpu.memory_space<hbm>>
    tpu.enqueue_indirect_dma source(%dma_start3A_104 : memref<4194304xf32, #tpu.memory_space<hbm>>) target(%dma_start3A_100 : memref<128xf32, #tpu.memory_space<vmem>>) offsets(%dma_start3A_102 : memref<128xi32, #tpu.memory_space<vmem>>) semaphore(%arg22 : memref<!tpu.dma_semaphore, #tpu.memory_space<semaphore_mem>>)
    %dma_wait3A_105 = arith.constant 384 : i32
    %dma_wait3A_106 = tpu.memref_slice %arg21[%dma_wait3A_105] : memref<2048xf32, #tpu.memory_space<vmem>> -> memref<128xf32, #tpu.memory_space<vmem>>
    %dma_wait3A_107 = arith.constant 384 : i32
    %dma_wait3A_108 = tpu.memref_slice %arg20[%dma_wait3A_107] : memref<2048xi32, #tpu.memory_space<vmem>> -> memref<128xi32, #tpu.memory_space<vmem>>
    %dma_wait3A_109 = arith.constant 0 : i32
    %dma_wait3A_110 = tpu.memref_slice %arg3[%dma_wait3A_109] : memref<4194304xf32, #tpu.memory_space<hbm>> -> memref<4194304xf32, #tpu.memory_space<hbm>>
    tpu.wait_indirect_dma semaphore(%arg22 : memref<!tpu.dma_semaphore, #tpu.memory_space<semaphore_mem>>) src(%dma_wait3A_110 : memref<4194304xf32, #tpu.memory_space<hbm>>) dst(%dma_wait3A_106 : memref<128xf32, #tpu.memory_space<vmem>>)
    "tpu.region"() ({
      %run_scoped3A = tpu.sem_alloc : memref<!tpu.dma_semaphore, #tpu.memory_space<semaphore_mem>>
      %dma_start3A_455 = arith.constant 0 : i32
      %dma_start3A_456 = tpu.memref_slice %arg21[%dma_start3A_455] : memref<2048xf32, #tpu.memory_space<vmem>> -> memref<512xf32, #tpu.memory_space<vmem>>
      %dma_start3A_457 = tpu.memref_slice %arg15[%mul3A_62] : memref<16384xf32, #tpu.memory_space<hbm>> -> memref<512xf32, #tpu.memory_space<hbm>>
      %dma_start3A_458 = tpu.memref_slice %arg15[%mul3A_62] : memref<16384xf32, #tpu.memory_space<hbm>> -> memref<512xf32, #tpu.memory_space<hbm>>
      %dma_start3A_459 = arith.constant 0 : i32
      %dma_start3A_460 = tpu.memref_slice %arg21[%dma_start3A_459] : memref<2048xf32, #tpu.memory_space<vmem>> -> memref<512xf32, #tpu.memory_space<vmem>>
      tpu.enqueue_dma source(%dma_start3A_460 : memref<512xf32, #tpu.memory_space<vmem>>) target(%dma_start3A_458 : memref<512xf32, #tpu.memory_space<hbm>>) target_semaphore(%run_scoped3A : memref<!tpu.dma_semaphore, #tpu.memory_space<semaphore_mem>>)
      %dma_wait3A_461 = arith.constant 0 : i32
      %dma_wait3A_462 = tpu.memref_slice %arg21[%dma_wait3A_461] : memref<2048xf32, #tpu.memory_space<vmem>> -> memref<512xf32, #tpu.memory_space<vmem>>
      %dma_wait3A_463 = tpu.memref_slice %arg15[%mul3A_62] : memref<16384xf32, #tpu.memory_space<hbm>> -> memref<512xf32, #tpu.memory_space<hbm>>
      %dma_wait3A_464 = tpu.memref_slice %arg15[%mul3A_62] : memref<16384xf32, #tpu.memory_space<hbm>> -> memref<512xf32, #tpu.memory_space<hbm>>
      %dma_wait3A_465 = arith.constant 0 : i32
      %dma_wait3A_466 = tpu.memref_slice %arg21[%dma_wait3A_465] : memref<2048xf32, #tpu.memory_space<vmem>> -> memref<512xf32, #tpu.memory_space<vmem>>
      tpu.wait_dma2 semaphore(%run_scoped3A : memref<!tpu.dma_semaphore, #tpu.memory_space<semaphore_mem>>) src(%dma_wait3A_466 : memref<512xf32, #tpu.memory_space<vmem>>) dst(%dma_wait3A_464 : memref<512xf32, #tpu.memory_space<hbm>>)
      tpu.yield
    }) : () -> ()
    %mul3A_111 = arith.constant 2048 : i32
    %mul3A_112 = arith.muli %add3A, %mul3A_111 : i32
    "tpu.region"() ({
      %run_scoped3A = tpu.sem_alloc : memref<!tpu.dma_semaphore, #tpu.memory_space<semaphore_mem>>
      %dma_start3A_455 = arith.constant 0 : i32
      %dma_start3A_456 = tpu.memref_slice %arg20[%dma_start3A_455] : memref<2048xi32, #tpu.memory_space<vmem>> -> memref<2048xi32, #tpu.memory_space<vmem>>
      %dma_start3A_457 = tpu.memref_slice %arg10[%mul3A_112] : memref<65536xi32, #tpu.memory_space<hbm>> -> memref<2048xi32, #tpu.memory_space<hbm>>
      %dma_start3A_458 = arith.constant 0 : i32
      %dma_start3A_459 = tpu.memref_slice %arg20[%dma_start3A_458] : memref<2048xi32, #tpu.memory_space<vmem>> -> memref<2048xi32, #tpu.memory_space<vmem>>
      %dma_start3A_460 = tpu.memref_slice %arg10[%mul3A_112] : memref<65536xi32, #tpu.memory_space<hbm>> -> memref<2048xi32, #tpu.memory_space<hbm>>
      tpu.enqueue_dma source(%dma_start3A_460 : memref<2048xi32, #tpu.memory_space<hbm>>) target(%dma_start3A_459 : memref<2048xi32, #tpu.memory_space<vmem>>) target_semaphore(%run_scoped3A : memref<!tpu.dma_semaphore, #tpu.memory_space<semaphore_mem>>)
      %dma_wait3A_461 = arith.constant 0 : i32
      %dma_wait3A_462 = tpu.memref_slice %arg20[%dma_wait3A_461] : memref<2048xi32, #tpu.memory_space<vmem>> -> memref<2048xi32, #tpu.memory_space<vmem>>
      %dma_wait3A_463 = tpu.memref_slice %arg10[%mul3A_112] : memref<65536xi32, #tpu.memory_space<hbm>> -> memref<2048xi32, #tpu.memory_space<hbm>>
      %dma_wait3A_464 = arith.constant 0 : i32
      %dma_wait3A_465 = tpu.memref_slice %arg20[%dma_wait3A_464] : memref<2048xi32, #tpu.memory_space<vmem>> -> memref<2048xi32, #tpu.memory_space<vmem>>
      %dma_wait3A_466 = tpu.memref_slice %arg10[%mul3A_112] : memref<65536xi32, #tpu.memory_space<hbm>> -> memref<2048xi32, #tpu.memory_space<hbm>>
      tpu.wait_dma2 semaphore(%run_scoped3A : memref<!tpu.dma_semaphore, #tpu.memory_space<semaphore_mem>>) src(%dma_wait3A_466 : memref<2048xi32, #tpu.memory_space<hbm>>) dst(%dma_wait3A_465 : memref<2048xi32, #tpu.memory_space<vmem>>)
      tpu.yield
    }) : () -> ()
    %dma_start3A_113 = arith.constant 0 : i32
    %dma_start3A_114 = tpu.memref_slice %arg21[%dma_start3A_113] : memref<2048xf32, #tpu.memory_space<vmem>> -> memref<128xf32, #tpu.memory_space<vmem>>
    %dma_start3A_115 = arith.constant 0 : i32
    %dma_start3A_116 = tpu.memref_slice %arg20[%dma_start3A_115] : memref<2048xi32, #tpu.memory_space<vmem>> -> memref<128xi32, #tpu.memory_space<vmem>>
    %dma_start3A_117 = arith.constant 0 : i32
    %dma_start3A_118 = tpu.memref_slice %arg4[%dma_start3A_117] : memref<4194304xf32, #tpu.memory_space<hbm>> -> memref<4194304xf32, #tpu.memory_space<hbm>>
    tpu.enqueue_indirect_dma source(%dma_start3A_118 : memref<4194304xf32, #tpu.memory_space<hbm>>) target(%dma_start3A_114 : memref<128xf32, #tpu.memory_space<vmem>>) offsets(%dma_start3A_116 : memref<128xi32, #tpu.memory_space<vmem>>) semaphore(%arg22 : memref<!tpu.dma_semaphore, #tpu.memory_space<semaphore_mem>>)
    %dma_wait3A_119 = arith.constant 0 : i32
    %dma_wait3A_120 = tpu.memref_slice %arg21[%dma_wait3A_119] : memref<2048xf32, #tpu.memory_space<vmem>> -> memref<128xf32, #tpu.memory_space<vmem>>
    %dma_wait3A_121 = arith.constant 0 : i32
    %dma_wait3A_122 = tpu.memref_slice %arg20[%dma_wait3A_121] : memref<2048xi32, #tpu.memory_space<vmem>> -> memref<128xi32, #tpu.memory_space<vmem>>
    %dma_wait3A_123 = arith.constant 0 : i32
    %dma_wait3A_124 = tpu.memref_slice %arg4[%dma_wait3A_123] : memref<4194304xf32, #tpu.memory_space<hbm>> -> memref<4194304xf32, #tpu.memory_space<hbm>>
    tpu.wait_indirect_dma semaphore(%arg22 : memref<!tpu.dma_semaphore, #tpu.memory_space<semaphore_mem>>) src(%dma_wait3A_124 : memref<4194304xf32, #tpu.memory_space<hbm>>) dst(%dma_wait3A_120 : memref<128xf32, #tpu.memory_space<vmem>>)
    %dma_start3A_125 = arith.constant 128 : i32
    %dma_start3A_126 = tpu.memref_slice %arg21[%dma_start3A_125] : memref<2048xf32, #tpu.memory_space<vmem>> -> memref<128xf32, #tpu.memory_space<vmem>>
    %dma_start3A_127 = arith.constant 128 : i32
    %dma_start3A_128 = tpu.memref_slice %arg20[%dma_start3A_127] : memref<2048xi32, #tpu.memory_space<vmem>> -> memref<128xi32, #tpu.memory_space<vmem>>
    %dma_start3A_129 = arith.constant 0 : i32
    %dma_start3A_130 = tpu.memref_slice %arg4[%dma_start3A_129] : memref<4194304xf32, #tpu.memory_space<hbm>> -> memref<4194304xf32, #tpu.memory_space<hbm>>
    tpu.enqueue_indirect_dma source(%dma_start3A_130 : memref<4194304xf32, #tpu.memory_space<hbm>>) target(%dma_start3A_126 : memref<128xf32, #tpu.memory_space<vmem>>) offsets(%dma_start3A_128 : memref<128xi32, #tpu.memory_space<vmem>>) semaphore(%arg22 : memref<!tpu.dma_semaphore, #tpu.memory_space<semaphore_mem>>)
    %dma_wait3A_131 = arith.constant 128 : i32
    %dma_wait3A_132 = tpu.memref_slice %arg21[%dma_wait3A_131] : memref<2048xf32, #tpu.memory_space<vmem>> -> memref<128xf32, #tpu.memory_space<vmem>>
    %dma_wait3A_133 = arith.constant 128 : i32
    %dma_wait3A_134 = tpu.memref_slice %arg20[%dma_wait3A_133] : memref<2048xi32, #tpu.memory_space<vmem>> -> memref<128xi32, #tpu.memory_space<vmem>>
    %dma_wait3A_135 = arith.constant 0 : i32
    %dma_wait3A_136 = tpu.memref_slice %arg4[%dma_wait3A_135] : memref<4194304xf32, #tpu.memory_space<hbm>> -> memref<4194304xf32, #tpu.memory_space<hbm>>
    tpu.wait_indirect_dma semaphore(%arg22 : memref<!tpu.dma_semaphore, #tpu.memory_space<semaphore_mem>>) src(%dma_wait3A_136 : memref<4194304xf32, #tpu.memory_space<hbm>>) dst(%dma_wait3A_132 : memref<128xf32, #tpu.memory_space<vmem>>)
    %dma_start3A_137 = arith.constant 256 : i32
    %dma_start3A_138 = tpu.memref_slice %arg21[%dma_start3A_137] : memref<2048xf32, #tpu.memory_space<vmem>> -> memref<128xf32, #tpu.memory_space<vmem>>
    %dma_start3A_139 = arith.constant 256 : i32
    %dma_start3A_140 = tpu.memref_slice %arg20[%dma_start3A_139] : memref<2048xi32, #tpu.memory_space<vmem>> -> memref<128xi32, #tpu.memory_space<vmem>>
    %dma_start3A_141 = arith.constant 0 : i32
    %dma_start3A_142 = tpu.memref_slice %arg4[%dma_start3A_141] : memref<4194304xf32, #tpu.memory_space<hbm>> -> memref<4194304xf32, #tpu.memory_space<hbm>>
    tpu.enqueue_indirect_dma source(%dma_start3A_142 : memref<4194304xf32, #tpu.memory_space<hbm>>) target(%dma_start3A_138 : memref<128xf32, #tpu.memory_space<vmem>>) offsets(%dma_start3A_140 : memref<128xi32, #tpu.memory_space<vmem>>) semaphore(%arg22 : memref<!tpu.dma_semaphore, #tpu.memory_space<semaphore_mem>>)
    %dma_wait3A_143 = arith.constant 256 : i32
    %dma_wait3A_144 = tpu.memref_slice %arg21[%dma_wait3A_143] : memref<2048xf32, #tpu.memory_space<vmem>> -> memref<128xf32, #tpu.memory_space<vmem>>
    %dma_wait3A_145 = arith.constant 256 : i32
    %dma_wait3A_146 = tpu.memref_slice %arg20[%dma_wait3A_145] : memref<2048xi32, #tpu.memory_space<vmem>> -> memref<128xi32, #tpu.memory_space<vmem>>
    %dma_wait3A_147 = arith.constant 0 : i32
    %dma_wait3A_148 = tpu.memref_slice %arg4[%dma_wait3A_147] : memref<4194304xf32, #tpu.memory_space<hbm>> -> memref<4194304xf32, #tpu.memory_space<hbm>>
    tpu.wait_indirect_dma semaphore(%arg22 : memref<!tpu.dma_semaphore, #tpu.memory_space<semaphore_mem>>) src(%dma_wait3A_148 : memref<4194304xf32, #tpu.memory_space<hbm>>) dst(%dma_wait3A_144 : memref<128xf32, #tpu.memory_space<vmem>>)
    %dma_start3A_149 = arith.constant 384 : i32
    %dma_start3A_150 = tpu.memref_slice %arg21[%dma_start3A_149] : memref<2048xf32, #tpu.memory_space<vmem>> -> memref<128xf32, #tpu.memory_space<vmem>>
    %dma_start3A_151 = arith.constant 384 : i32
    %dma_start3A_152 = tpu.memref_slice %arg20[%dma_start3A_151] : memref<2048xi32, #tpu.memory_space<vmem>> -> memref<128xi32, #tpu.memory_space<vmem>>
    %dma_start3A_153 = arith.constant 0 : i32
    %dma_start3A_154 = tpu.memref_slice %arg4[%dma_start3A_153] : memref<4194304xf32, #tpu.memory_space<hbm>> -> memref<4194304xf32, #tpu.memory_space<hbm>>
    tpu.enqueue_indirect_dma source(%dma_start3A_154 : memref<4194304xf32, #tpu.memory_space<hbm>>) target(%dma_start3A_150 : memref<128xf32, #tpu.memory_space<vmem>>) offsets(%dma_start3A_152 : memref<128xi32, #tpu.memory_space<vmem>>) semaphore(%arg22 : memref<!tpu.dma_semaphore, #tpu.memory_space<semaphore_mem>>)
    %dma_wait3A_155 = arith.constant 384 : i32
    %dma_wait3A_156 = tpu.memref_slice %arg21[%dma_wait3A_155] : memref<2048xf32, #tpu.memory_space<vmem>> -> memref<128xf32, #tpu.memory_space<vmem>>
    %dma_wait3A_157 = arith.constant 384 : i32
    %dma_wait3A_158 = tpu.memref_slice %arg20[%dma_wait3A_157] : memref<2048xi32, #tpu.memory_space<vmem>> -> memref<128xi32, #tpu.memory_space<vmem>>
    %dma_wait3A_159 = arith.constant 0 : i32
    %dma_wait3A_160 = tpu.memref_slice %arg4[%dma_wait3A_159] : memref<4194304xf32, #tpu.memory_space<hbm>> -> memref<4194304xf32, #tpu.memory_space<hbm>>
    tpu.wait_indirect_dma semaphore(%arg22 : memref<!tpu.dma_semaphore, #tpu.memory_space<semaphore_mem>>) src(%dma_wait3A_160 : memref<4194304xf32, #tpu.memory_space<hbm>>) dst(%dma_wait3A_156 : memref<128xf32, #tpu.memory_space<vmem>>)
    %dma_start3A_161 = arith.constant 512 : i32
    %dma_start3A_162 = tpu.memref_slice %arg21[%dma_start3A_161] : memref<2048xf32, #tpu.memory_space<vmem>> -> memref<128xf32, #tpu.memory_space<vmem>>
    %dma_start3A_163 = arith.constant 512 : i32
    %dma_start3A_164 = tpu.memref_slice %arg20[%dma_start3A_163] : memref<2048xi32, #tpu.memory_space<vmem>> -> memref<128xi32, #tpu.memory_space<vmem>>
    %dma_start3A_165 = arith.constant 0 : i32
    %dma_start3A_166 = tpu.memref_slice %arg4[%dma_start3A_165] : memref<4194304xf32, #tpu.memory_space<hbm>> -> memref<4194304xf32, #tpu.memory_space<hbm>>
    tpu.enqueue_indirect_dma source(%dma_start3A_166 : memref<4194304xf32, #tpu.memory_space<hbm>>) target(%dma_start3A_162 : memref<128xf32, #tpu.memory_space<vmem>>) offsets(%dma_start3A_164 : memref<128xi32, #tpu.memory_space<vmem>>) semaphore(%arg22 : memref<!tpu.dma_semaphore, #tpu.memory_space<semaphore_mem>>)
    %dma_wait3A_167 = arith.constant 512 : i32
    %dma_wait3A_168 = tpu.memref_slice %arg21[%dma_wait3A_167] : memref<2048xf32, #tpu.memory_space<vmem>> -> memref<128xf32, #tpu.memory_space<vmem>>
    %dma_wait3A_169 = arith.constant 512 : i32
    %dma_wait3A_170 = tpu.memref_slice %arg20[%dma_wait3A_169] : memref<2048xi32, #tpu.memory_space<vmem>> -> memref<128xi32, #tpu.memory_space<vmem>>
    %dma_wait3A_171 = arith.constant 0 : i32
    %dma_wait3A_172 = tpu.memref_slice %arg4[%dma_wait3A_171] : memref<4194304xf32, #tpu.memory_space<hbm>> -> memref<4194304xf32, #tpu.memory_space<hbm>>
    tpu.wait_indirect_dma semaphore(%arg22 : memref<!tpu.dma_semaphore, #tpu.memory_space<semaphore_mem>>) src(%dma_wait3A_172 : memref<4194304xf32, #tpu.memory_space<hbm>>) dst(%dma_wait3A_168 : memref<128xf32, #tpu.memory_space<vmem>>)
    %dma_start3A_173 = arith.constant 640 : i32
    %dma_start3A_174 = tpu.memref_slice %arg21[%dma_start3A_173] : memref<2048xf32, #tpu.memory_space<vmem>> -> memref<128xf32, #tpu.memory_space<vmem>>
    %dma_start3A_175 = arith.constant 640 : i32
    %dma_start3A_176 = tpu.memref_slice %arg20[%dma_start3A_175] : memref<2048xi32, #tpu.memory_space<vmem>> -> memref<128xi32, #tpu.memory_space<vmem>>
    %dma_start3A_177 = arith.constant 0 : i32
    %dma_start3A_178 = tpu.memref_slice %arg4[%dma_start3A_177] : memref<4194304xf32, #tpu.memory_space<hbm>> -> memref<4194304xf32, #tpu.memory_space<hbm>>
    tpu.enqueue_indirect_dma source(%dma_start3A_178 : memref<4194304xf32, #tpu.memory_space<hbm>>) target(%dma_start3A_174 : memref<128xf32, #tpu.memory_space<vmem>>) offsets(%dma_start3A_176 : memref<128xi32, #tpu.memory_space<vmem>>) semaphore(%arg22 : memref<!tpu.dma_semaphore, #tpu.memory_space<semaphore_mem>>)
    %dma_wait3A_179 = arith.constant 640 : i32
    %dma_wait3A_180 = tpu.memref_slice %arg21[%dma_wait3A_179] : memref<2048xf32, #tpu.memory_space<vmem>> -> memref<128xf32, #tpu.memory_space<vmem>>
    %dma_wait3A_181 = arith.constant 640 : i32
    %dma_wait3A_182 = tpu.memref_slice %arg20[%dma_wait3A_181] : memref<2048xi32, #tpu.memory_space<vmem>> -> memref<128xi32, #tpu.memory_space<vmem>>
    %dma_wait3A_183 = arith.constant 0 : i32
    %dma_wait3A_184 = tpu.memref_slice %arg4[%dma_wait3A_183] : memref<4194304xf32, #tpu.memory_space<hbm>> -> memref<4194304xf32, #tpu.memory_space<hbm>>
    tpu.wait_indirect_dma semaphore(%arg22 : memref<!tpu.dma_semaphore, #tpu.memory_space<semaphore_mem>>) src(%dma_wait3A_184 : memref<4194304xf32, #tpu.memory_space<hbm>>) dst(%dma_wait3A_180 : memref<128xf32, #tpu.memory_space<vmem>>)
    %dma_start3A_185 = arith.constant 768 : i32
    %dma_start3A_186 = tpu.memref_slice %arg21[%dma_start3A_185] : memref<2048xf32, #tpu.memory_space<vmem>> -> memref<128xf32, #tpu.memory_space<vmem>>
    %dma_start3A_187 = arith.constant 768 : i32
    %dma_start3A_188 = tpu.memref_slice %arg20[%dma_start3A_187] : memref<2048xi32, #tpu.memory_space<vmem>> -> memref<128xi32, #tpu.memory_space<vmem>>
    %dma_start3A_189 = arith.constant 0 : i32
    %dma_start3A_190 = tpu.memref_slice %arg4[%dma_start3A_189] : memref<4194304xf32, #tpu.memory_space<hbm>> -> memref<4194304xf32, #tpu.memory_space<hbm>>
    tpu.enqueue_indirect_dma source(%dma_start3A_190 : memref<4194304xf32, #tpu.memory_space<hbm>>) target(%dma_start3A_186 : memref<128xf32, #tpu.memory_space<vmem>>) offsets(%dma_start3A_188 : memref<128xi32, #tpu.memory_space<vmem>>) semaphore(%arg22 : memref<!tpu.dma_semaphore, #tpu.memory_space<semaphore_mem>>)
    %dma_wait3A_191 = arith.constant 768 : i32
    %dma_wait3A_192 = tpu.memref_slice %arg21[%dma_wait3A_191] : memref<2048xf32, #tpu.memory_space<vmem>> -> memref<128xf32, #tpu.memory_space<vmem>>
    %dma_wait3A_193 = arith.constant 768 : i32
    %dma_wait3A_194 = tpu.memref_slice %arg20[%dma_wait3A_193] : memref<2048xi32, #tpu.memory_space<vmem>> -> memref<128xi32, #tpu.memory_space<vmem>>
    %dma_wait3A_195 = arith.constant 0 : i32
    %dma_wait3A_196 = tpu.memref_slice %arg4[%dma_wait3A_195] : memref<4194304xf32, #tpu.memory_space<hbm>> -> memref<4194304xf32, #tpu.memory_space<hbm>>
    tpu.wait_indirect_dma semaphore(%arg22 : memref<!tpu.dma_semaphore, #tpu.memory_space<semaphore_mem>>) src(%dma_wait3A_196 : memref<4194304xf32, #tpu.memory_space<hbm>>) dst(%dma_wait3A_192 : memref<128xf32, #tpu.memory_space<vmem>>)
    %dma_start3A_197 = arith.constant 896 : i32
    %dma_start3A_198 = tpu.memref_slice %arg21[%dma_start3A_197] : memref<2048xf32, #tpu.memory_space<vmem>> -> memref<128xf32, #tpu.memory_space<vmem>>
    %dma_start3A_199 = arith.constant 896 : i32
    %dma_start3A_200 = tpu.memref_slice %arg20[%dma_start3A_199] : memref<2048xi32, #tpu.memory_space<vmem>> -> memref<128xi32, #tpu.memory_space<vmem>>
    %dma_start3A_201 = arith.constant 0 : i32
    %dma_start3A_202 = tpu.memref_slice %arg4[%dma_start3A_201] : memref<4194304xf32, #tpu.memory_space<hbm>> -> memref<4194304xf32, #tpu.memory_space<hbm>>
    tpu.enqueue_indirect_dma source(%dma_start3A_202 : memref<4194304xf32, #tpu.memory_space<hbm>>) target(%dma_start3A_198 : memref<128xf32, #tpu.memory_space<vmem>>) offsets(%dma_start3A_200 : memref<128xi32, #tpu.memory_space<vmem>>) semaphore(%arg22 : memref<!tpu.dma_semaphore, #tpu.memory_space<semaphore_mem>>)
    %dma_wait3A_203 = arith.constant 896 : i32
    %dma_wait3A_204 = tpu.memref_slice %arg21[%dma_wait3A_203] : memref<2048xf32, #tpu.memory_space<vmem>> -> memref<128xf32, #tpu.memory_space<vmem>>
    %dma_wait3A_205 = arith.constant 896 : i32
    %dma_wait3A_206 = tpu.memref_slice %arg20[%dma_wait3A_205] : memref<2048xi32, #tpu.memory_space<vmem>> -> memref<128xi32, #tpu.memory_space<vmem>>
    %dma_wait3A_207 = arith.constant 0 : i32
    %dma_wait3A_208 = tpu.memref_slice %arg4[%dma_wait3A_207] : memref<4194304xf32, #tpu.memory_space<hbm>> -> memref<4194304xf32, #tpu.memory_space<hbm>>
    tpu.wait_indirect_dma semaphore(%arg22 : memref<!tpu.dma_semaphore, #tpu.memory_space<semaphore_mem>>) src(%dma_wait3A_208 : memref<4194304xf32, #tpu.memory_space<hbm>>) dst(%dma_wait3A_204 : memref<128xf32, #tpu.memory_space<vmem>>)
    %dma_start3A_209 = arith.constant 1024 : i32
    %dma_start3A_210 = tpu.memref_slice %arg21[%dma_start3A_209] : memref<2048xf32, #tpu.memory_space<vmem>> -> memref<128xf32, #tpu.memory_space<vmem>>
    %dma_start3A_211 = arith.constant 1024 : i32
    %dma_start3A_212 = tpu.memref_slice %arg20[%dma_start3A_211] : memref<2048xi32, #tpu.memory_space<vmem>> -> memref<128xi32, #tpu.memory_space<vmem>>
    %dma_start3A_213 = arith.constant 0 : i32
    %dma_start3A_214 = tpu.memref_slice %arg4[%dma_start3A_213] : memref<4194304xf32, #tpu.memory_space<hbm>> -> memref<4194304xf32, #tpu.memory_space<hbm>>
    tpu.enqueue_indirect_dma source(%dma_start3A_214 : memref<4194304xf32, #tpu.memory_space<hbm>>) target(%dma_start3A_210 : memref<128xf32, #tpu.memory_space<vmem>>) offsets(%dma_start3A_212 : memref<128xi32, #tpu.memory_space<vmem>>) semaphore(%arg22 : memref<!tpu.dma_semaphore, #tpu.memory_space<semaphore_mem>>)
    %dma_wait3A_215 = arith.constant 1024 : i32
    %dma_wait3A_216 = tpu.memref_slice %arg21[%dma_wait3A_215] : memref<2048xf32, #tpu.memory_space<vmem>> -> memref<128xf32, #tpu.memory_space<vmem>>
    %dma_wait3A_217 = arith.constant 1024 : i32
    %dma_wait3A_218 = tpu.memref_slice %arg20[%dma_wait3A_217] : memref<2048xi32, #tpu.memory_space<vmem>> -> memref<128xi32, #tpu.memory_space<vmem>>
    %dma_wait3A_219 = arith.constant 0 : i32
    %dma_wait3A_220 = tpu.memref_slice %arg4[%dma_wait3A_219] : memref<4194304xf32, #tpu.memory_space<hbm>> -> memref<4194304xf32, #tpu.memory_space<hbm>>
    tpu.wait_indirect_dma semaphore(%arg22 : memref<!tpu.dma_semaphore, #tpu.memory_space<semaphore_mem>>) src(%dma_wait3A_220 : memref<4194304xf32, #tpu.memory_space<hbm>>) dst(%dma_wait3A_216 : memref<128xf32, #tpu.memory_space<vmem>>)
    %dma_start3A_221 = arith.constant 1152 : i32
    %dma_start3A_222 = tpu.memref_slice %arg21[%dma_start3A_221] : memref<2048xf32, #tpu.memory_space<vmem>> -> memref<128xf32, #tpu.memory_space<vmem>>
    %dma_start3A_223 = arith.constant 1152 : i32
    %dma_start3A_224 = tpu.memref_slice %arg20[%dma_start3A_223] : memref<2048xi32, #tpu.memory_space<vmem>> -> memref<128xi32, #tpu.memory_space<vmem>>
    %dma_start3A_225 = arith.constant 0 : i32
    %dma_start3A_226 = tpu.memref_slice %arg4[%dma_start3A_225] : memref<4194304xf32, #tpu.memory_space<hbm>> -> memref<4194304xf32, #tpu.memory_space<hbm>>
    tpu.enqueue_indirect_dma source(%dma_start3A_226 : memref<4194304xf32, #tpu.memory_space<hbm>>) target(%dma_start3A_222 : memref<128xf32, #tpu.memory_space<vmem>>) offsets(%dma_start3A_224 : memref<128xi32, #tpu.memory_space<vmem>>) semaphore(%arg22 : memref<!tpu.dma_semaphore, #tpu.memory_space<semaphore_mem>>)
    %dma_wait3A_227 = arith.constant 1152 : i32
    %dma_wait3A_228 = tpu.memref_slice %arg21[%dma_wait3A_227] : memref<2048xf32, #tpu.memory_space<vmem>> -> memref<128xf32, #tpu.memory_space<vmem>>
    %dma_wait3A_229 = arith.constant 1152 : i32
    %dma_wait3A_230 = tpu.memref_slice %arg20[%dma_wait3A_229] : memref<2048xi32, #tpu.memory_space<vmem>> -> memref<128xi32, #tpu.memory_space<vmem>>
    %dma_wait3A_231 = arith.constant 0 : i32
    %dma_wait3A_232 = tpu.memref_slice %arg4[%dma_wait3A_231] : memref<4194304xf32, #tpu.memory_space<hbm>> -> memref<4194304xf32, #tpu.memory_space<hbm>>
    tpu.wait_indirect_dma semaphore(%arg22 : memref<!tpu.dma_semaphore, #tpu.memory_space<semaphore_mem>>) src(%dma_wait3A_232 : memref<4194304xf32, #tpu.memory_space<hbm>>) dst(%dma_wait3A_228 : memref<128xf32, #tpu.memory_space<vmem>>)
    %dma_start3A_233 = arith.constant 1280 : i32
    %dma_start3A_234 = tpu.memref_slice %arg21[%dma_start3A_233] : memref<2048xf32, #tpu.memory_space<vmem>> -> memref<128xf32, #tpu.memory_space<vmem>>
    %dma_start3A_235 = arith.constant 1280 : i32
    %dma_start3A_236 = tpu.memref_slice %arg20[%dma_start3A_235] : memref<2048xi32, #tpu.memory_space<vmem>> -> memref<128xi32, #tpu.memory_space<vmem>>
    %dma_start3A_237 = arith.constant 0 : i32
    %dma_start3A_238 = tpu.memref_slice %arg4[%dma_start3A_237] : memref<4194304xf32, #tpu.memory_space<hbm>> -> memref<4194304xf32, #tpu.memory_space<hbm>>
    tpu.enqueue_indirect_dma source(%dma_start3A_238 : memref<4194304xf32, #tpu.memory_space<hbm>>) target(%dma_start3A_234 : memref<128xf32, #tpu.memory_space<vmem>>) offsets(%dma_start3A_236 : memref<128xi32, #tpu.memory_space<vmem>>) semaphore(%arg22 : memref<!tpu.dma_semaphore, #tpu.memory_space<semaphore_mem>>)
    %dma_wait3A_239 = arith.constant 1280 : i32
    %dma_wait3A_240 = tpu.memref_slice %arg21[%dma_wait3A_239] : memref<2048xf32, #tpu.memory_space<vmem>> -> memref<128xf32, #tpu.memory_space<vmem>>
    %dma_wait3A_241 = arith.constant 1280 : i32
    %dma_wait3A_242 = tpu.memref_slice %arg20[%dma_wait3A_241] : memref<2048xi32, #tpu.memory_space<vmem>> -> memref<128xi32, #tpu.memory_space<vmem>>
    %dma_wait3A_243 = arith.constant 0 : i32
    %dma_wait3A_244 = tpu.memref_slice %arg4[%dma_wait3A_243] : memref<4194304xf32, #tpu.memory_space<hbm>> -> memref<4194304xf32, #tpu.memory_space<hbm>>
    tpu.wait_indirect_dma semaphore(%arg22 : memref<!tpu.dma_semaphore, #tpu.memory_space<semaphore_mem>>) src(%dma_wait3A_244 : memref<4194304xf32, #tpu.memory_space<hbm>>) dst(%dma_wait3A_240 : memref<128xf32, #tpu.memory_space<vmem>>)
    %dma_start3A_245 = arith.constant 1408 : i32
    %dma_start3A_246 = tpu.memref_slice %arg21[%dma_start3A_245] : memref<2048xf32, #tpu.memory_space<vmem>> -> memref<128xf32, #tpu.memory_space<vmem>>
    %dma_start3A_247 = arith.constant 1408 : i32
    %dma_start3A_248 = tpu.memref_slice %arg20[%dma_start3A_247] : memref<2048xi32, #tpu.memory_space<vmem>> -> memref<128xi32, #tpu.memory_space<vmem>>
    %dma_start3A_249 = arith.constant 0 : i32
    %dma_start3A_250 = tpu.memref_slice %arg4[%dma_start3A_249] : memref<4194304xf32, #tpu.memory_space<hbm>> -> memref<4194304xf32, #tpu.memory_space<hbm>>
    tpu.enqueue_indirect_dma source(%dma_start3A_250 : memref<4194304xf32, #tpu.memory_space<hbm>>) target(%dma_start3A_246 : memref<128xf32, #tpu.memory_space<vmem>>) offsets(%dma_start3A_248 : memref<128xi32, #tpu.memory_space<vmem>>) semaphore(%arg22 : memref<!tpu.dma_semaphore, #tpu.memory_space<semaphore_mem>>)
    %dma_wait3A_251 = arith.constant 1408 : i32
    %dma_wait3A_252 = tpu.memref_slice %arg21[%dma_wait3A_251] : memref<2048xf32, #tpu.memory_space<vmem>> -> memref<128xf32, #tpu.memory_space<vmem>>
    %dma_wait3A_253 = arith.constant 1408 : i32
    %dma_wait3A_254 = tpu.memref_slice %arg20[%dma_wait3A_253] : memref<2048xi32, #tpu.memory_space<vmem>> -> memref<128xi32, #tpu.memory_space<vmem>>
    %dma_wait3A_255 = arith.constant 0 : i32
    %dma_wait3A_256 = tpu.memref_slice %arg4[%dma_wait3A_255] : memref<4194304xf32, #tpu.memory_space<hbm>> -> memref<4194304xf32, #tpu.memory_space<hbm>>
    tpu.wait_indirect_dma semaphore(%arg22 : memref<!tpu.dma_semaphore, #tpu.memory_space<semaphore_mem>>) src(%dma_wait3A_256 : memref<4194304xf32, #tpu.memory_space<hbm>>) dst(%dma_wait3A_252 : memref<128xf32, #tpu.memory_space<vmem>>)
    %dma_start3A_257 = arith.constant 1536 : i32
    %dma_start3A_258 = tpu.memref_slice %arg21[%dma_start3A_257] : memref<2048xf32, #tpu.memory_space<vmem>> -> memref<128xf32, #tpu.memory_space<vmem>>
    %dma_start3A_259 = arith.constant 1536 : i32
    %dma_start3A_260 = tpu.memref_slice %arg20[%dma_start3A_259] : memref<2048xi32, #tpu.memory_space<vmem>> -> memref<128xi32, #tpu.memory_space<vmem>>
    %dma_start3A_261 = arith.constant 0 : i32
    %dma_start3A_262 = tpu.memref_slice %arg4[%dma_start3A_261] : memref<4194304xf32, #tpu.memory_space<hbm>> -> memref<4194304xf32, #tpu.memory_space<hbm>>
    tpu.enqueue_indirect_dma source(%dma_start3A_262 : memref<4194304xf32, #tpu.memory_space<hbm>>) target(%dma_start3A_258 : memref<128xf32, #tpu.memory_space<vmem>>) offsets(%dma_start3A_260 : memref<128xi32, #tpu.memory_space<vmem>>) semaphore(%arg22 : memref<!tpu.dma_semaphore, #tpu.memory_space<semaphore_mem>>)
    %dma_wait3A_263 = arith.constant 1536 : i32
    %dma_wait3A_264 = tpu.memref_slice %arg21[%dma_wait3A_263] : memref<2048xf32, #tpu.memory_space<vmem>> -> memref<128xf32, #tpu.memory_space<vmem>>
    %dma_wait3A_265 = arith.constant 1536 : i32
    %dma_wait3A_266 = tpu.memref_slice %arg20[%dma_wait3A_265] : memref<2048xi32, #tpu.memory_space<vmem>> -> memref<128xi32, #tpu.memory_space<vmem>>
    %dma_wait3A_267 = arith.constant 0 : i32
    %dma_wait3A_268 = tpu.memref_slice %arg4[%dma_wait3A_267] : memref<4194304xf32, #tpu.memory_space<hbm>> -> memref<4194304xf32, #tpu.memory_space<hbm>>
    tpu.wait_indirect_dma semaphore(%arg22 : memref<!tpu.dma_semaphore, #tpu.memory_space<semaphore_mem>>) src(%dma_wait3A_268 : memref<4194304xf32, #tpu.memory_space<hbm>>) dst(%dma_wait3A_264 : memref<128xf32, #tpu.memory_space<vmem>>)
    %dma_start3A_269 = arith.constant 1664 : i32
    %dma_start3A_270 = tpu.memref_slice %arg21[%dma_start3A_269] : memref<2048xf32, #tpu.memory_space<vmem>> -> memref<128xf32, #tpu.memory_space<vmem>>
    %dma_start3A_271 = arith.constant 1664 : i32
    %dma_start3A_272 = tpu.memref_slice %arg20[%dma_start3A_271] : memref<2048xi32, #tpu.memory_space<vmem>> -> memref<128xi32, #tpu.memory_space<vmem>>
    %dma_start3A_273 = arith.constant 0 : i32
    %dma_start3A_274 = tpu.memref_slice %arg4[%dma_start3A_273] : memref<4194304xf32, #tpu.memory_space<hbm>> -> memref<4194304xf32, #tpu.memory_space<hbm>>
    tpu.enqueue_indirect_dma source(%dma_start3A_274 : memref<4194304xf32, #tpu.memory_space<hbm>>) target(%dma_start3A_270 : memref<128xf32, #tpu.memory_space<vmem>>) offsets(%dma_start3A_272 : memref<128xi32, #tpu.memory_space<vmem>>) semaphore(%arg22 : memref<!tpu.dma_semaphore, #tpu.memory_space<semaphore_mem>>)
    %dma_wait3A_275 = arith.constant 1664 : i32
    %dma_wait3A_276 = tpu.memref_slice %arg21[%dma_wait3A_275] : memref<2048xf32, #tpu.memory_space<vmem>> -> memref<128xf32, #tpu.memory_space<vmem>>
    %dma_wait3A_277 = arith.constant 1664 : i32
    %dma_wait3A_278 = tpu.memref_slice %arg20[%dma_wait3A_277] : memref<2048xi32, #tpu.memory_space<vmem>> -> memref<128xi32, #tpu.memory_space<vmem>>
    %dma_wait3A_279 = arith.constant 0 : i32
    %dma_wait3A_280 = tpu.memref_slice %arg4[%dma_wait3A_279] : memref<4194304xf32, #tpu.memory_space<hbm>> -> memref<4194304xf32, #tpu.memory_space<hbm>>
    tpu.wait_indirect_dma semaphore(%arg22 : memref<!tpu.dma_semaphore, #tpu.memory_space<semaphore_mem>>) src(%dma_wait3A_280 : memref<4194304xf32, #tpu.memory_space<hbm>>) dst(%dma_wait3A_276 : memref<128xf32, #tpu.memory_space<vmem>>)
    %dma_start3A_281 = arith.constant 1792 : i32
    %dma_start3A_282 = tpu.memref_slice %arg21[%dma_start3A_281] : memref<2048xf32, #tpu.memory_space<vmem>> -> memref<128xf32, #tpu.memory_space<vmem>>
    %dma_start3A_283 = arith.constant 1792 : i32
    %dma_start3A_284 = tpu.memref_slice %arg20[%dma_start3A_283] : memref<2048xi32, #tpu.memory_space<vmem>> -> memref<128xi32, #tpu.memory_space<vmem>>
    %dma_start3A_285 = arith.constant 0 : i32
    %dma_start3A_286 = tpu.memref_slice %arg4[%dma_start3A_285] : memref<4194304xf32, #tpu.memory_space<hbm>> -> memref<4194304xf32, #tpu.memory_space<hbm>>
    tpu.enqueue_indirect_dma source(%dma_start3A_286 : memref<4194304xf32, #tpu.memory_space<hbm>>) target(%dma_start3A_282 : memref<128xf32, #tpu.memory_space<vmem>>) offsets(%dma_start3A_284 : memref<128xi32, #tpu.memory_space<vmem>>) semaphore(%arg22 : memref<!tpu.dma_semaphore, #tpu.memory_space<semaphore_mem>>)
    %dma_wait3A_287 = arith.constant 1792 : i32
    %dma_wait3A_288 = tpu.memref_slice %arg21[%dma_wait3A_287] : memref<2048xf32, #tpu.memory_space<vmem>> -> memref<128xf32, #tpu.memory_space<vmem>>
    %dma_wait3A_289 = arith.constant 1792 : i32
    %dma_wait3A_290 = tpu.memref_slice %arg20[%dma_wait3A_289] : memref<2048xi32, #tpu.memory_space<vmem>> -> memref<128xi32, #tpu.memory_space<vmem>>
    %dma_wait3A_291 = arith.constant 0 : i32
    %dma_wait3A_292 = tpu.memref_slice %arg4[%dma_wait3A_291] : memref<4194304xf32, #tpu.memory_space<hbm>> -> memref<4194304xf32, #tpu.memory_space<hbm>>
    tpu.wait_indirect_dma semaphore(%arg22 : memref<!tpu.dma_semaphore, #tpu.memory_space<semaphore_mem>>) src(%dma_wait3A_292 : memref<4194304xf32, #tpu.memory_space<hbm>>) dst(%dma_wait3A_288 : memref<128xf32, #tpu.memory_space<vmem>>)
    %dma_start3A_293 = arith.constant 1920 : i32
    %dma_start3A_294 = tpu.memref_slice %arg21[%dma_start3A_293] : memref<2048xf32, #tpu.memory_space<vmem>> -> memref<128xf32, #tpu.memory_space<vmem>>
    %dma_start3A_295 = arith.constant 1920 : i32
    %dma_start3A_296 = tpu.memref_slice %arg20[%dma_start3A_295] : memref<2048xi32, #tpu.memory_space<vmem>> -> memref<128xi32, #tpu.memory_space<vmem>>
    %dma_start3A_297 = arith.constant 0 : i32
    %dma_start3A_298 = tpu.memref_slice %arg4[%dma_start3A_297] : memref<4194304xf32, #tpu.memory_space<hbm>> -> memref<4194304xf32, #tpu.memory_space<hbm>>
    tpu.enqueue_indirect_dma source(%dma_start3A_298 : memref<4194304xf32, #tpu.memory_space<hbm>>) target(%dma_start3A_294 : memref<128xf32, #tpu.memory_space<vmem>>) offsets(%dma_start3A_296 : memref<128xi32, #tpu.memory_space<vmem>>) semaphore(%arg22 : memref<!tpu.dma_semaphore, #tpu.memory_space<semaphore_mem>>)
    %dma_wait3A_299 = arith.constant 1920 : i32
    %dma_wait3A_300 = tpu.memref_slice %arg21[%dma_wait3A_299] : memref<2048xf32, #tpu.memory_space<vmem>> -> memref<128xf32, #tpu.memory_space<vmem>>
    %dma_wait3A_301 = arith.constant 1920 : i32
    %dma_wait3A_302 = tpu.memref_slice %arg20[%dma_wait3A_301] : memref<2048xi32, #tpu.memory_space<vmem>> -> memref<128xi32, #tpu.memory_space<vmem>>
    %dma_wait3A_303 = arith.constant 0 : i32
    %dma_wait3A_304 = tpu.memref_slice %arg4[%dma_wait3A_303] : memref<4194304xf32, #tpu.memory_space<hbm>> -> memref<4194304xf32, #tpu.memory_space<hbm>>
    tpu.wait_indirect_dma semaphore(%arg22 : memref<!tpu.dma_semaphore, #tpu.memory_space<semaphore_mem>>) src(%dma_wait3A_304 : memref<4194304xf32, #tpu.memory_space<hbm>>) dst(%dma_wait3A_300 : memref<128xf32, #tpu.memory_space<vmem>>)
    "tpu.region"() ({
      %run_scoped3A = tpu.sem_alloc : memref<!tpu.dma_semaphore, #tpu.memory_space<semaphore_mem>>
      %dma_start3A_455 = arith.constant 0 : i32
      %dma_start3A_456 = tpu.memref_slice %arg21[%dma_start3A_455] : memref<2048xf32, #tpu.memory_space<vmem>> -> memref<2048xf32, #tpu.memory_space<vmem>>
      %dma_start3A_457 = tpu.memref_slice %arg16[%mul3A_112] : memref<65536xf32, #tpu.memory_space<hbm>> -> memref<2048xf32, #tpu.memory_space<hbm>>
      %dma_start3A_458 = tpu.memref_slice %arg16[%mul3A_112] : memref<65536xf32, #tpu.memory_space<hbm>> -> memref<2048xf32, #tpu.memory_space<hbm>>
      %dma_start3A_459 = arith.constant 0 : i32
      %dma_start3A_460 = tpu.memref_slice %arg21[%dma_start3A_459] : memref<2048xf32, #tpu.memory_space<vmem>> -> memref<2048xf32, #tpu.memory_space<vmem>>
      tpu.enqueue_dma source(%dma_start3A_460 : memref<2048xf32, #tpu.memory_space<vmem>>) target(%dma_start3A_458 : memref<2048xf32, #tpu.memory_space<hbm>>) target_semaphore(%run_scoped3A : memref<!tpu.dma_semaphore, #tpu.memory_space<semaphore_mem>>)
      %dma_wait3A_461 = arith.constant 0 : i32
      %dma_wait3A_462 = tpu.memref_slice %arg21[%dma_wait3A_461] : memref<2048xf32, #tpu.memory_space<vmem>> -> memref<2048xf32, #tpu.memory_space<vmem>>
      %dma_wait3A_463 = tpu.memref_slice %arg16[%mul3A_112] : memref<65536xf32, #tpu.memory_space<hbm>> -> memref<2048xf32, #tpu.memory_space<hbm>>
      %dma_wait3A_464 = tpu.memref_slice %arg16[%mul3A_112] : memref<65536xf32, #tpu.memory_space<hbm>> -> memref<2048xf32, #tpu.memory_space<hbm>>
      %dma_wait3A_465 = arith.constant 0 : i32
      %dma_wait3A_466 = tpu.memref_slice %arg21[%dma_wait3A_465] : memref<2048xf32, #tpu.memory_space<vmem>> -> memref<2048xf32, #tpu.memory_space<vmem>>
      tpu.wait_dma2 semaphore(%run_scoped3A : memref<!tpu.dma_semaphore, #tpu.memory_space<semaphore_mem>>) src(%dma_wait3A_466 : memref<2048xf32, #tpu.memory_space<vmem>>) dst(%dma_wait3A_464 : memref<2048xf32, #tpu.memory_space<hbm>>)
      tpu.yield
    }) : () -> ()
    %mul3A_305 = arith.constant 512 : i32
    %mul3A_306 = arith.muli %add3A, %mul3A_305 : i32
    "tpu.region"() ({
      %run_scoped3A = tpu.sem_alloc : memref<!tpu.dma_semaphore, #tpu.memory_space<semaphore_mem>>
      %dma_start3A_455 = arith.constant 0 : i32
      %dma_start3A_456 = tpu.memref_slice %arg20[%dma_start3A_455] : memref<2048xi32, #tpu.memory_space<vmem>> -> memref<512xi32, #tpu.memory_space<vmem>>
      %dma_start3A_457 = tpu.memref_slice %arg11[%mul3A_306] : memref<16384xi32, #tpu.memory_space<hbm>> -> memref<512xi32, #tpu.memory_space<hbm>>
      %dma_start3A_458 = arith.constant 0 : i32
      %dma_start3A_459 = tpu.memref_slice %arg20[%dma_start3A_458] : memref<2048xi32, #tpu.memory_space<vmem>> -> memref<512xi32, #tpu.memory_space<vmem>>
      %dma_start3A_460 = tpu.memref_slice %arg11[%mul3A_306] : memref<16384xi32, #tpu.memory_space<hbm>> -> memref<512xi32, #tpu.memory_space<hbm>>
      tpu.enqueue_dma source(%dma_start3A_460 : memref<512xi32, #tpu.memory_space<hbm>>) target(%dma_start3A_459 : memref<512xi32, #tpu.memory_space<vmem>>) target_semaphore(%run_scoped3A : memref<!tpu.dma_semaphore, #tpu.memory_space<semaphore_mem>>)
      %dma_wait3A_461 = arith.constant 0 : i32
      %dma_wait3A_462 = tpu.memref_slice %arg20[%dma_wait3A_461] : memref<2048xi32, #tpu.memory_space<vmem>> -> memref<512xi32, #tpu.memory_space<vmem>>
      %dma_wait3A_463 = tpu.memref_slice %arg11[%mul3A_306] : memref<16384xi32, #tpu.memory_space<hbm>> -> memref<512xi32, #tpu.memory_space<hbm>>
      %dma_wait3A_464 = arith.constant 0 : i32
      %dma_wait3A_465 = tpu.memref_slice %arg20[%dma_wait3A_464] : memref<2048xi32, #tpu.memory_space<vmem>> -> memref<512xi32, #tpu.memory_space<vmem>>
      %dma_wait3A_466 = tpu.memref_slice %arg11[%mul3A_306] : memref<16384xi32, #tpu.memory_space<hbm>> -> memref<512xi32, #tpu.memory_space<hbm>>
      tpu.wait_dma2 semaphore(%run_scoped3A : memref<!tpu.dma_semaphore, #tpu.memory_space<semaphore_mem>>) src(%dma_wait3A_466 : memref<512xi32, #tpu.memory_space<hbm>>) dst(%dma_wait3A_465 : memref<512xi32, #tpu.memory_space<vmem>>)
      tpu.yield
    }) : () -> ()
    %dma_start3A_307 = arith.constant 0 : i32
    %dma_start3A_308 = tpu.memref_slice %arg21[%dma_start3A_307] : memref<2048xf32, #tpu.memory_space<vmem>> -> memref<128xf32, #tpu.memory_space<vmem>>
    %dma_start3A_309 = arith.constant 0 : i32
    %dma_start3A_310 = tpu.memref_slice %arg20[%dma_start3A_309] : memref<2048xi32, #tpu.memory_space<vmem>> -> memref<128xi32, #tpu.memory_space<vmem>>
    %dma_start3A_311 = arith.constant 0 : i32
    %dma_start3A_312 = tpu.memref_slice %arg5[%dma_start3A_311] : memref<4194304xf32, #tpu.memory_space<hbm>> -> memref<4194304xf32, #tpu.memory_space<hbm>>
    tpu.enqueue_indirect_dma source(%dma_start3A_312 : memref<4194304xf32, #tpu.memory_space<hbm>>) target(%dma_start3A_308 : memref<128xf32, #tpu.memory_space<vmem>>) offsets(%dma_start3A_310 : memref<128xi32, #tpu.memory_space<vmem>>) semaphore(%arg22 : memref<!tpu.dma_semaphore, #tpu.memory_space<semaphore_mem>>)
    %dma_wait3A_313 = arith.constant 0 : i32
    %dma_wait3A_314 = tpu.memref_slice %arg21[%dma_wait3A_313] : memref<2048xf32, #tpu.memory_space<vmem>> -> memref<128xf32, #tpu.memory_space<vmem>>
    %dma_wait3A_315 = arith.constant 0 : i32
    %dma_wait3A_316 = tpu.memref_slice %arg20[%dma_wait3A_315] : memref<2048xi32, #tpu.memory_space<vmem>> -> memref<128xi32, #tpu.memory_space<vmem>>
    %dma_wait3A_317 = arith.constant 0 : i32
    %dma_wait3A_318 = tpu.memref_slice %arg5[%dma_wait3A_317] : memref<4194304xf32, #tpu.memory_space<hbm>> -> memref<4194304xf32, #tpu.memory_space<hbm>>
    tpu.wait_indirect_dma semaphore(%arg22 : memref<!tpu.dma_semaphore, #tpu.memory_space<semaphore_mem>>) src(%dma_wait3A_318 : memref<4194304xf32, #tpu.memory_space<hbm>>) dst(%dma_wait3A_314 : memref<128xf32, #tpu.memory_space<vmem>>)
    %dma_start3A_319 = arith.constant 128 : i32
    %dma_start3A_320 = tpu.memref_slice %arg21[%dma_start3A_319] : memref<2048xf32, #tpu.memory_space<vmem>> -> memref<128xf32, #tpu.memory_space<vmem>>
    %dma_start3A_321 = arith.constant 128 : i32
    %dma_start3A_322 = tpu.memref_slice %arg20[%dma_start3A_321] : memref<2048xi32, #tpu.memory_space<vmem>> -> memref<128xi32, #tpu.memory_space<vmem>>
    %dma_start3A_323 = arith.constant 0 : i32
    %dma_start3A_324 = tpu.memref_slice %arg5[%dma_start3A_323] : memref<4194304xf32, #tpu.memory_space<hbm>> -> memref<4194304xf32, #tpu.memory_space<hbm>>
    tpu.enqueue_indirect_dma source(%dma_start3A_324 : memref<4194304xf32, #tpu.memory_space<hbm>>) target(%dma_start3A_320 : memref<128xf32, #tpu.memory_space<vmem>>) offsets(%dma_start3A_322 : memref<128xi32, #tpu.memory_space<vmem>>) semaphore(%arg22 : memref<!tpu.dma_semaphore, #tpu.memory_space<semaphore_mem>>)
    %dma_wait3A_325 = arith.constant 128 : i32
    %dma_wait3A_326 = tpu.memref_slice %arg21[%dma_wait3A_325] : memref<2048xf32, #tpu.memory_space<vmem>> -> memref<128xf32, #tpu.memory_space<vmem>>
    %dma_wait3A_327 = arith.constant 128 : i32
    %dma_wait3A_328 = tpu.memref_slice %arg20[%dma_wait3A_327] : memref<2048xi32, #tpu.memory_space<vmem>> -> memref<128xi32, #tpu.memory_space<vmem>>
    %dma_wait3A_329 = arith.constant 0 : i32
    %dma_wait3A_330 = tpu.memref_slice %arg5[%dma_wait3A_329] : memref<4194304xf32, #tpu.memory_space<hbm>> -> memref<4194304xf32, #tpu.memory_space<hbm>>
    tpu.wait_indirect_dma semaphore(%arg22 : memref<!tpu.dma_semaphore, #tpu.memory_space<semaphore_mem>>) src(%dma_wait3A_330 : memref<4194304xf32, #tpu.memory_space<hbm>>) dst(%dma_wait3A_326 : memref<128xf32, #tpu.memory_space<vmem>>)
    %dma_start3A_331 = arith.constant 256 : i32
    %dma_start3A_332 = tpu.memref_slice %arg21[%dma_start3A_331] : memref<2048xf32, #tpu.memory_space<vmem>> -> memref<128xf32, #tpu.memory_space<vmem>>
    %dma_start3A_333 = arith.constant 256 : i32
    %dma_start3A_334 = tpu.memref_slice %arg20[%dma_start3A_333] : memref<2048xi32, #tpu.memory_space<vmem>> -> memref<128xi32, #tpu.memory_space<vmem>>
    %dma_start3A_335 = arith.constant 0 : i32
    %dma_start3A_336 = tpu.memref_slice %arg5[%dma_start3A_335] : memref<4194304xf32, #tpu.memory_space<hbm>> -> memref<4194304xf32, #tpu.memory_space<hbm>>
    tpu.enqueue_indirect_dma source(%dma_start3A_336 : memref<4194304xf32, #tpu.memory_space<hbm>>) target(%dma_start3A_332 : memref<128xf32, #tpu.memory_space<vmem>>) offsets(%dma_start3A_334 : memref<128xi32, #tpu.memory_space<vmem>>) semaphore(%arg22 : memref<!tpu.dma_semaphore, #tpu.memory_space<semaphore_mem>>)
    %dma_wait3A_337 = arith.constant 256 : i32
    %dma_wait3A_338 = tpu.memref_slice %arg21[%dma_wait3A_337] : memref<2048xf32, #tpu.memory_space<vmem>> -> memref<128xf32, #tpu.memory_space<vmem>>
    %dma_wait3A_339 = arith.constant 256 : i32
    %dma_wait3A_340 = tpu.memref_slice %arg20[%dma_wait3A_339] : memref<2048xi32, #tpu.memory_space<vmem>> -> memref<128xi32, #tpu.memory_space<vmem>>
    %dma_wait3A_341 = arith.constant 0 : i32
    %dma_wait3A_342 = tpu.memref_slice %arg5[%dma_wait3A_341] : memref<4194304xf32, #tpu.memory_space<hbm>> -> memref<4194304xf32, #tpu.memory_space<hbm>>
    tpu.wait_indirect_dma semaphore(%arg22 : memref<!tpu.dma_semaphore, #tpu.memory_space<semaphore_mem>>) src(%dma_wait3A_342 : memref<4194304xf32, #tpu.memory_space<hbm>>) dst(%dma_wait3A_338 : memref<128xf32, #tpu.memory_space<vmem>>)
    %dma_start3A_343 = arith.constant 384 : i32
    %dma_start3A_344 = tpu.memref_slice %arg21[%dma_start3A_343] : memref<2048xf32, #tpu.memory_space<vmem>> -> memref<128xf32, #tpu.memory_space<vmem>>
    %dma_start3A_345 = arith.constant 384 : i32
    %dma_start3A_346 = tpu.memref_slice %arg20[%dma_start3A_345] : memref<2048xi32, #tpu.memory_space<vmem>> -> memref<128xi32, #tpu.memory_space<vmem>>
    %dma_start3A_347 = arith.constant 0 : i32
    %dma_start3A_348 = tpu.memref_slice %arg5[%dma_start3A_347] : memref<4194304xf32, #tpu.memory_space<hbm>> -> memref<4194304xf32, #tpu.memory_space<hbm>>
    tpu.enqueue_indirect_dma source(%dma_start3A_348 : memref<4194304xf32, #tpu.memory_space<hbm>>) target(%dma_start3A_344 : memref<128xf32, #tpu.memory_space<vmem>>) offsets(%dma_start3A_346 : memref<128xi32, #tpu.memory_space<vmem>>) semaphore(%arg22 : memref<!tpu.dma_semaphore, #tpu.memory_space<semaphore_mem>>)
    %dma_wait3A_349 = arith.constant 384 : i32
    %dma_wait3A_350 = tpu.memref_slice %arg21[%dma_wait3A_349] : memref<2048xf32, #tpu.memory_space<vmem>> -> memref<128xf32, #tpu.memory_space<vmem>>
    %dma_wait3A_351 = arith.constant 384 : i32
    %dma_wait3A_352 = tpu.memref_slice %arg20[%dma_wait3A_351] : memref<2048xi32, #tpu.memory_space<vmem>> -> memref<128xi32, #tpu.memory_space<vmem>>
    %dma_wait3A_353 = arith.constant 0 : i32
    %dma_wait3A_354 = tpu.memref_slice %arg5[%dma_wait3A_353] : memref<4194304xf32, #tpu.memory_space<hbm>> -> memref<4194304xf32, #tpu.memory_space<hbm>>
    tpu.wait_indirect_dma semaphore(%arg22 : memref<!tpu.dma_semaphore, #tpu.memory_space<semaphore_mem>>) src(%dma_wait3A_354 : memref<4194304xf32, #tpu.memory_space<hbm>>) dst(%dma_wait3A_350 : memref<128xf32, #tpu.memory_space<vmem>>)
    "tpu.region"() ({
      %run_scoped3A = tpu.sem_alloc : memref<!tpu.dma_semaphore, #tpu.memory_space<semaphore_mem>>
      %dma_start3A_455 = arith.constant 0 : i32
      %dma_start3A_456 = tpu.memref_slice %arg21[%dma_start3A_455] : memref<2048xf32, #tpu.memory_space<vmem>> -> memref<512xf32, #tpu.memory_space<vmem>>
      %dma_start3A_457 = tpu.memref_slice %arg17[%mul3A_306] : memref<16384xf32, #tpu.memory_space<hbm>> -> memref<512xf32, #tpu.memory_space<hbm>>
      %dma_start3A_458 = tpu.memref_slice %arg17[%mul3A_306] : memref<16384xf32, #tpu.memory_space<hbm>> -> memref<512xf32, #tpu.memory_space<hbm>>
      %dma_start3A_459 = arith.constant 0 : i32
      %dma_start3A_460 = tpu.memref_slice %arg21[%dma_start3A_459] : memref<2048xf32, #tpu.memory_space<vmem>> -> memref<512xf32, #tpu.memory_space<vmem>>
      tpu.enqueue_dma source(%dma_start3A_460 : memref<512xf32, #tpu.memory_space<vmem>>) target(%dma_start3A_458 : memref<512xf32, #tpu.memory_space<hbm>>) target_semaphore(%run_scoped3A : memref<!tpu.dma_semaphore, #tpu.memory_space<semaphore_mem>>)
      %dma_wait3A_461 = arith.constant 0 : i32
      %dma_wait3A_462 = tpu.memref_slice %arg21[%dma_wait3A_461] : memref<2048xf32, #tpu.memory_space<vmem>> -> memref<512xf32, #tpu.memory_space<vmem>>
      %dma_wait3A_463 = tpu.memref_slice %arg17[%mul3A_306] : memref<16384xf32, #tpu.memory_space<hbm>> -> memref<512xf32, #tpu.memory_space<hbm>>
      %dma_wait3A_464 = tpu.memref_slice %arg17[%mul3A_306] : memref<16384xf32, #tpu.memory_space<hbm>> -> memref<512xf32, #tpu.memory_space<hbm>>
      %dma_wait3A_465 = arith.constant 0 : i32
      %dma_wait3A_466 = tpu.memref_slice %arg21[%dma_wait3A_465] : memref<2048xf32, #tpu.memory_space<vmem>> -> memref<512xf32, #tpu.memory_space<vmem>>
      tpu.wait_dma2 semaphore(%run_scoped3A : memref<!tpu.dma_semaphore, #tpu.memory_space<semaphore_mem>>) src(%dma_wait3A_466 : memref<512xf32, #tpu.memory_space<vmem>>) dst(%dma_wait3A_464 : memref<512xf32, #tpu.memory_space<hbm>>)
      tpu.yield
    }) : () -> ()
    %mul3A_355 = arith.constant 512 : i32
    %mul3A_356 = arith.muli %add3A, %mul3A_355 : i32
    "tpu.region"() ({
      %run_scoped3A = tpu.sem_alloc : memref<!tpu.dma_semaphore, #tpu.memory_space<semaphore_mem>>
      %dma_start3A_455 = arith.constant 0 : i32
      %dma_start3A_456 = tpu.memref_slice %arg20[%dma_start3A_455] : memref<2048xi32, #tpu.memory_space<vmem>> -> memref<512xi32, #tpu.memory_space<vmem>>
      %dma_start3A_457 = tpu.memref_slice %arg12[%mul3A_356] : memref<16384xi32, #tpu.memory_space<hbm>> -> memref<512xi32, #tpu.memory_space<hbm>>
      %dma_start3A_458 = arith.constant 0 : i32
      %dma_start3A_459 = tpu.memref_slice %arg20[%dma_start3A_458] : memref<2048xi32, #tpu.memory_space<vmem>> -> memref<512xi32, #tpu.memory_space<vmem>>
      %dma_start3A_460 = tpu.memref_slice %arg12[%mul3A_356] : memref<16384xi32, #tpu.memory_space<hbm>> -> memref<512xi32, #tpu.memory_space<hbm>>
      tpu.enqueue_dma source(%dma_start3A_460 : memref<512xi32, #tpu.memory_space<hbm>>) target(%dma_start3A_459 : memref<512xi32, #tpu.memory_space<vmem>>) target_semaphore(%run_scoped3A : memref<!tpu.dma_semaphore, #tpu.memory_space<semaphore_mem>>)
      %dma_wait3A_461 = arith.constant 0 : i32
      %dma_wait3A_462 = tpu.memref_slice %arg20[%dma_wait3A_461] : memref<2048xi32, #tpu.memory_space<vmem>> -> memref<512xi32, #tpu.memory_space<vmem>>
      %dma_wait3A_463 = tpu.memref_slice %arg12[%mul3A_356] : memref<16384xi32, #tpu.memory_space<hbm>> -> memref<512xi32, #tpu.memory_space<hbm>>
      %dma_wait3A_464 = arith.constant 0 : i32
      %dma_wait3A_465 = tpu.memref_slice %arg20[%dma_wait3A_464] : memref<2048xi32, #tpu.memory_space<vmem>> -> memref<512xi32, #tpu.memory_space<vmem>>
      %dma_wait3A_466 = tpu.memref_slice %arg12[%mul3A_356] : memref<16384xi32, #tpu.memory_space<hbm>> -> memref<512xi32, #tpu.memory_space<hbm>>
      tpu.wait_dma2 semaphore(%run_scoped3A : memref<!tpu.dma_semaphore, #tpu.memory_space<semaphore_mem>>) src(%dma_wait3A_466 : memref<512xi32, #tpu.memory_space<hbm>>) dst(%dma_wait3A_465 : memref<512xi32, #tpu.memory_space<vmem>>)
      tpu.yield
    }) : () -> ()
    %dma_start3A_357 = arith.constant 0 : i32
    %dma_start3A_358 = tpu.memref_slice %arg21[%dma_start3A_357] : memref<2048xf32, #tpu.memory_space<vmem>> -> memref<128xf32, #tpu.memory_space<vmem>>
    %dma_start3A_359 = arith.constant 0 : i32
    %dma_start3A_360 = tpu.memref_slice %arg20[%dma_start3A_359] : memref<2048xi32, #tpu.memory_space<vmem>> -> memref<128xi32, #tpu.memory_space<vmem>>
    %dma_start3A_361 = arith.constant 0 : i32
    %dma_start3A_362 = tpu.memref_slice %arg6[%dma_start3A_361] : memref<65536xf32, #tpu.memory_space<hbm>> -> memref<65536xf32, #tpu.memory_space<hbm>>
    tpu.enqueue_indirect_dma source(%dma_start3A_362 : memref<65536xf32, #tpu.memory_space<hbm>>) target(%dma_start3A_358 : memref<128xf32, #tpu.memory_space<vmem>>) offsets(%dma_start3A_360 : memref<128xi32, #tpu.memory_space<vmem>>) semaphore(%arg22 : memref<!tpu.dma_semaphore, #tpu.memory_space<semaphore_mem>>)
    %dma_wait3A_363 = arith.constant 0 : i32
    %dma_wait3A_364 = tpu.memref_slice %arg21[%dma_wait3A_363] : memref<2048xf32, #tpu.memory_space<vmem>> -> memref<128xf32, #tpu.memory_space<vmem>>
    %dma_wait3A_365 = arith.constant 0 : i32
    %dma_wait3A_366 = tpu.memref_slice %arg20[%dma_wait3A_365] : memref<2048xi32, #tpu.memory_space<vmem>> -> memref<128xi32, #tpu.memory_space<vmem>>
    %dma_wait3A_367 = arith.constant 0 : i32
    %dma_wait3A_368 = tpu.memref_slice %arg6[%dma_wait3A_367] : memref<65536xf32, #tpu.memory_space<hbm>> -> memref<65536xf32, #tpu.memory_space<hbm>>
    tpu.wait_indirect_dma semaphore(%arg22 : memref<!tpu.dma_semaphore, #tpu.memory_space<semaphore_mem>>) src(%dma_wait3A_368 : memref<65536xf32, #tpu.memory_space<hbm>>) dst(%dma_wait3A_364 : memref<128xf32, #tpu.memory_space<vmem>>)
    %dma_start3A_369 = arith.constant 128 : i32
    %dma_start3A_370 = tpu.memref_slice %arg21[%dma_start3A_369] : memref<2048xf32, #tpu.memory_space<vmem>> -> memref<128xf32, #tpu.memory_space<vmem>>
    %dma_start3A_371 = arith.constant 128 : i32
    %dma_start3A_372 = tpu.memref_slice %arg20[%dma_start3A_371] : memref<2048xi32, #tpu.memory_space<vmem>> -> memref<128xi32, #tpu.memory_space<vmem>>
    %dma_start3A_373 = arith.constant 0 : i32
    %dma_start3A_374 = tpu.memref_slice %arg6[%dma_start3A_373] : memref<65536xf32, #tpu.memory_space<hbm>> -> memref<65536xf32, #tpu.memory_space<hbm>>
    tpu.enqueue_indirect_dma source(%dma_start3A_374 : memref<65536xf32, #tpu.memory_space<hbm>>) target(%dma_start3A_370 : memref<128xf32, #tpu.memory_space<vmem>>) offsets(%dma_start3A_372 : memref<128xi32, #tpu.memory_space<vmem>>) semaphore(%arg22 : memref<!tpu.dma_semaphore, #tpu.memory_space<semaphore_mem>>)
    %dma_wait3A_375 = arith.constant 128 : i32
    %dma_wait3A_376 = tpu.memref_slice %arg21[%dma_wait3A_375] : memref<2048xf32, #tpu.memory_space<vmem>> -> memref<128xf32, #tpu.memory_space<vmem>>
    %dma_wait3A_377 = arith.constant 128 : i32
    %dma_wait3A_378 = tpu.memref_slice %arg20[%dma_wait3A_377] : memref<2048xi32, #tpu.memory_space<vmem>> -> memref<128xi32, #tpu.memory_space<vmem>>
    %dma_wait3A_379 = arith.constant 0 : i32
    %dma_wait3A_380 = tpu.memref_slice %arg6[%dma_wait3A_379] : memref<65536xf32, #tpu.memory_space<hbm>> -> memref<65536xf32, #tpu.memory_space<hbm>>
    tpu.wait_indirect_dma semaphore(%arg22 : memref<!tpu.dma_semaphore, #tpu.memory_space<semaphore_mem>>) src(%dma_wait3A_380 : memref<65536xf32, #tpu.memory_space<hbm>>) dst(%dma_wait3A_376 : memref<128xf32, #tpu.memory_space<vmem>>)
    %dma_start3A_381 = arith.constant 256 : i32
    %dma_start3A_382 = tpu.memref_slice %arg21[%dma_start3A_381] : memref<2048xf32, #tpu.memory_space<vmem>> -> memref<128xf32, #tpu.memory_space<vmem>>
    %dma_start3A_383 = arith.constant 256 : i32
    %dma_start3A_384 = tpu.memref_slice %arg20[%dma_start3A_383] : memref<2048xi32, #tpu.memory_space<vmem>> -> memref<128xi32, #tpu.memory_space<vmem>>
    %dma_start3A_385 = arith.constant 0 : i32
    %dma_start3A_386 = tpu.memref_slice %arg6[%dma_start3A_385] : memref<65536xf32, #tpu.memory_space<hbm>> -> memref<65536xf32, #tpu.memory_space<hbm>>
    tpu.enqueue_indirect_dma source(%dma_start3A_386 : memref<65536xf32, #tpu.memory_space<hbm>>) target(%dma_start3A_382 : memref<128xf32, #tpu.memory_space<vmem>>) offsets(%dma_start3A_384 : memref<128xi32, #tpu.memory_space<vmem>>) semaphore(%arg22 : memref<!tpu.dma_semaphore, #tpu.memory_space<semaphore_mem>>)
    %dma_wait3A_387 = arith.constant 256 : i32
    %dma_wait3A_388 = tpu.memref_slice %arg21[%dma_wait3A_387] : memref<2048xf32, #tpu.memory_space<vmem>> -> memref<128xf32, #tpu.memory_space<vmem>>
    %dma_wait3A_389 = arith.constant 256 : i32
    %dma_wait3A_390 = tpu.memref_slice %arg20[%dma_wait3A_389] : memref<2048xi32, #tpu.memory_space<vmem>> -> memref<128xi32, #tpu.memory_space<vmem>>
    %dma_wait3A_391 = arith.constant 0 : i32
    %dma_wait3A_392 = tpu.memref_slice %arg6[%dma_wait3A_391] : memref<65536xf32, #tpu.memory_space<hbm>> -> memref<65536xf32, #tpu.memory_space<hbm>>
    tpu.wait_indirect_dma semaphore(%arg22 : memref<!tpu.dma_semaphore, #tpu.memory_space<semaphore_mem>>) src(%dma_wait3A_392 : memref<65536xf32, #tpu.memory_space<hbm>>) dst(%dma_wait3A_388 : memref<128xf32, #tpu.memory_space<vmem>>)
    %dma_start3A_393 = arith.constant 384 : i32
    %dma_start3A_394 = tpu.memref_slice %arg21[%dma_start3A_393] : memref<2048xf32, #tpu.memory_space<vmem>> -> memref<128xf32, #tpu.memory_space<vmem>>
    %dma_start3A_395 = arith.constant 384 : i32
    %dma_start3A_396 = tpu.memref_slice %arg20[%dma_start3A_395] : memref<2048xi32, #tpu.memory_space<vmem>> -> memref<128xi32, #tpu.memory_space<vmem>>
    %dma_start3A_397 = arith.constant 0 : i32
    %dma_start3A_398 = tpu.memref_slice %arg6[%dma_start3A_397] : memref<65536xf32, #tpu.memory_space<hbm>> -> memref<65536xf32, #tpu.memory_space<hbm>>
    tpu.enqueue_indirect_dma source(%dma_start3A_398 : memref<65536xf32, #tpu.memory_space<hbm>>) target(%dma_start3A_394 : memref<128xf32, #tpu.memory_space<vmem>>) offsets(%dma_start3A_396 : memref<128xi32, #tpu.memory_space<vmem>>) semaphore(%arg22 : memref<!tpu.dma_semaphore, #tpu.memory_space<semaphore_mem>>)
    %dma_wait3A_399 = arith.constant 384 : i32
    %dma_wait3A_400 = tpu.memref_slice %arg21[%dma_wait3A_399] : memref<2048xf32, #tpu.memory_space<vmem>> -> memref<128xf32, #tpu.memory_space<vmem>>
    %dma_wait3A_401 = arith.constant 384 : i32
    %dma_wait3A_402 = tpu.memref_slice %arg20[%dma_wait3A_401] : memref<2048xi32, #tpu.memory_space<vmem>> -> memref<128xi32, #tpu.memory_space<vmem>>
    %dma_wait3A_403 = arith.constant 0 : i32
    %dma_wait3A_404 = tpu.memref_slice %arg6[%dma_wait3A_403] : memref<65536xf32, #tpu.memory_space<hbm>> -> memref<65536xf32, #tpu.memory_space<hbm>>
    tpu.wait_indirect_dma semaphore(%arg22 : memref<!tpu.dma_semaphore, #tpu.memory_space<semaphore_mem>>) src(%dma_wait3A_404 : memref<65536xf32, #tpu.memory_space<hbm>>) dst(%dma_wait3A_400 : memref<128xf32, #tpu.memory_space<vmem>>)
    "tpu.region"() ({
      %run_scoped3A = tpu.sem_alloc : memref<!tpu.dma_semaphore, #tpu.memory_space<semaphore_mem>>
      %dma_start3A_455 = arith.constant 0 : i32
      %dma_start3A_456 = tpu.memref_slice %arg21[%dma_start3A_455] : memref<2048xf32, #tpu.memory_space<vmem>> -> memref<512xf32, #tpu.memory_space<vmem>>
      %dma_start3A_457 = tpu.memref_slice %arg18[%mul3A_356] : memref<16384xf32, #tpu.memory_space<hbm>> -> memref<512xf32, #tpu.memory_space<hbm>>
      %dma_start3A_458 = tpu.memref_slice %arg18[%mul3A_356] : memref<16384xf32, #tpu.memory_space<hbm>> -> memref<512xf32, #tpu.memory_space<hbm>>
      %dma_start3A_459 = arith.constant 0 : i32
      %dma_start3A_460 = tpu.memref_slice %arg21[%dma_start3A_459] : memref<2048xf32, #tpu.memory_space<vmem>> -> memref<512xf32, #tpu.memory_space<vmem>>
      tpu.enqueue_dma source(%dma_start3A_460 : memref<512xf32, #tpu.memory_space<vmem>>) target(%dma_start3A_458 : memref<512xf32, #tpu.memory_space<hbm>>) target_semaphore(%run_scoped3A : memref<!tpu.dma_semaphore, #tpu.memory_space<semaphore_mem>>)
      %dma_wait3A_461 = arith.constant 0 : i32
      %dma_wait3A_462 = tpu.memref_slice %arg21[%dma_wait3A_461] : memref<2048xf32, #tpu.memory_space<vmem>> -> memref<512xf32, #tpu.memory_space<vmem>>
      %dma_wait3A_463 = tpu.memref_slice %arg18[%mul3A_356] : memref<16384xf32, #tpu.memory_space<hbm>> -> memref<512xf32, #tpu.memory_space<hbm>>
      %dma_wait3A_464 = tpu.memref_slice %arg18[%mul3A_356] : memref<16384xf32, #tpu.memory_space<hbm>> -> memref<512xf32, #tpu.memory_space<hbm>>
      %dma_wait3A_465 = arith.constant 0 : i32
      %dma_wait3A_466 = tpu.memref_slice %arg21[%dma_wait3A_465] : memref<2048xf32, #tpu.memory_space<vmem>> -> memref<512xf32, #tpu.memory_space<vmem>>
      tpu.wait_dma2 semaphore(%run_scoped3A : memref<!tpu.dma_semaphore, #tpu.memory_space<semaphore_mem>>) src(%dma_wait3A_466 : memref<512xf32, #tpu.memory_space<vmem>>) dst(%dma_wait3A_464 : memref<512xf32, #tpu.memory_space<hbm>>)
      tpu.yield
    }) : () -> ()
    %mul3A_405 = arith.constant 512 : i32
    %mul3A_406 = arith.muli %add3A, %mul3A_405 : i32
    "tpu.region"() ({
      %run_scoped3A = tpu.sem_alloc : memref<!tpu.dma_semaphore, #tpu.memory_space<semaphore_mem>>
      %dma_start3A_455 = arith.constant 0 : i32
      %dma_start3A_456 = tpu.memref_slice %arg20[%dma_start3A_455] : memref<2048xi32, #tpu.memory_space<vmem>> -> memref<512xi32, #tpu.memory_space<vmem>>
      %dma_start3A_457 = tpu.memref_slice %arg13[%mul3A_406] : memref<16384xi32, #tpu.memory_space<hbm>> -> memref<512xi32, #tpu.memory_space<hbm>>
      %dma_start3A_458 = arith.constant 0 : i32
      %dma_start3A_459 = tpu.memref_slice %arg20[%dma_start3A_458] : memref<2048xi32, #tpu.memory_space<vmem>> -> memref<512xi32, #tpu.memory_space<vmem>>
      %dma_start3A_460 = tpu.memref_slice %arg13[%mul3A_406] : memref<16384xi32, #tpu.memory_space<hbm>> -> memref<512xi32, #tpu.memory_space<hbm>>
      tpu.enqueue_dma source(%dma_start3A_460 : memref<512xi32, #tpu.memory_space<hbm>>) target(%dma_start3A_459 : memref<512xi32, #tpu.memory_space<vmem>>) target_semaphore(%run_scoped3A : memref<!tpu.dma_semaphore, #tpu.memory_space<semaphore_mem>>)
      %dma_wait3A_461 = arith.constant 0 : i32
      %dma_wait3A_462 = tpu.memref_slice %arg20[%dma_wait3A_461] : memref<2048xi32, #tpu.memory_space<vmem>> -> memref<512xi32, #tpu.memory_space<vmem>>
      %dma_wait3A_463 = tpu.memref_slice %arg13[%mul3A_406] : memref<16384xi32, #tpu.memory_space<hbm>> -> memref<512xi32, #tpu.memory_space<hbm>>
      %dma_wait3A_464 = arith.constant 0 : i32
      %dma_wait3A_465 = tpu.memref_slice %arg20[%dma_wait3A_464] : memref<2048xi32, #tpu.memory_space<vmem>> -> memref<512xi32, #tpu.memory_space<vmem>>
      %dma_wait3A_466 = tpu.memref_slice %arg13[%mul3A_406] : memref<16384xi32, #tpu.memory_space<hbm>> -> memref<512xi32, #tpu.memory_space<hbm>>
      tpu.wait_dma2 semaphore(%run_scoped3A : memref<!tpu.dma_semaphore, #tpu.memory_space<semaphore_mem>>) src(%dma_wait3A_466 : memref<512xi32, #tpu.memory_space<hbm>>) dst(%dma_wait3A_465 : memref<512xi32, #tpu.memory_space<vmem>>)
      tpu.yield
    }) : () -> ()
    %dma_start3A_407 = arith.constant 0 : i32
    %dma_start3A_408 = tpu.memref_slice %arg21[%dma_start3A_407] : memref<2048xf32, #tpu.memory_space<vmem>> -> memref<128xf32, #tpu.memory_space<vmem>>
    %dma_start3A_409 = arith.constant 0 : i32
    %dma_start3A_410 = tpu.memref_slice %arg20[%dma_start3A_409] : memref<2048xi32, #tpu.memory_space<vmem>> -> memref<128xi32, #tpu.memory_space<vmem>>
    %dma_start3A_411 = arith.constant 0 : i32
    %dma_start3A_412 = tpu.memref_slice %arg7[%dma_start3A_411] : memref<1048576xf32, #tpu.memory_space<hbm>> -> memref<1048576xf32, #tpu.memory_space<hbm>>
    tpu.enqueue_indirect_dma source(%dma_start3A_412 : memref<1048576xf32, #tpu.memory_space<hbm>>) target(%dma_start3A_408 : memref<128xf32, #tpu.memory_space<vmem>>) offsets(%dma_start3A_410 : memref<128xi32, #tpu.memory_space<vmem>>) semaphore(%arg22 : memref<!tpu.dma_semaphore, #tpu.memory_space<semaphore_mem>>)
    %dma_wait3A_413 = arith.constant 0 : i32
    %dma_wait3A_414 = tpu.memref_slice %arg21[%dma_wait3A_413] : memref<2048xf32, #tpu.memory_space<vmem>> -> memref<128xf32, #tpu.memory_space<vmem>>
    %dma_wait3A_415 = arith.constant 0 : i32
    %dma_wait3A_416 = tpu.memref_slice %arg20[%dma_wait3A_415] : memref<2048xi32, #tpu.memory_space<vmem>> -> memref<128xi32, #tpu.memory_space<vmem>>
    %dma_wait3A_417 = arith.constant 0 : i32
    %dma_wait3A_418 = tpu.memref_slice %arg7[%dma_wait3A_417] : memref<1048576xf32, #tpu.memory_space<hbm>> -> memref<1048576xf32, #tpu.memory_space<hbm>>
    tpu.wait_indirect_dma semaphore(%arg22 : memref<!tpu.dma_semaphore, #tpu.memory_space<semaphore_mem>>) src(%dma_wait3A_418 : memref<1048576xf32, #tpu.memory_space<hbm>>) dst(%dma_wait3A_414 : memref<128xf32, #tpu.memory_space<vmem>>)
    %dma_start3A_419 = arith.constant 128 : i32
    %dma_start3A_420 = tpu.memref_slice %arg21[%dma_start3A_419] : memref<2048xf32, #tpu.memory_space<vmem>> -> memref<128xf32, #tpu.memory_space<vmem>>
    %dma_start3A_421 = arith.constant 128 : i32
    %dma_start3A_422 = tpu.memref_slice %arg20[%dma_start3A_421] : memref<2048xi32, #tpu.memory_space<vmem>> -> memref<128xi32, #tpu.memory_space<vmem>>
    %dma_start3A_423 = arith.constant 0 : i32
    %dma_start3A_424 = tpu.memref_slice %arg7[%dma_start3A_423] : memref<1048576xf32, #tpu.memory_space<hbm>> -> memref<1048576xf32, #tpu.memory_space<hbm>>
    tpu.enqueue_indirect_dma source(%dma_start3A_424 : memref<1048576xf32, #tpu.memory_space<hbm>>) target(%dma_start3A_420 : memref<128xf32, #tpu.memory_space<vmem>>) offsets(%dma_start3A_422 : memref<128xi32, #tpu.memory_space<vmem>>) semaphore(%arg22 : memref<!tpu.dma_semaphore, #tpu.memory_space<semaphore_mem>>)
    %dma_wait3A_425 = arith.constant 128 : i32
    %dma_wait3A_426 = tpu.memref_slice %arg21[%dma_wait3A_425] : memref<2048xf32, #tpu.memory_space<vmem>> -> memref<128xf32, #tpu.memory_space<vmem>>
    %dma_wait3A_427 = arith.constant 128 : i32
    %dma_wait3A_428 = tpu.memref_slice %arg20[%dma_wait3A_427] : memref<2048xi32, #tpu.memory_space<vmem>> -> memref<128xi32, #tpu.memory_space<vmem>>
    %dma_wait3A_429 = arith.constant 0 : i32
    %dma_wait3A_430 = tpu.memref_slice %arg7[%dma_wait3A_429] : memref<1048576xf32, #tpu.memory_space<hbm>> -> memref<1048576xf32, #tpu.memory_space<hbm>>
    tpu.wait_indirect_dma semaphore(%arg22 : memref<!tpu.dma_semaphore, #tpu.memory_space<semaphore_mem>>) src(%dma_wait3A_430 : memref<1048576xf32, #tpu.memory_space<hbm>>) dst(%dma_wait3A_426 : memref<128xf32, #tpu.memory_space<vmem>>)
    %dma_start3A_431 = arith.constant 256 : i32
    %dma_start3A_432 = tpu.memref_slice %arg21[%dma_start3A_431] : memref<2048xf32, #tpu.memory_space<vmem>> -> memref<128xf32, #tpu.memory_space<vmem>>
    %dma_start3A_433 = arith.constant 256 : i32
    %dma_start3A_434 = tpu.memref_slice %arg20[%dma_start3A_433] : memref<2048xi32, #tpu.memory_space<vmem>> -> memref<128xi32, #tpu.memory_space<vmem>>
    %dma_start3A_435 = arith.constant 0 : i32
    %dma_start3A_436 = tpu.memref_slice %arg7[%dma_start3A_435] : memref<1048576xf32, #tpu.memory_space<hbm>> -> memref<1048576xf32, #tpu.memory_space<hbm>>
    tpu.enqueue_indirect_dma source(%dma_start3A_436 : memref<1048576xf32, #tpu.memory_space<hbm>>) target(%dma_start3A_432 : memref<128xf32, #tpu.memory_space<vmem>>) offsets(%dma_start3A_434 : memref<128xi32, #tpu.memory_space<vmem>>) semaphore(%arg22 : memref<!tpu.dma_semaphore, #tpu.memory_space<semaphore_mem>>)
    %dma_wait3A_437 = arith.constant 256 : i32
    %dma_wait3A_438 = tpu.memref_slice %arg21[%dma_wait3A_437] : memref<2048xf32, #tpu.memory_space<vmem>> -> memref<128xf32, #tpu.memory_space<vmem>>
    %dma_wait3A_439 = arith.constant 256 : i32
    %dma_wait3A_440 = tpu.memref_slice %arg20[%dma_wait3A_439] : memref<2048xi32, #tpu.memory_space<vmem>> -> memref<128xi32, #tpu.memory_space<vmem>>
    %dma_wait3A_441 = arith.constant 0 : i32
    %dma_wait3A_442 = tpu.memref_slice %arg7[%dma_wait3A_441] : memref<1048576xf32, #tpu.memory_space<hbm>> -> memref<1048576xf32, #tpu.memory_space<hbm>>
    tpu.wait_indirect_dma semaphore(%arg22 : memref<!tpu.dma_semaphore, #tpu.memory_space<semaphore_mem>>) src(%dma_wait3A_442 : memref<1048576xf32, #tpu.memory_space<hbm>>) dst(%dma_wait3A_438 : memref<128xf32, #tpu.memory_space<vmem>>)
    %dma_start3A_443 = arith.constant 384 : i32
    %dma_start3A_444 = tpu.memref_slice %arg21[%dma_start3A_443] : memref<2048xf32, #tpu.memory_space<vmem>> -> memref<128xf32, #tpu.memory_space<vmem>>
    %dma_start3A_445 = arith.constant 384 : i32
    %dma_start3A_446 = tpu.memref_slice %arg20[%dma_start3A_445] : memref<2048xi32, #tpu.memory_space<vmem>> -> memref<128xi32, #tpu.memory_space<vmem>>
    %dma_start3A_447 = arith.constant 0 : i32
    %dma_start3A_448 = tpu.memref_slice %arg7[%dma_start3A_447] : memref<1048576xf32, #tpu.memory_space<hbm>> -> memref<1048576xf32, #tpu.memory_space<hbm>>
    tpu.enqueue_indirect_dma source(%dma_start3A_448 : memref<1048576xf32, #tpu.memory_space<hbm>>) target(%dma_start3A_444 : memref<128xf32, #tpu.memory_space<vmem>>) offsets(%dma_start3A_446 : memref<128xi32, #tpu.memory_space<vmem>>) semaphore(%arg22 : memref<!tpu.dma_semaphore, #tpu.memory_space<semaphore_mem>>)
    %dma_wait3A_449 = arith.constant 384 : i32
    %dma_wait3A_450 = tpu.memref_slice %arg21[%dma_wait3A_449] : memref<2048xf32, #tpu.memory_space<vmem>> -> memref<128xf32, #tpu.memory_space<vmem>>
    %dma_wait3A_451 = arith.constant 384 : i32
    %dma_wait3A_452 = tpu.memref_slice %arg20[%dma_wait3A_451] : memref<2048xi32, #tpu.memory_space<vmem>> -> memref<128xi32, #tpu.memory_space<vmem>>
    %dma_wait3A_453 = arith.constant 0 : i32
    %dma_wait3A_454 = tpu.memref_slice %arg7[%dma_wait3A_453] : memref<1048576xf32, #tpu.memory_space<hbm>> -> memref<1048576xf32, #tpu.memory_space<hbm>>
    tpu.wait_indirect_dma semaphore(%arg22 : memref<!tpu.dma_semaphore, #tpu.memory_space<semaphore_mem>>) src(%dma_wait3A_454 : memref<1048576xf32, #tpu.memory_space<hbm>>) dst(%dma_wait3A_450 : memref<128xf32, #tpu.memory_space<vmem>>)
    "tpu.region"() ({
      %run_scoped3A = tpu.sem_alloc : memref<!tpu.dma_semaphore, #tpu.memory_space<semaphore_mem>>
      %dma_start3A_455 = arith.constant 0 : i32
      %dma_start3A_456 = tpu.memref_slice %arg21[%dma_start3A_455] : memref<2048xf32, #tpu.memory_space<vmem>> -> memref<512xf32, #tpu.memory_space<vmem>>
      %dma_start3A_457 = tpu.memref_slice %arg19[%mul3A_406] : memref<16384xf32, #tpu.memory_space<hbm>> -> memref<512xf32, #tpu.memory_space<hbm>>
      %dma_start3A_458 = tpu.memref_slice %arg19[%mul3A_406] : memref<16384xf32, #tpu.memory_space<hbm>> -> memref<512xf32, #tpu.memory_space<hbm>>
      %dma_start3A_459 = arith.constant 0 : i32
      %dma_start3A_460 = tpu.memref_slice %arg21[%dma_start3A_459] : memref<2048xf32, #tpu.memory_space<vmem>> -> memref<512xf32, #tpu.memory_space<vmem>>
      tpu.enqueue_dma source(%dma_start3A_460 : memref<512xf32, #tpu.memory_space<vmem>>) target(%dma_start3A_458 : memref<512xf32, #tpu.memory_space<hbm>>) target_semaphore(%run_scoped3A : memref<!tpu.dma_semaphore, #tpu.memory_space<semaphore_mem>>)
      %dma_wait3A_461 = arith.constant 0 : i32
      %dma_wait3A_462 = tpu.memref_slice %arg21[%dma_wait3A_461] : memref<2048xf32, #tpu.memory_space<vmem>> -> memref<512xf32, #tpu.memory_space<vmem>>
      %dma_wait3A_463 = tpu.memref_slice %arg19[%mul3A_406] : memref<16384xf32, #tpu.memory_space<hbm>> -> memref<512xf32, #tpu.memory_space<hbm>>
      %dma_wait3A_464 = tpu.memref_slice %arg19[%mul3A_406] : memref<16384xf32, #tpu.memory_space<hbm>> -> memref<512xf32, #tpu.memory_space<hbm>>
      %dma_wait3A_465 = arith.constant 0 : i32
      %dma_wait3A_466 = tpu.memref_slice %arg21[%dma_wait3A_465] : memref<2048xf32, #tpu.memory_space<vmem>> -> memref<512xf32, #tpu.memory_space<vmem>>
      tpu.wait_dma2 semaphore(%run_scoped3A : memref<!tpu.dma_semaphore, #tpu.memory_space<semaphore_mem>>) src(%dma_wait3A_466 : memref<512xf32, #tpu.memory_space<vmem>>) dst(%dma_wait3A_464 : memref<512xf32, #tpu.memory_space<hbm>>)
      tpu.yield
    }) : () -> ()
    return
  }
}

module attributes {stable_mosaic.version = 14 : i64} {
  func.func @_dense_body(%arg0: i32, %arg1: memref<1x256x256xf32, #tpu.memory_space<vmem>>, %arg2: memref<1x256x256xf32, #tpu.memory_space<vmem>>, %arg3: memref<1x256x256xf32, #tpu.memory_space<vmem>>, %arg4: memref<1x256x256xf32, #tpu.memory_space<vmem>>, %arg5: memref<1x256x256xf32, #tpu.memory_space<vmem>>, %arg6: memref<1x1xf32, #tpu.memory_space<vmem>>, %arg7: memref<1x1xf32, #tpu.memory_space<vmem>>, %arg8: memref<1x1xf32, #tpu.memory_space<vmem>>, %arg9: memref<1x1xf32, #tpu.memory_space<vmem>>, %arg10: memref<1x1xf32, #tpu.memory_space<vmem>>) attributes {dimension_semantics = [#tpu.dimension_semantics<arbitrary>], iteration_bounds = array<i64: 16>, scalar_prefetch = 0 : i64, scratch_operands = 0 : i64, tpu.core_type = #tpu.core_type<tc>, window_params = [{transform_indices = @transform_0, window_bounds = array<i64: 1, 256, 256>}, {transform_indices = @transform_1, window_bounds = array<i64: 1, 256, 256>}, {transform_indices = @transform_2, window_bounds = array<i64: 1, 256, 256>}, {transform_indices = @transform_3, window_bounds = array<i64: 1, 256, 256>}, {transform_indices = @transform_4, window_bounds = array<i64: 1, 256, 256>}, {pipeline_mode = #tpu.pipeline_mode<synchronous>, transform_indices = @transform_5, window_bounds = array<i64: 1, 1>}, {pipeline_mode = #tpu.pipeline_mode<synchronous>, transform_indices = @transform_6, window_bounds = array<i64: 1, 1>}, {pipeline_mode = #tpu.pipeline_mode<synchronous>, transform_indices = @transform_7, window_bounds = array<i64: 1, 1>}, {pipeline_mode = #tpu.pipeline_mode<synchronous>, transform_indices = @transform_8, window_bounds = array<i64: 1, 1>}, {pipeline_mode = #tpu.pipeline_mode<synchronous>, transform_indices = @transform_9, window_bounds = array<i64: 1, 1>}]} {
    %broadcast_in_dim3A = arith.constant 0.000000e+00 : f32
    %broadcast_in_dim3A_0 = vector.broadcast %broadcast_in_dim3A : f32 to vector<1x1xf32>
    %eq3A = arith.constant 0 : i32
    %eq3A_1 = arith.cmpi eq, %arg0, %eq3A : i32
    %convert_element_type3A = arith.extui %eq3A_1 : i1 to i32
    %cond3A = arith.constant 0 : i32
    %cond3A_2 = arith.cmpi ne, %convert_element_type3A, %cond3A : i32
    scf.if %cond3A_2 {
      %swap3A_117 = arith.constant 0 : index
      %swap3A_118 = arith.constant 0 : index
      %swap3A_119 = vector.load %arg6[%swap3A_117, %swap3A_118] : memref<1x1xf32, #tpu.memory_space<vmem>>, vector<1x1xf32>
      tpu.vector_store %arg6[%swap3A_117, %swap3A_118], %broadcast_in_dim3A_0 {strides = array<i32>} : memref<1x1xf32, #tpu.memory_space<vmem>>, vector<1x1xf32>,
      %swap3A_120 = arith.constant 0 : index
      %swap3A_121 = arith.constant 0 : index
      %swap3A_122 = vector.load %arg7[%swap3A_120, %swap3A_121] : memref<1x1xf32, #tpu.memory_space<vmem>>, vector<1x1xf32>
      tpu.vector_store %arg7[%swap3A_120, %swap3A_121], %broadcast_in_dim3A_0 {strides = array<i32>} : memref<1x1xf32, #tpu.memory_space<vmem>>, vector<1x1xf32>,
      %swap3A_123 = arith.constant 0 : index
      %swap3A_124 = arith.constant 0 : index
      %swap3A_125 = vector.load %arg8[%swap3A_123, %swap3A_124] : memref<1x1xf32, #tpu.memory_space<vmem>>, vector<1x1xf32>
      tpu.vector_store %arg8[%swap3A_123, %swap3A_124], %broadcast_in_dim3A_0 {strides = array<i32>} : memref<1x1xf32, #tpu.memory_space<vmem>>, vector<1x1xf32>,
      %swap3A_126 = arith.constant 0 : index
      %swap3A_127 = arith.constant 0 : index
      %swap3A_128 = vector.load %arg9[%swap3A_126, %swap3A_127] : memref<1x1xf32, #tpu.memory_space<vmem>>, vector<1x1xf32>
      tpu.vector_store %arg9[%swap3A_126, %swap3A_127], %broadcast_in_dim3A_0 {strides = array<i32>} : memref<1x1xf32, #tpu.memory_space<vmem>>, vector<1x1xf32>,
      %swap3A_129 = arith.constant 0 : index
      %swap3A_130 = arith.constant 0 : index
      %swap3A_131 = vector.load %arg10[%swap3A_129, %swap3A_130] : memref<1x1xf32, #tpu.memory_space<vmem>>, vector<1x1xf32>
      tpu.vector_store %arg10[%swap3A_129, %swap3A_130], %broadcast_in_dim3A_0 {strides = array<i32>} : memref<1x1xf32, #tpu.memory_space<vmem>>, vector<1x1xf32>,
    } else {
    }
    %get3A = arith.constant 0 : index
    %get3A_3 = arith.constant 0 : index
    %get3A_4 = arith.constant 0 : index
    %get3A_5 = vector.load %arg1[%get3A, %get3A_3, %get3A_4] : memref<1x256x256xf32, #tpu.memory_space<vmem>>, vector<1x256x256xf32>
    %get3A_6 = arith.constant 0 : index
    %get3A_7 = arith.constant 0 : index
    %get3A_8 = arith.constant 0 : index
    %get3A_9 = vector.load %arg2[%get3A_6, %get3A_7, %get3A_8] : memref<1x256x256xf32, #tpu.memory_space<vmem>>, vector<1x256x256xf32>
    %logistic3A = arith.negf %get3A_5 : vector<1x256x256xf32>
    %logistic3A_10 = math.exp %logistic3A : vector<1x256x256xf32>
    %logistic3A_11 = arith.constant 1.000000e+00 : f32
    %logistic3A_12 = vector.broadcast %logistic3A_11 : f32 to vector<1x256x256xf32>
    %logistic3A_13 = arith.addf %logistic3A_12, %logistic3A_10 : vector<1x256x256xf32>
    %logistic3A_14 = arith.divf %logistic3A_12, %logistic3A_13 : vector<1x256x256xf32>
    %jit3A = arith.constant 9.99999974E-5 : f32
    %jit3A_15 = arith.constant 0.999899983 : f32
    %max3A = vector.broadcast %jit3A : f32 to vector<1x256x256xf32>
    %max3A_16 = arith.maximumf %max3A, %logistic3A_14 : vector<1x256x256xf32>
    %min3A = vector.broadcast %jit3A_15 : f32 to vector<1x256x256xf32>
    %min3A_17 = arith.minimumf %min3A, %max3A_16 : vector<1x256x256xf32>
    %eq3A_18 = arith.constant 1.000000e+00 : f32
    %eq3A_19 = vector.broadcast %eq3A_18 : f32 to vector<1x256x256xf32>
    %eq3A_20 = arith.cmpf oeq, %get3A_9, %eq3A_19 : vector<1x256x256xf32>
    %convert_element_type3A_21 = arith.extui %eq3A_20 : vector<1x256x256xi1> to vector<1x256x256xi32>
    %convert_element_type3A_22 = arith.sitofp %convert_element_type3A_21 : vector<1x256x256xi32> to vector<1x256x256xf32>
    %lt3A = arith.constant 1.000000e+00 : f32
    %lt3A_23 = vector.broadcast %lt3A : f32 to vector<1x256x256xf32>
    %lt3A_24 = arith.cmpf olt, %get3A_9, %lt3A_23 : vector<1x256x256xf32>
    %convert_element_type3A_25 = arith.extui %lt3A_24 : vector<1x256x256xi1> to vector<1x256x256xi32>
    %convert_element_type3A_26 = arith.sitofp %convert_element_type3A_25 : vector<1x256x256xi32> to vector<1x256x256xf32>
    %sub3A = arith.constant 1.000000e+00 : f32
    %sub3A_27 = vector.broadcast %sub3A : f32 to vector<1x256x256xf32>
    %sub3A_28 = arith.subf %sub3A_27, %get3A_9 : vector<1x256x256xf32>
    %mul3A = arith.mulf %sub3A_28, %sub3A_28 : vector<1x256x256xf32>
    %mul3A_29 = arith.mulf %mul3A, %mul3A : vector<1x256x256xf32>
    %sub3A_30 = arith.constant 1.000000e+00 : f32
    %sub3A_31 = vector.broadcast %sub3A_30 : f32 to vector<1x256x256xf32>
    %sub3A_32 = arith.subf %sub3A_31, %min3A_17 : vector<1x256x256xf32>
    %get3A_33 = arith.constant 0 : index
    %get3A_34 = arith.constant 0 : index
    %get3A_35 = vector.load %arg6[%get3A_33, %get3A_34] : memref<1x1xf32, #tpu.memory_space<vmem>>, vector<1x1xf32>
    %log3A = math.log %min3A_17 : vector<1x256x256xf32>
    %mul3A_36 = arith.mulf %log3A, %sub3A_32 : vector<1x256x256xf32>
    %mul3A_37 = arith.mulf %mul3A_36, %sub3A_32 : vector<1x256x256xf32>
    %mul3A_38 = arith.mulf %mul3A_37, %convert_element_type3A_22 : vector<1x256x256xf32>
    %reduce_sum3A = vector.shape_cast %mul3A_38 : vector<1x256x256xf32> to vector<1x1x256x256xf32>
    %reduce_sum3A_39 = arith.constant dense<0.000000e+00> : vector<1xf32>
    %reduce_sum3A_40 = vector.multi_reduction <add>, %reduce_sum3A, %reduce_sum3A_39 [1, 2, 3] : vector<1x1x256x256xf32> to vector<1xf32>
    %reduce_sum3A_41 = vector.shape_cast %reduce_sum3A_40 : vector<1xf32> to vector<1x1x1x1xf32>
    %reduce_sum3A_42 = vector.extract %reduce_sum3A_41[0, 0, 0, 0] : f32 from vector<1x1x1x1xf32>
    %reshape3A = vector.broadcast %reduce_sum3A_42 : f32 to vector<1x1xf32>
    %add3A = arith.addf %get3A_35, %reshape3A : vector<1x1xf32>
    %swap3A = arith.constant 0 : index
    %swap3A_43 = arith.constant 0 : index
    %swap3A_44 = vector.load %arg6[%swap3A, %swap3A_43] : memref<1x1xf32, #tpu.memory_space<vmem>>, vector<1x1xf32>
    tpu.vector_store %arg6[%swap3A, %swap3A_43], %add3A {strides = array<i32>} : memref<1x1xf32, #tpu.memory_space<vmem>>, vector<1x1xf32>,
    %get3A_45 = arith.constant 0 : index
    %get3A_46 = arith.constant 0 : index
    %get3A_47 = vector.load %arg7[%get3A_45, %get3A_46] : memref<1x1xf32, #tpu.memory_space<vmem>>, vector<1x1xf32>
    %log3A_48 = math.log %sub3A_32 : vector<1x256x256xf32>
    %mul3A_49 = arith.mulf %log3A_48, %min3A_17 : vector<1x256x256xf32>
    %mul3A_50 = arith.mulf %mul3A_49, %min3A_17 : vector<1x256x256xf32>
    %mul3A_51 = arith.mulf %mul3A_50, %mul3A_29 : vector<1x256x256xf32>
    %mul3A_52 = arith.mulf %mul3A_51, %convert_element_type3A_26 : vector<1x256x256xf32>
    %reduce_sum3A_53 = vector.shape_cast %mul3A_52 : vector<1x256x256xf32> to vector<1x1x256x256xf32>
    %reduce_sum3A_54 = arith.constant dense<0.000000e+00> : vector<1xf32>
    %reduce_sum3A_55 = vector.multi_reduction <add>, %reduce_sum3A_53, %reduce_sum3A_54 [1, 2, 3] : vector<1x1x256x256xf32> to vector<1xf32>
    %reduce_sum3A_56 = vector.shape_cast %reduce_sum3A_55 : vector<1xf32> to vector<1x1x1x1xf32>
    %reduce_sum3A_57 = vector.extract %reduce_sum3A_56[0, 0, 0, 0] : f32 from vector<1x1x1x1xf32>
    %reshape3A_58 = vector.broadcast %reduce_sum3A_57 : f32 to vector<1x1xf32>
    %add3A_59 = arith.addf %get3A_47, %reshape3A_58 : vector<1x1xf32>
    %swap3A_60 = arith.constant 0 : index
    %swap3A_61 = arith.constant 0 : index
    %swap3A_62 = vector.load %arg7[%swap3A_60, %swap3A_61] : memref<1x1xf32, #tpu.memory_space<vmem>>, vector<1x1xf32>
    tpu.vector_store %arg7[%swap3A_60, %swap3A_61], %add3A_59 {strides = array<i32>} : memref<1x1xf32, #tpu.memory_space<vmem>>, vector<1x1xf32>,
    %get3A_63 = arith.constant 0 : index
    %get3A_64 = arith.constant 0 : index
    %get3A_65 = vector.load %arg8[%get3A_63, %get3A_64] : memref<1x1xf32, #tpu.memory_space<vmem>>, vector<1x1xf32>
    %reduce_sum3A_66 = vector.shape_cast %convert_element_type3A_22 : vector<1x256x256xf32> to vector<1x1x256x256xf32>
    %reduce_sum3A_67 = arith.constant dense<0.000000e+00> : vector<1xf32>
    %reduce_sum3A_68 = vector.multi_reduction <add>, %reduce_sum3A_66, %reduce_sum3A_67 [1, 2, 3] : vector<1x1x256x256xf32> to vector<1xf32>
    %reduce_sum3A_69 = vector.shape_cast %reduce_sum3A_68 : vector<1xf32> to vector<1x1x1x1xf32>
    %reduce_sum3A_70 = vector.extract %reduce_sum3A_69[0, 0, 0, 0] : f32 from vector<1x1x1x1xf32>
    %reshape3A_71 = vector.broadcast %reduce_sum3A_70 : f32 to vector<1x1xf32>
    %add3A_72 = arith.addf %get3A_65, %reshape3A_71 : vector<1x1xf32>
    %swap3A_73 = arith.constant 0 : index
    %swap3A_74 = arith.constant 0 : index
    %swap3A_75 = vector.load %arg8[%swap3A_73, %swap3A_74] : memref<1x1xf32, #tpu.memory_space<vmem>>, vector<1x1xf32>
    tpu.vector_store %arg8[%swap3A_73, %swap3A_74], %add3A_72 {strides = array<i32>} : memref<1x1xf32, #tpu.memory_space<vmem>>, vector<1x1xf32>,
    %get3A_76 = arith.constant 0 : index
    %get3A_77 = arith.constant 0 : index
    %get3A_78 = arith.constant 0 : index
    %get3A_79 = vector.load %arg3[%get3A_76, %get3A_77, %get3A_78] : memref<1x256x256xf32, #tpu.memory_space<vmem>>, vector<1x256x256xf32>
    %get3A_80 = arith.constant 0 : index
    %get3A_81 = arith.constant 0 : index
    %get3A_82 = arith.constant 0 : index
    %get3A_83 = vector.load %arg4[%get3A_80, %get3A_81, %get3A_82] : memref<1x256x256xf32, #tpu.memory_space<vmem>>, vector<1x256x256xf32>
    %get3A_84 = arith.constant 0 : index
    %get3A_85 = arith.constant 0 : index
    %get3A_86 = arith.constant 0 : index
    %get3A_87 = vector.load %arg5[%get3A_84, %get3A_85, %get3A_86] : memref<1x256x256xf32, #tpu.memory_space<vmem>>, vector<1x256x256xf32>
    %get3A_88 = arith.constant 0 : index
    %get3A_89 = arith.constant 0 : index
    %get3A_90 = vector.load %arg9[%get3A_88, %get3A_89] : memref<1x1xf32, #tpu.memory_space<vmem>>, vector<1x1xf32>
    %mul3A_91 = arith.mulf %get3A_79, %get3A_87 : vector<1x256x256xf32>
    %mul3A_92 = arith.mulf %get3A_83, %get3A_87 : vector<1x256x256xf32>
    %sub3A_93 = arith.subf %mul3A_91, %mul3A_92 : vector<1x256x256xf32>
    %abs3A = math.absf %sub3A_93 : vector<1x256x256xf32>
    %reduce_sum3A_94 = vector.shape_cast %abs3A : vector<1x256x256xf32> to vector<1x1x256x256xf32>
    %reduce_sum3A_95 = arith.constant dense<0.000000e+00> : vector<1xf32>
    %reduce_sum3A_96 = vector.multi_reduction <add>, %reduce_sum3A_94, %reduce_sum3A_95 [1, 2, 3] : vector<1x1x256x256xf32> to vector<1xf32>
    %reduce_sum3A_97 = vector.shape_cast %reduce_sum3A_96 : vector<1xf32> to vector<1x1x1x1xf32>
    %reduce_sum3A_98 = vector.extract %reduce_sum3A_97[0, 0, 0, 0] : f32 from vector<1x1x1x1xf32>
    %reshape3A_99 = vector.broadcast %reduce_sum3A_98 : f32 to vector<1x1xf32>
    %add3A_100 = arith.addf %get3A_90, %reshape3A_99 : vector<1x1xf32>
    %swap3A_101 = arith.constant 0 : index
    %swap3A_102 = arith.constant 0 : index
    %swap3A_103 = vector.load %arg9[%swap3A_101, %swap3A_102] : memref<1x1xf32, #tpu.memory_space<vmem>>, vector<1x1xf32>
    tpu.vector_store %arg9[%swap3A_101, %swap3A_102], %add3A_100 {strides = array<i32>} : memref<1x1xf32, #tpu.memory_space<vmem>>, vector<1x1xf32>,
    %get3A_104 = arith.constant 0 : index
    %get3A_105 = arith.constant 0 : index
    %get3A_106 = vector.load %arg10[%get3A_104, %get3A_105] : memref<1x1xf32, #tpu.memory_space<vmem>>, vector<1x1xf32>
    %reduce_sum3A_107 = vector.shape_cast %get3A_87 : vector<1x256x256xf32> to vector<1x1x256x256xf32>
    %reduce_sum3A_108 = arith.constant dense<0.000000e+00> : vector<1xf32>
    %reduce_sum3A_109 = vector.multi_reduction <add>, %reduce_sum3A_107, %reduce_sum3A_108 [1, 2, 3] : vector<1x1x256x256xf32> to vector<1xf32>
    %reduce_sum3A_110 = vector.shape_cast %reduce_sum3A_109 : vector<1xf32> to vector<1x1x1x1xf32>
    %reduce_sum3A_111 = vector.extract %reduce_sum3A_110[0, 0, 0, 0] : f32 from vector<1x1x1x1xf32>
    %reshape3A_112 = vector.broadcast %reduce_sum3A_111 : f32 to vector<1x1xf32>
    %add3A_113 = arith.addf %get3A_106, %reshape3A_112 : vector<1x1xf32>
    %swap3A_114 = arith.constant 0 : index
    %swap3A_115 = arith.constant 0 : index
    %swap3A_116 = vector.load %arg10[%swap3A_114, %swap3A_115] : memref<1x1xf32, #tpu.memory_space<vmem>>, vector<1x1xf32>
    tpu.vector_store %arg10[%swap3A_114, %swap3A_115], %add3A_113 {strides = array<i32>} : memref<1x1xf32, #tpu.memory_space<vmem>>, vector<1x1xf32>,
    return
  }
  func.func @transform_0(%arg0: i32) -> (i32, i32, i32) {
    %c0_i32 = arith.constant 0 : i32
    %c0_i32_0 = arith.constant 0 : i32
    %c0_i32_1 = arith.constant 0 : i32
    return %arg0, %c0_i32, %c0_i32_0 : i32, i32, i32
  }
  func.func @transform_1(%arg0: i32) -> (i32, i32, i32) {
    %c0_i32 = arith.constant 0 : i32
    %c0_i32_0 = arith.constant 0 : i32
    %c0_i32_1 = arith.constant 0 : i32
    return %arg0, %c0_i32, %c0_i32_0 : i32, i32, i32
  }
  func.func @transform_2(%arg0: i32) -> (i32, i32, i32) {
    %c0_i32 = arith.constant 0 : i32
    %c0_i32_0 = arith.constant 0 : i32
    %c0_i32_1 = arith.constant 0 : i32
    return %arg0, %c0_i32, %c0_i32_0 : i32, i32, i32
  }
  func.func @transform_3(%arg0: i32) -> (i32, i32, i32) {
    %c0_i32 = arith.constant 0 : i32
    %c0_i32_0 = arith.constant 0 : i32
    %c0_i32_1 = arith.constant 0 : i32
    return %arg0, %c0_i32, %c0_i32_0 : i32, i32, i32
  }
  func.func @transform_4(%arg0: i32) -> (i32, i32, i32) {
    %c0_i32 = arith.constant 0 : i32
    %c0_i32_0 = arith.constant 0 : i32
    %c0_i32_1 = arith.constant 0 : i32
    return %arg0, %c0_i32, %c0_i32_0 : i32, i32, i32
  }
  func.func @transform_5(%arg0: i32) -> (i32, i32) {
    %c0_i32 = arith.constant 0 : i32
    %c0_i32_0 = arith.constant 0 : i32
    %c0_i32_1 = arith.constant 0 : i32
    return %c0_i32, %c0_i32_0 : i32, i32
  }
  func.func @transform_6(%arg0: i32) -> (i32, i32) {
    %c0_i32 = arith.constant 0 : i32
    %c0_i32_0 = arith.constant 0 : i32
    %c0_i32_1 = arith.constant 0 : i32
    return %c0_i32, %c0_i32_0 : i32, i32
  }
  func.func @transform_7(%arg0: i32) -> (i32, i32) {
    %c0_i32 = arith.constant 0 : i32
    %c0_i32_0 = arith.constant 0 : i32
    %c0_i32_1 = arith.constant 0 : i32
    return %c0_i32, %c0_i32_0 : i32, i32
  }
  func.func @transform_8(%arg0: i32) -> (i32, i32) {
    %c0_i32 = arith.constant 0 : i32
    %c0_i32_0 = arith.constant 0 : i32
    %c0_i32_1 = arith.constant 0 : i32
    return %c0_i32, %c0_i32_0 : i32, i32
  }
  func.func @transform_9(%arg0: i32) -> (i32, i32) {
    %c0_i32 = arith.constant 0 : i32
    %c0_i32_0 = arith.constant 0 : i32
    %c0_i32_1 = arith.constant 0 : i32
    return %c0_i32, %c0_i32_0 : i32, i32
  }
}

module attributes {stable_mosaic.version = 14 : i64} {
  func.func @_final_body(%arg0: memref<8x1280x2xf32, #tpu.memory_space<vmem>>, %arg1: memref<8x1280x2xf32, #tpu.memory_space<vmem>>, %arg2: memref<8x1280xf32, #tpu.memory_space<vmem>>, %arg3: memref<8x256x8xf32, #tpu.memory_space<vmem>>, %arg4: memref<8x256x8xf32, #tpu.memory_space<vmem>>, %arg5: memref<8x256xf32, #tpu.memory_space<vmem>>, %arg6: memref<8x1024x8xf32, #tpu.memory_space<vmem>>, %arg7: memref<8x1024x8xf32, #tpu.memory_space<vmem>>, %arg8: memref<8x1024xf32, #tpu.memory_space<vmem>>, %arg9: memref<8x256x8xf32, #tpu.memory_space<vmem>>, %arg10: memref<8x256x8xf32, #tpu.memory_space<vmem>>, %arg11: memref<8x256x4x2xf32, #tpu.memory_space<vmem>>, %arg12: memref<8x256x2xf32, #tpu.memory_space<vmem>>, %arg13: memref<1x1xf32, #tpu.memory_space<vmem>>, %arg14: memref<1x1xf32, #tpu.memory_space<vmem>>, %arg15: memref<1x1xf32, #tpu.memory_space<vmem>>, %arg16: memref<1x1xf32, #tpu.memory_space<vmem>>, %arg17: memref<1x1xf32, #tpu.memory_space<vmem>>, %arg18: memref<1x1xf32, #tpu.memory_space<vmem>>, %arg19: memref<1x1xf32, #tpu.memory_space<vmem>>, %arg20: memref<1x1xf32, #tpu.memory_space<vmem>>, %arg21: memref<1x1xf32, #tpu.memory_space<vmem>>, %arg22: memref<1x1xf32, #tpu.memory_space<vmem>>, %arg23: memref<1x1xf32, #tpu.memory_space<vmem>>, %arg24: memref<1x1xf32, #tpu.memory_space<vmem>>, %arg25: memref<1x1xf32, #tpu.memory_space<vmem>>) attributes {dimension_semantics = [], scalar_prefetch = 0 : i64, scratch_operands = 0 : i64, tpu.core_type = #tpu.core_type<tc>} {
    %get3A = arith.constant 0 : index
    %get3A_0 = arith.constant 0 : index
    %get3A_1 = vector.load %arg13[%get3A, %get3A_0] : memref<1x1xf32, #tpu.memory_space<vmem>>, vector<1x1xf32>
    %get3A_2 = arith.constant 0 : index
    %get3A_3 = arith.constant 0 : index
    %get3A_4 = vector.load %arg14[%get3A_2, %get3A_3] : memref<1x1xf32, #tpu.memory_space<vmem>>, vector<1x1xf32>
    %get3A_5 = arith.constant 0 : index
    %get3A_6 = arith.constant 0 : index
    %get3A_7 = vector.load %arg15[%get3A_5, %get3A_6] : memref<1x1xf32, #tpu.memory_space<vmem>>, vector<1x1xf32>
    %eq3A = arith.constant 0.000000e+00 : f32
    %eq3A_8 = vector.broadcast %eq3A : f32 to vector<1x1xf32>
    %eq3A_9 = arith.cmpf oeq, %get3A_7, %eq3A_8 : vector<1x1xf32>
    %neg3A = arith.constant 0.000000e+00 : f32
    %neg3A_10 = vector.broadcast %neg3A : f32 to vector<1x1xf32>
    %neg3A_11 = arith.subf %neg3A_10, %get3A_4 : vector<1x1xf32>
    %add3A = arith.addf %get3A_1, %get3A_4 : vector<1x1xf32>
    %neg3A_12 = arith.constant 0.000000e+00 : f32
    %neg3A_13 = vector.broadcast %neg3A_12 : f32 to vector<1x1xf32>
    %neg3A_14 = arith.subf %neg3A_13, %add3A : vector<1x1xf32>
    %eq3A_15 = arith.constant 0.000000e+00 : f32
    %eq3A_16 = vector.broadcast %eq3A_15 : f32 to vector<1x1xf32>
    %eq3A_17 = arith.cmpf oeq, %get3A_7, %eq3A_16 : vector<1x1xf32>
    %jit3A = arith.constant 1.000000e+00 : f32
    %broadcast_in_dim3A = vector.broadcast %jit3A : f32 to vector<1x1xf32>
    %select_n3A = arith.select %eq3A_17, %broadcast_in_dim3A, %get3A_7 : vector<1x1xi1>, vector<1x1xf32>
    %div3A = arith.divf %neg3A_14, %select_n3A : vector<1x1xf32>
    %select_n3A_18 = arith.select %eq3A_9, %neg3A_11, %div3A : vector<1x1xi1>, vector<1x1xf32>
    %get3A_19 = arith.constant 0 : index
    %get3A_20 = arith.constant 0 : index
    %get3A_21 = arith.constant 0 : index
    %get3A_22 = vector.load %arg0[%get3A_19, %get3A_20, %get3A_21] : memref<8x1280x2xf32, #tpu.memory_space<vmem>>, vector<8x1280x2xf32>
    %get3A_23 = arith.constant 0 : index
    %get3A_24 = arith.constant 0 : index
    %get3A_25 = arith.constant 0 : index
    %get3A_26 = vector.load %arg1[%get3A_23, %get3A_24, %get3A_25] : memref<8x1280x2xf32, #tpu.memory_space<vmem>>, vector<8x1280x2xf32>
    %get3A_27 = arith.constant 0 : index
    %get3A_28 = arith.constant 0 : index
    %get3A_29 = vector.load %arg2[%get3A_27, %get3A_28] : memref<8x1280xf32, #tpu.memory_space<vmem>>, vector<8x1280xf32>
    %broadcast_in_dim3A_30 = vector.shape_cast %get3A_29 : vector<8x1280xf32> to vector<8x1280x1xf32>
    %mul3A = vector.broadcast %broadcast_in_dim3A_30 : vector<8x1280x1xf32> to vector<8x1280x2xf32>
    %mul3A_31 = arith.mulf %get3A_22, %mul3A : vector<8x1280x2xf32>
    %mul3A_32 = vector.broadcast %broadcast_in_dim3A_30 : vector<8x1280x1xf32> to vector<8x1280x2xf32>
    %mul3A_33 = arith.mulf %get3A_26, %mul3A_32 : vector<8x1280x2xf32>
    %sub3A = arith.subf %mul3A_31, %mul3A_33 : vector<8x1280x2xf32>
    %abs3A = math.absf %sub3A : vector<8x1280x2xf32>
    %reduce_sum3A = vector.shape_cast %abs3A : vector<8x1280x2xf32> to vector<1x8x1280x2xf32>
    %reduce_sum3A_34 = arith.constant dense<0.000000e+00> : vector<1xf32>
    %reduce_sum3A_35 = vector.multi_reduction <add>, %reduce_sum3A, %reduce_sum3A_34 [1, 2, 3] : vector<1x8x1280x2xf32> to vector<1xf32>
    %reduce_sum3A_36 = vector.shape_cast %reduce_sum3A_35 : vector<1xf32> to vector<1x1x1x1xf32>
    %reduce_sum3A_37 = vector.extract %reduce_sum3A_36[0, 0, 0, 0] : f32 from vector<1x1x1x1xf32>
    %reshape3A = vector.broadcast %reduce_sum3A_37 : f32 to vector<1x1xf32>
    %squeeze3A = vector.shape_cast %broadcast_in_dim3A_30 : vector<8x1280x1xf32> to vector<8x1280xf32>
    %reduce_sum3A_38 = vector.shape_cast %squeeze3A : vector<8x1280xf32> to vector<1x8x1280xf32>
    %reduce_sum3A_39 = arith.constant dense<0.000000e+00> : vector<1xf32>
    %reduce_sum3A_40 = vector.multi_reduction <add>, %reduce_sum3A_38, %reduce_sum3A_39 [1, 2] : vector<1x8x1280xf32> to vector<1xf32>
    %reduce_sum3A_41 = vector.shape_cast %reduce_sum3A_40 : vector<1xf32> to vector<1x1x1xf32>
    %reduce_sum3A_42 = vector.extract %reduce_sum3A_41[0, 0, 0] : f32 from vector<1x1x1xf32>
    %reshape3A_43 = vector.broadcast %reduce_sum3A_42 : f32 to vector<1x1xf32>
    %mul3A_44 = arith.constant 2.000000e+00 : f32
    %mul3A_45 = vector.broadcast %mul3A_44 : f32 to vector<1x1xf32>
    %mul3A_46 = arith.mulf %mul3A_45, %reshape3A_43 : vector<1x1xf32>
    %add3A_47 = arith.constant 9.99999974E-5 : f32
    %add3A_48 = vector.broadcast %add3A_47 : f32 to vector<1x1xf32>
    %add3A_49 = arith.addf %mul3A_46, %add3A_48 : vector<1x1xf32>
    %div3A_50 = arith.divf %reshape3A, %add3A_49 : vector<1x1xf32>
    %get3A_51 = arith.constant 0 : index
    %get3A_52 = arith.constant 0 : index
    %get3A_53 = arith.constant 0 : index
    %get3A_54 = vector.load %arg3[%get3A_51, %get3A_52, %get3A_53] : memref<8x256x8xf32, #tpu.memory_space<vmem>>, vector<8x256x8xf32>
    %get3A_55 = arith.constant 0 : index
    %get3A_56 = arith.constant 0 : index
    %get3A_57 = arith.constant 0 : index
    %get3A_58 = vector.load %arg4[%get3A_55, %get3A_56, %get3A_57] : memref<8x256x8xf32, #tpu.memory_space<vmem>>, vector<8x256x8xf32>
    %get3A_59 = arith.constant 0 : index
    %get3A_60 = arith.constant 0 : index
    %get3A_61 = arith.constant 0 : index
    %get3A_62 = vector.load %arg9[%get3A_59, %get3A_60, %get3A_61] : memref<8x256x8xf32, #tpu.memory_space<vmem>>, vector<8x256x8xf32>
    %get3A_63 = arith.constant 0 : index
    %get3A_64 = arith.constant 0 : index
    %get3A_65 = arith.constant 0 : index
    %get3A_66 = vector.load %arg10[%get3A_63, %get3A_64, %get3A_65] : memref<8x256x8xf32, #tpu.memory_space<vmem>>, vector<8x256x8xf32>
    %get3A_67 = arith.constant 0 : index
    %get3A_68 = arith.constant 0 : index
    %get3A_69 = vector.load %arg5[%get3A_67, %get3A_68] : memref<8x256xf32, #tpu.memory_space<vmem>>, vector<8x256xf32>
    %broadcast_in_dim3A_70 = vector.shape_cast %get3A_69 : vector<8x256xf32> to vector<8x256x1xf32>
    %squeeze3A_71 = vector.shape_cast %broadcast_in_dim3A_70 : vector<8x256x1xf32> to vector<8x256xf32>
    %reduce_sum3A_72 = vector.shape_cast %squeeze3A_71 : vector<8x256xf32> to vector<1x8x256xf32>
    %reduce_sum3A_73 = arith.constant dense<0.000000e+00> : vector<1xf32>
    %reduce_sum3A_74 = vector.multi_reduction <add>, %reduce_sum3A_72, %reduce_sum3A_73 [1, 2] : vector<1x8x256xf32> to vector<1xf32>
    %reduce_sum3A_75 = vector.shape_cast %reduce_sum3A_74 : vector<1xf32> to vector<1x1x1xf32>
    %reduce_sum3A_76 = vector.extract %reduce_sum3A_75[0, 0, 0] : f32 from vector<1x1x1xf32>
    %reshape3A_77 = vector.broadcast %reduce_sum3A_76 : f32 to vector<1x1xf32>
    %mul3A_78 = arith.constant 8.000000e+00 : f32
    %mul3A_79 = vector.broadcast %mul3A_78 : f32 to vector<1x1xf32>
    %mul3A_80 = arith.mulf %mul3A_79, %reshape3A_77 : vector<1x1xf32>
    %add3A_81 = arith.constant 9.99999974E-5 : f32
    %add3A_82 = vector.broadcast %add3A_81 : f32 to vector<1x1xf32>
    %add3A_83 = arith.addf %mul3A_80, %add3A_82 : vector<1x1xf32>
    %sub3A_84 = arith.subf %get3A_54, %get3A_58 : vector<8x256x8xf32>
    %abs3A_85 = math.absf %sub3A_84 : vector<8x256x8xf32>
    %sub3A_86 = arith.subf %get3A_62, %get3A_66 : vector<8x256x8xf32>
    %abs3A_87 = math.absf %sub3A_86 : vector<8x256x8xf32>
    %add3A_88 = arith.addf %abs3A_85, %abs3A_87 : vector<8x256x8xf32>
    %abs3A_89 = math.absf %get3A_58 : vector<8x256x8xf32>
    %add3A_90 = arith.constant 9.99999974E-5 : f32
    %add3A_91 = vector.broadcast %add3A_90 : f32 to vector<8x256x8xf32>
    %add3A_92 = arith.addf %abs3A_89, %add3A_91 : vector<8x256x8xf32>
    %div3A_93 = arith.divf %add3A_88, %add3A_92 : vector<8x256x8xf32>
    %min3A = arith.constant 1.000000e+00 : f32
    %min3A_94 = vector.broadcast %min3A : f32 to vector<8x256x8xf32>
    %min3A_95 = arith.minimumf %div3A_93, %min3A_94 : vector<8x256x8xf32>
    %mul3A_96 = arith.constant 1.57079601 : f32
    %mul3A_97 = vector.broadcast %mul3A_96 : f32 to vector<8x256x8xf32>
    %mul3A_98 = arith.mulf %mul3A_97, %min3A_95 : vector<8x256x8xf32>
    %sin3A = math.sin %mul3A_98 : vector<8x256x8xf32>
    %mul3A_99 = vector.broadcast %broadcast_in_dim3A_70 : vector<8x256x1xf32> to vector<8x256x8xf32>
    %mul3A_100 = arith.mulf %get3A_54, %mul3A_99 : vector<8x256x8xf32>
    %mul3A_101 = arith.mulf %mul3A_100, %sin3A : vector<8x256x8xf32>
    %mul3A_102 = vector.broadcast %broadcast_in_dim3A_70 : vector<8x256x1xf32> to vector<8x256x8xf32>
    %mul3A_103 = arith.mulf %get3A_58, %mul3A_102 : vector<8x256x8xf32>
    %mul3A_104 = arith.mulf %mul3A_103, %sin3A : vector<8x256x8xf32>
    %sub3A_105 = arith.subf %mul3A_101, %mul3A_104 : vector<8x256x8xf32>
    %abs3A_106 = math.absf %sub3A_105 : vector<8x256x8xf32>
    %reduce_sum3A_107 = vector.shape_cast %abs3A_106 : vector<8x256x8xf32> to vector<1x8x256x8xf32>
    %reduce_sum3A_108 = arith.constant dense<0.000000e+00> : vector<1xf32>
    %reduce_sum3A_109 = vector.multi_reduction <add>, %reduce_sum3A_107, %reduce_sum3A_108 [1, 2, 3] : vector<1x8x256x8xf32> to vector<1xf32>
    %reduce_sum3A_110 = vector.shape_cast %reduce_sum3A_109 : vector<1xf32> to vector<1x1x1x1xf32>
    %reduce_sum3A_111 = vector.extract %reduce_sum3A_110[0, 0, 0, 0] : f32 from vector<1x1x1x1xf32>
    %reshape3A_112 = vector.broadcast %reduce_sum3A_111 : f32 to vector<1x1xf32>
    %div3A_113 = arith.divf %reshape3A_112, %add3A_83 : vector<1x1xf32>
    %mul3A_114 = vector.broadcast %broadcast_in_dim3A_70 : vector<8x256x1xf32> to vector<8x256x8xf32>
    %mul3A_115 = arith.mulf %get3A_62, %mul3A_114 : vector<8x256x8xf32>
    %mul3A_116 = arith.mulf %mul3A_115, %sin3A : vector<8x256x8xf32>
    %mul3A_117 = vector.broadcast %broadcast_in_dim3A_70 : vector<8x256x1xf32> to vector<8x256x8xf32>
    %mul3A_118 = arith.mulf %get3A_66, %mul3A_117 : vector<8x256x8xf32>
    %mul3A_119 = arith.mulf %mul3A_118, %sin3A : vector<8x256x8xf32>
    %sub3A_120 = arith.subf %mul3A_116, %mul3A_119 : vector<8x256x8xf32>
    %abs3A_121 = math.absf %sub3A_120 : vector<8x256x8xf32>
    %reduce_sum3A_122 = vector.shape_cast %abs3A_121 : vector<8x256x8xf32> to vector<1x8x256x8xf32>
    %reduce_sum3A_123 = arith.constant dense<0.000000e+00> : vector<1xf32>
    %reduce_sum3A_124 = vector.multi_reduction <add>, %reduce_sum3A_122, %reduce_sum3A_123 [1, 2, 3] : vector<1x8x256x8xf32> to vector<1xf32>
    %reduce_sum3A_125 = vector.shape_cast %reduce_sum3A_124 : vector<1xf32> to vector<1x1x1x1xf32>
    %reduce_sum3A_126 = vector.extract %reduce_sum3A_125[0, 0, 0, 0] : f32 from vector<1x1x1x1xf32>
    %reshape3A_127 = vector.broadcast %reduce_sum3A_126 : f32 to vector<1x1xf32>
    %div3A_128 = arith.divf %reshape3A_127, %add3A_83 : vector<1x1xf32>
    %mul3A_129 = arith.constant 5.000000e-01 : f32
    %mul3A_130 = vector.broadcast %mul3A_129 : f32 to vector<1x1xf32>
    %mul3A_131 = arith.mulf %mul3A_130, %div3A_128 : vector<1x1xf32>
    %get3A_132 = arith.constant 0 : index
    %get3A_133 = arith.constant 0 : index
    %get3A_134 = arith.constant 0 : index
    %get3A_135 = vector.load %arg6[%get3A_132, %get3A_133, %get3A_134] : memref<8x1024x8xf32, #tpu.memory_space<vmem>>, vector<8x1024x8xf32>
    %get3A_136 = arith.constant 0 : index
    %get3A_137 = arith.constant 0 : index
    %get3A_138 = arith.constant 0 : index
    %get3A_139 = vector.load %arg7[%get3A_136, %get3A_137, %get3A_138] : memref<8x1024x8xf32, #tpu.memory_space<vmem>>, vector<8x1024x8xf32>
    %get3A_140 = arith.constant 0 : index
    %get3A_141 = arith.constant 0 : index
    %get3A_142 = vector.load %arg8[%get3A_140, %get3A_141] : memref<8x1024xf32, #tpu.memory_space<vmem>>, vector<8x1024xf32>
    %broadcast_in_dim3A_143 = vector.shape_cast %get3A_142 : vector<8x1024xf32> to vector<8x1024x1xf32>
    %broadcast_in_dim3A_144 = arith.constant 1.000000e+00 : f32
    %broadcast_in_dim3A_145 = vector.broadcast %broadcast_in_dim3A_144 : f32 to vector<8x1024x8xf32>
    %mul3A_146 = vector.broadcast %broadcast_in_dim3A_143 : vector<8x1024x1xf32> to vector<8x1024x8xf32>
    %mul3A_147 = arith.mulf %mul3A_146, %broadcast_in_dim3A_145 : vector<8x1024x8xf32>
    %eq3A_148 = arith.constant 0.000000e+00 : f32
    %eq3A_149 = vector.broadcast %eq3A_148 : f32 to vector<8x1024x8xf32>
    %eq3A_150 = arith.cmpf oeq, %get3A_139, %eq3A_149 : vector<8x1024x8xf32>
    %convert_element_type3A = arith.extui %eq3A_150 : vector<8x1024x8xi1> to vector<8x1024x8xi32>
    %convert_element_type3A_151 = arith.sitofp %convert_element_type3A : vector<8x1024x8xi32> to vector<8x1024x8xf32>
    %eq3A_152 = arith.cmpf oeq, %convert_element_type3A_151, %mul3A_147 : vector<8x1024x8xf32>
    %convert_element_type3A_153 = arith.extui %eq3A_152 : vector<8x1024x8xi1> to vector<8x1024x8xi32>
    %convert_element_type3A_154 = arith.sitofp %convert_element_type3A_153 : vector<8x1024x8xi32> to vector<8x1024x8xf32>
    %mul3A_155 = arith.mulf %get3A_135, %convert_element_type3A_154 : vector<8x1024x8xf32>
    %mul3A_156 = arith.mulf %get3A_139, %convert_element_type3A_154 : vector<8x1024x8xf32>
    %sub3A_157 = arith.subf %mul3A_155, %mul3A_156 : vector<8x1024x8xf32>
    %abs3A_158 = math.absf %sub3A_157 : vector<8x1024x8xf32>
    %reduce_sum3A_159 = vector.shape_cast %abs3A_158 : vector<8x1024x8xf32> to vector<1x8x1024x8xf32>
    %reduce_sum3A_160 = arith.constant dense<0.000000e+00> : vector<1xf32>
    %reduce_sum3A_161 = vector.multi_reduction <add>, %reduce_sum3A_159, %reduce_sum3A_160 [1, 2, 3] : vector<1x8x1024x8xf32> to vector<1xf32>
    %reduce_sum3A_162 = vector.shape_cast %reduce_sum3A_161 : vector<1xf32> to vector<1x1x1x1xf32>
    %reduce_sum3A_163 = vector.extract %reduce_sum3A_162[0, 0, 0, 0] : f32 from vector<1x1x1x1xf32>
    %reshape3A_164 = vector.broadcast %reduce_sum3A_163 : f32 to vector<1x1xf32>
    %reduce_sum3A_165 = vector.shape_cast %convert_element_type3A_154 : vector<8x1024x8xf32> to vector<1x8x1024x8xf32>
    %reduce_sum3A_166 = arith.constant dense<0.000000e+00> : vector<1xf32>
    %reduce_sum3A_167 = vector.multi_reduction <add>, %reduce_sum3A_165, %reduce_sum3A_166 [1, 2, 3] : vector<1x8x1024x8xf32> to vector<1xf32>
    %reduce_sum3A_168 = vector.shape_cast %reduce_sum3A_167 : vector<1xf32> to vector<1x1x1x1xf32>
    %reduce_sum3A_169 = vector.extract %reduce_sum3A_168[0, 0, 0, 0] : f32 from vector<1x1x1x1xf32>
    %reshape3A_170 = vector.broadcast %reduce_sum3A_169 : f32 to vector<1x1xf32>
    %add3A_171 = arith.constant 9.99999974E-5 : f32
    %add3A_172 = vector.broadcast %add3A_171 : f32 to vector<1x1xf32>
    %add3A_173 = arith.addf %reshape3A_170, %add3A_172 : vector<1x1xf32>
    %div3A_174 = arith.divf %reshape3A_164, %add3A_173 : vector<1x1xf32>
    %mul3A_175 = arith.constant 2.000000e-01 : f32
    %mul3A_176 = vector.broadcast %mul3A_175 : f32 to vector<1x1xf32>
    %mul3A_177 = arith.mulf %mul3A_176, %div3A_174 : vector<1x1xf32>
    %get3A_178 = arith.constant 0 : index
    %get3A_179 = arith.constant 0 : index
    %get3A_180 = arith.constant 0 : index
    %get3A_181 = arith.constant 0 : index
    %get3A_182 = vector.load %arg11[%get3A_178, %get3A_179, %get3A_180, %get3A_181] : memref<8x256x4x2xf32, #tpu.memory_space<vmem>>, vector<8x256x4x2xf32>
    %slice3A = vector.extract_strided_slice %get3A_182 {offsets = [0, 0, 0, 0], sizes = [8, 256, 4, 1], strides = [1, 1, 1, 1]} : vector<8x256x4x2xf32> to vector<8x256x4x1xf32>
    %squeeze3A_183 = vector.shape_cast %slice3A : vector<8x256x4x1xf32> to vector<8x256x4xf32>
    %slice3A_184 = vector.extract_strided_slice %get3A_182 {offsets = [0, 0, 0, 1], sizes = [8, 256, 4, 1], strides = [1, 1, 1, 1]} : vector<8x256x4x2xf32> to vector<8x256x4x1xf32>
    %squeeze3A_185 = vector.shape_cast %slice3A_184 : vector<8x256x4x1xf32> to vector<8x256x4xf32>
    %slice3A_186 = vector.extract_strided_slice %squeeze3A_183 {offsets = [0, 0, 1], sizes = [8, 256, 2], strides = [1, 1, 1]} : vector<8x256x4xf32> to vector<8x256x2xf32>
    %slice3A_187 = vector.extract_strided_slice %squeeze3A_183 {offsets = [0, 0, 0], sizes = [8, 256, 1], strides = [1, 1, 1]} : vector<8x256x4xf32> to vector<8x256x1xf32>
    %slice3A_188 = vector.extract_strided_slice %squeeze3A_183 {offsets = [0, 0, 3], sizes = [8, 256, 1], strides = [1, 1, 1]} : vector<8x256x4xf32> to vector<8x256x1xf32>
    %concatenate3A = tpu.concatenate %slice3A_187, %slice3A_188 in 2 : vector<8x256x1xf32>, vector<8x256x1xf32> -> vector<8x256x2xf32>
    %sub3A_189 = arith.subf %slice3A_186, %concatenate3A : vector<8x256x2xf32>
    %slice3A_190 = vector.extract_strided_slice %squeeze3A_185 {offsets = [0, 0, 3], sizes = [8, 256, 1], strides = [1, 1, 1]} : vector<8x256x4xf32> to vector<8x256x1xf32>
    %slice3A_191 = vector.extract_strided_slice %squeeze3A_185 {offsets = [0, 0, 2], sizes = [8, 256, 1], strides = [1, 1, 1]} : vector<8x256x4xf32> to vector<8x256x1xf32>
    %concatenate3A_192 = tpu.concatenate %slice3A_190, %slice3A_191 in 2 : vector<8x256x1xf32>, vector<8x256x1xf32> -> vector<8x256x2xf32>
    %slice3A_193 = vector.extract_strided_slice %squeeze3A_185 {offsets = [0, 0, 0], sizes = [8, 256, 2], strides = [1, 1, 1]} : vector<8x256x4xf32> to vector<8x256x2xf32>
    %sub3A_194 = arith.subf %concatenate3A_192, %slice3A_193 : vector<8x256x2xf32>
    %get3A_195 = arith.constant 0 : index
    %get3A_196 = arith.constant 0 : index
    %get3A_197 = arith.constant 0 : index
    %get3A_198 = vector.load %arg12[%get3A_195, %get3A_196, %get3A_197] : memref<8x256x2xf32, #tpu.memory_space<vmem>>, vector<8x256x2xf32>
    %broadcast_in_dim3A_199 = arith.constant 1.000000e+00 : f32
    %broadcast_in_dim3A_200 = vector.broadcast %broadcast_in_dim3A_199 : f32 to vector<8x256x2xf32>
    %mul3A_201 = vector.broadcast %broadcast_in_dim3A_70 : vector<8x256x1xf32> to vector<8x256x2xf32>
    %mul3A_202 = arith.mulf %mul3A_201, %broadcast_in_dim3A_200 : vector<8x256x2xf32>
    %squeeze3A_203 = vector.shape_cast %broadcast_in_dim3A_70 : vector<8x256x1xf32> to vector<8x256xf32>
    %reduce_sum3A_204 = vector.shape_cast %squeeze3A_203 : vector<8x256xf32> to vector<1x8x256xf32>
    %reduce_sum3A_205 = arith.constant dense<0.000000e+00> : vector<1xf32>
    %reduce_sum3A_206 = vector.multi_reduction <add>, %reduce_sum3A_204, %reduce_sum3A_205 [1, 2] : vector<1x8x256xf32> to vector<1xf32>
    %reduce_sum3A_207 = vector.shape_cast %reduce_sum3A_206 : vector<1xf32> to vector<1x1x1xf32>
    %reduce_sum3A_208 = vector.extract %reduce_sum3A_207[0, 0, 0] : f32 from vector<1x1x1xf32>
    %reshape3A_209 = vector.broadcast %reduce_sum3A_208 : f32 to vector<1x1xf32>
    %mul3A_210 = arith.constant 2.000000e+00 : f32
    %mul3A_211 = vector.broadcast %mul3A_210 : f32 to vector<1x1xf32>
    %mul3A_212 = arith.mulf %mul3A_211, %reshape3A_209 : vector<1x1xf32>
    %add3A_213 = arith.constant 9.99999974E-5 : f32
    %add3A_214 = vector.broadcast %add3A_213 : f32 to vector<1x1xf32>
    %add3A_215 = arith.addf %mul3A_212, %add3A_214 : vector<1x1xf32>
    %slice3A_216 = vector.extract_strided_slice %get3A_198 {offsets = [0, 0, 0], sizes = [8, 256, 1], strides = [1, 1, 1]} : vector<8x256x2xf32> to vector<8x256x1xf32>
    %broadcast_in_dim3A_217 = arith.constant 1.000000e+00 : f32
    %broadcast_in_dim3A_218 = vector.broadcast %broadcast_in_dim3A_217 : f32 to vector<8x256x2xf32>
    %mul3A_219 = vector.broadcast %slice3A_216 : vector<8x256x1xf32> to vector<8x256x2xf32>
    %mul3A_220 = arith.mulf %mul3A_219, %broadcast_in_dim3A_218 : vector<8x256x2xf32>
    %slice3A_221 = vector.extract_strided_slice %get3A_198 {offsets = [0, 0, 1], sizes = [8, 256, 1], strides = [1, 1, 1]} : vector<8x256x2xf32> to vector<8x256x1xf32>
    %broadcast_in_dim3A_222 = arith.constant 1.000000e+00 : f32
    %broadcast_in_dim3A_223 = vector.broadcast %broadcast_in_dim3A_222 : f32 to vector<8x256x2xf32>
    %mul3A_224 = vector.broadcast %slice3A_221 : vector<8x256x1xf32> to vector<8x256x2xf32>
    %mul3A_225 = arith.mulf %mul3A_224, %broadcast_in_dim3A_223 : vector<8x256x2xf32>
    %mul3A_226 = arith.mulf %sub3A_189, %mul3A_202 : vector<8x256x2xf32>
    %mul3A_227 = arith.mulf %mul3A_220, %mul3A_202 : vector<8x256x2xf32>
    %sub3A_228 = arith.subf %mul3A_226, %mul3A_227 : vector<8x256x2xf32>
    %abs3A_229 = math.absf %sub3A_228 : vector<8x256x2xf32>
    %reduce_sum3A_230 = vector.shape_cast %abs3A_229 : vector<8x256x2xf32> to vector<1x8x256x2xf32>
    %reduce_sum3A_231 = arith.constant dense<0.000000e+00> : vector<1xf32>
    %reduce_sum3A_232 = vector.multi_reduction <add>, %reduce_sum3A_230, %reduce_sum3A_231 [1, 2, 3] : vector<1x8x256x2xf32> to vector<1xf32>
    %reduce_sum3A_233 = vector.shape_cast %reduce_sum3A_232 : vector<1xf32> to vector<1x1x1x1xf32>
    %reduce_sum3A_234 = vector.extract %reduce_sum3A_233[0, 0, 0, 0] : f32 from vector<1x1x1x1xf32>
    %reshape3A_235 = vector.broadcast %reduce_sum3A_234 : f32 to vector<1x1xf32>
    %div3A_236 = arith.divf %reshape3A_235, %add3A_215 : vector<1x1xf32>
    %mul3A_237 = arith.mulf %sub3A_194, %mul3A_202 : vector<8x256x2xf32>
    %mul3A_238 = arith.mulf %mul3A_225, %mul3A_202 : vector<8x256x2xf32>
    %sub3A_239 = arith.subf %mul3A_237, %mul3A_238 : vector<8x256x2xf32>
    %abs3A_240 = math.absf %sub3A_239 : vector<8x256x2xf32>
    %reduce_sum3A_241 = vector.shape_cast %abs3A_240 : vector<8x256x2xf32> to vector<1x8x256x2xf32>
    %reduce_sum3A_242 = arith.constant dense<0.000000e+00> : vector<1xf32>
    %reduce_sum3A_243 = vector.multi_reduction <add>, %reduce_sum3A_241, %reduce_sum3A_242 [1, 2, 3] : vector<1x8x256x2xf32> to vector<1xf32>
    %reduce_sum3A_244 = vector.shape_cast %reduce_sum3A_243 : vector<1xf32> to vector<1x1x1x1xf32>
    %reduce_sum3A_245 = vector.extract %reduce_sum3A_244[0, 0, 0, 0] : f32 from vector<1x1x1x1xf32>
    %reshape3A_246 = vector.broadcast %reduce_sum3A_245 : f32 to vector<1x1xf32>
    %div3A_247 = arith.divf %reshape3A_246, %add3A_215 : vector<1x1xf32>
    %add3A_248 = arith.addf %div3A_236, %div3A_247 : vector<1x1xf32>
    %get3A_249 = arith.constant 0 : index
    %get3A_250 = arith.constant 0 : index
    %get3A_251 = vector.load %arg16[%get3A_249, %get3A_250] : memref<1x1xf32, #tpu.memory_space<vmem>>, vector<1x1xf32>
    %get3A_252 = arith.constant 0 : index
    %get3A_253 = arith.constant 0 : index
    %get3A_254 = vector.load %arg17[%get3A_252, %get3A_253] : memref<1x1xf32, #tpu.memory_space<vmem>>, vector<1x1xf32>
    %add3A_255 = arith.constant 9.99999974E-5 : f32
    %add3A_256 = vector.broadcast %add3A_255 : f32 to vector<1x1xf32>
    %add3A_257 = arith.addf %get3A_254, %add3A_256 : vector<1x1xf32>
    %div3A_258 = arith.divf %get3A_251, %add3A_257 : vector<1x1xf32>
    %add3A_259 = arith.addf %select_n3A_18, %div3A_50 : vector<1x1xf32>
    %add3A_260 = arith.addf %add3A_259, %div3A_113 : vector<1x1xf32>
    %add3A_261 = arith.addf %mul3A_131, %mul3A_177 : vector<1x1xf32>
    %add3A_262 = arith.addf %add3A_260, %add3A_261 : vector<1x1xf32>
    %add3A_263 = arith.addf %div3A_258, %add3A_248 : vector<1x1xf32>
    %add3A_264 = arith.addf %add3A_262, %add3A_263 : vector<1x1xf32>
    %swap3A = arith.constant 0 : index
    %swap3A_265 = arith.constant 0 : index
    %swap3A_266 = vector.load %arg18[%swap3A, %swap3A_265] : memref<1x1xf32, #tpu.memory_space<vmem>>, vector<1x1xf32>
    tpu.vector_store %arg18[%swap3A, %swap3A_265], %add3A_264 {strides = array<i32>} : memref<1x1xf32, #tpu.memory_space<vmem>>, vector<1x1xf32>,
    %swap3A_267 = arith.constant 0 : index
    %swap3A_268 = arith.constant 0 : index
    %swap3A_269 = vector.load %arg19[%swap3A_267, %swap3A_268] : memref<1x1xf32, #tpu.memory_space<vmem>>, vector<1x1xf32>
    tpu.vector_store %arg19[%swap3A_267, %swap3A_268], %select_n3A_18 {strides = array<i32>} : memref<1x1xf32, #tpu.memory_space<vmem>>, vector<1x1xf32>,
    %swap3A_270 = arith.constant 0 : index
    %swap3A_271 = arith.constant 0 : index
    %swap3A_272 = vector.load %arg20[%swap3A_270, %swap3A_271] : memref<1x1xf32, #tpu.memory_space<vmem>>, vector<1x1xf32>
    tpu.vector_store %arg20[%swap3A_270, %swap3A_271], %div3A_50 {strides = array<i32>} : memref<1x1xf32, #tpu.memory_space<vmem>>, vector<1x1xf32>,
    %swap3A_273 = arith.constant 0 : index
    %swap3A_274 = arith.constant 0 : index
    %swap3A_275 = vector.load %arg21[%swap3A_273, %swap3A_274] : memref<1x1xf32, #tpu.memory_space<vmem>>, vector<1x1xf32>
    tpu.vector_store %arg21[%swap3A_273, %swap3A_274], %div3A_113 {strides = array<i32>} : memref<1x1xf32, #tpu.memory_space<vmem>>, vector<1x1xf32>,
    %swap3A_276 = arith.constant 0 : index
    %swap3A_277 = arith.constant 0 : index
    %swap3A_278 = vector.load %arg22[%swap3A_276, %swap3A_277] : memref<1x1xf32, #tpu.memory_space<vmem>>, vector<1x1xf32>
    tpu.vector_store %arg22[%swap3A_276, %swap3A_277], %mul3A_131 {strides = array<i32>} : memref<1x1xf32, #tpu.memory_space<vmem>>, vector<1x1xf32>,
    %swap3A_279 = arith.constant 0 : index
    %swap3A_280 = arith.constant 0 : index
    %swap3A_281 = vector.load %arg23[%swap3A_279, %swap3A_280] : memref<1x1xf32, #tpu.memory_space<vmem>>, vector<1x1xf32>
    tpu.vector_store %arg23[%swap3A_279, %swap3A_280], %mul3A_177 {strides = array<i32>} : memref<1x1xf32, #tpu.memory_space<vmem>>, vector<1x1xf32>,
    %swap3A_282 = arith.constant 0 : index
    %swap3A_283 = arith.constant 0 : index
    %swap3A_284 = vector.load %arg24[%swap3A_282, %swap3A_283] : memref<1x1xf32, #tpu.memory_space<vmem>>, vector<1x1xf32>
    tpu.vector_store %arg24[%swap3A_282, %swap3A_283], %div3A_258 {strides = array<i32>} : memref<1x1xf32, #tpu.memory_space<vmem>>, vector<1x1xf32>,
    %swap3A_285 = arith.constant 0 : index
    %swap3A_286 = arith.constant 0 : index
    %swap3A_287 = vector.load %arg25[%swap3A_285, %swap3A_286] : memref<1x1xf32, #tpu.memory_space<vmem>>, vector<1x1xf32>
    tpu.vector_store %arg25[%swap3A_285, %swap3A_286], %add3A_248 {strides = array<i32>} : memref<1x1xf32, #tpu.memory_space<vmem>>, vector<1x1xf32>,
    return
  }
}

</mosaic_0001>

<sc_bundles>
// kernel: gather_offload_async_start
scs
__scs_entry_jumppad:
0x0: {  	(pc) =	sbr.rel $0x88, $3  }
0x1: {  	(tag) =	ssettag $0x0;
	lr =	simm.s32 $0x1  }
0x2: {  	[smem:$0x3F8D] =	sst lr;
	_ =	strace $0xD0000000  }
0x3: {  	_ = 	snop  }
0x4: {  	_ = 	snop  }
0x5: {  	_ = 	snop  }
0x6: {  	_ = 	snop  }
0x7: {  	_ = 	snop  }
__scs_overlays_trampoline_lowered:
0x8: {  	[smem:$0x3F9C] =	sst s0  }
0x9: {  	[smem:$0x3F9D] =	sst s1  }
0xa: {  	[smem:$0x3F9E] =	sst s2  }
0xb: {  	[smem:$0x3F9F] =	sst s3  }
0xc: {  	[smem:$0x3FA0] =	sst s4  }
0xd: {  	[smem:$0x3FA1] =	sst s5  }
0xe: {  	[smem:$0x3FA2] =	sst s6  }
0xf: {  	[smem:$0x3FA3] =	sst s7  }
0x10: {  	[smem:$0x3FA4] =	sst s8  }
0x11: {  	[smem:$0x3FA5] =	sst s9;
	s0 =	simm.s32 @!p0 $0x0  }
0x12: {  	s1 =	sld [smem:$0x3F8B];
	s0 =	simm.s32 @p0 $0x1  }
0x13: {  	[smem:$0x3FA6] =	sst s0;
	s0 =	simm.s32 @!p1 $0x0  }
0x14: {  	s2 =	sld [smem:$0x3F8A];
	s0 =	simm.s32 @p1 $0x1  }
0x15: {  	[smem:$0x3FA7] =	sst s0;
	s0 =	simm.s32 @!p2 $0x0  }
0x16: {  	s3 =	sld [smem:$0x3FDB];
	s0 =	simm.s32 @p2 $0x1  }
0x17: {  	s4 =	simm.s32 $0x1BF5;
	[smem:$0x3FA9] =	sst s0  }
0x18: {  	s0 =	sld [smem:$0x3F8C];
	_ =	swait.ge [sflag:s4], $0x0  }
0x19: {  	s7 =	sld [smem:$0x3F8D]  }
0x1a: {  	s8 =	sadd.s32 $0xFFFFE003, lr  }
0x1b: {  	s9 =	sadd.s32 $0xFFFFFEF7, lr;
	s5 =	simm.s32 $0xFFFFFFFF;
	p2 =	slt.u32 s8, $0xFFFFF086  }
0x1c: {  	p1 =	slt.u32 s9, $0xF7A;
	s5 =	simm.s32 @!p2 $0x0  }
0x1d: {  	s5 =	simm.s32 @p1 $0x1;
	p0 =	seq.s32 s7, s2  }
0x1e: {  	s7 =	smul.u32 @!p0 $0xF7A, s2;
	p2 =	seq.s32 @!p0 s5, $0x0  }
0x1f: {  	s9 =	smul.u32 $0xF7A, s1;
	s8 =	simm.s32 @!p0 $0x1BF5;
	p2 =	por !p2, p0  }
0x20: {  	[sflag:s8] =	ssyncset.s32 @!p0 $0xFFFFF086;
	s6 =	sadd.s32 @!p0 s3, s7;
	s7 =	simm.s32 @!p0 $0x108  }
0x21: {  	s3 =	sadd.s32 s3, s9;
	s6 =	sadd.s32 @!p0 $0x88, s6;
	s7 =	simm.s32 @p2 $0x1082  }
0x22: {  	[simem:s7], [sflag:s8] =	dma.local @!p0 [hbm:s6], $0xF7A  }
0x23: {  	s9 =	sor.u32 $0xD0000000, s2;
	s6 =	simm.s32 $0x108;
	_ =	swait.ge @!p0 [sflag:s8], $0x0  }
0x24: {  	s3 =	sadd.s32 $0x88, s3;
	s6 =	simm.s32 @!p1 $0x1082;
	[sflag:s4] =	ssyncset.s32 $0xFFFFF086  }
0x25: {  	[simem:s6], [sflag:s4] =	dma.local [hbm:s3], $0xF7A  }
0x26: {  	[smem:$0x3F8D] =	sst s1;
	(tag) =	ssettag s2;
	_ =	strace s9  }
0x27: {  	s1 =	sld [smem:$0x3F9D]  }
0x28: {  	s2 =	sld [smem:$0x3F9E]  }
0x29: {  	s4 =	sld [smem:$0x3FA0]  }
0x2a: {  	p0 =	seq.s32 s5, $0x0;
	s5 =	sld [smem:$0x3FA1]  }
0x2b: {  	s6 =	sld [smem:$0x3FA2]  }
0x2c: {  	s7 =	sld [smem:$0x3FA3]  }
0x2d: {  	s3 =	simm.s32 $0x108;
	s8 =	sld [smem:$0x3FA4]  }
0x2e: {  	s3 =	simm.s32 @!p0 $0x1082;
	s9 =	sld [smem:$0x3FA5]  }
0x2f: {  	lr =	sadd.s32 s0, s3;
	s0 =	sld [smem:$0x3F9C]  }
0x30: {  	s3 =	sld [smem:$0x3F9F]  }
0x31: {  	[smem:$0x3FA8] =	sst s10  }
0x32: {  	s10 =	sld [smem:$0x3FA6];
	_ =	sdelay $0x3  }
0x33: {  	p0 =	seq.s32 s10, $0x1;
	s10 =	sld [smem:$0x3FA8];
	_ =	sdelay $0x3  }
0x34: {  	[smem:$0x3FA8] =	sst s10  }
0x35: {  	s10 =	sld [smem:$0x3FA7];
	_ =	sdelay $0x3  }
0x36: {  	p1 =	seq.s32 s10, $0x1;
	s10 =	sld [smem:$0x3FA8];
	_ =	sdelay $0x3  }
0x37: {  	[smem:$0x3FA8] =	sst s10  }
0x38: {  	s10 =	sld [smem:$0x3FA9]  }
0x39: {  	_ = 	snop;
	(pc) =	sbr.ind lr, $3  }
0x3a: {  	_ = 	snop  }
0x3b: {  	_ = 	snop  }
0x3c: {  	p2 =	seq.s32 s10, $0x1;
	s10 =	sld [smem:$0x3FA8]  }
0x3d: {  	_ =	shalt  }
0x3e: {  	_ =	shalt  }
0x3f: {  	_ =	shalt  }
0x40: {  	_ =	shalt  }
0x41: {  	_ =	shalt  }
0x42: {  	_ =	shalt  }
0x43: {  	_ =	shalt  }
0x44: {  	_ =	shalt  }
0x45: {  	_ =	shalt  }
0x46: {  	_ =	shalt  }
0x47: {  	_ =	shalt  }
0x48: {  	_ =	shalt  }
0x49: {  	_ =	shalt  }
0x4a: {  	_ =	shalt  }
0x4b: {  	_ =	shalt  }
0x4c: {  	_ =	shalt  }
0x4d: {  	_ =	shalt  }
0x4e: {  	_ =	shalt  }
0x4f: {  	_ =	shalt  }
0x50: {  	_ =	shalt  }
0x51: {  	_ =	shalt  }
0x52: {  	_ =	shalt  }
0x53: {  	_ =	shalt  }
0x54: {  	_ =	shalt  }
0x55: {  	_ =	shalt  }
0x56: {  	_ =	shalt  }
0x57: {  	_ =	shalt  }
0x58: {  	_ =	shalt  }
0x59: {  	_ =	shalt  }
0x5a: {  	_ =	shalt  }
0x5b: {  	_ =	shalt  }
0x5c: {  	_ =	shalt  }
0x5d: {  	_ =	shalt  }
0x5e: {  	_ =	shalt  }
0x5f: {  	_ =	shalt  }
0x60: {  	_ =	shalt  }
0x61: {  	_ =	shalt  }
0x62: {  	_ =	shalt  }
0x63: {  	_ =	shalt  }
0x64: {  	_ =	shalt  }
0x65: {  	_ =	shalt  }
0x66: {  	_ =	shalt  }
0x67: {  	_ =	shalt  }
0x68: {  	_ =	shalt  }
0x69: {  	_ =	shalt  }
0x6a: {  	_ =	shalt  }
0x6b: {  	_ =	shalt  }
0x6c: {  	_ =	shalt  }
0x6d: {  	_ =	shalt  }
0x6e: {  	_ =	shalt  }
0x6f: {  	_ =	shalt  }
0x70: {  	_ =	shalt  }
0x71: {  	_ =	shalt  }
0x72: {  	_ =	shalt  }
0x73: {  	_ =	shalt  }
0x74: {  	_ =	shalt  }
0x75: {  	_ =	shalt  }
0x76: {  	_ =	shalt  }
0x77: {  	_ =	shalt  }
0x78: {  	_ =	shalt  }
0x79: {  	_ =	shalt  }
0x7a: {  	_ =	shalt  }
0x7b: {  	_ =	shalt  }
0x7c: {  	_ =	shalt  }
0x7d: {  	_ =	shalt  }
0x7e: {  	_ =	shalt  }
0x7f: {  	_ =	shalt  }
0x80: {  	_ =	shalt  }
0x81: {  	_ =	shalt  }
0x82: {  	_ =	shalt  }
0x83: {  	_ =	shalt  }
0x84: {  	_ =	shalt  }
0x85: {  	_ =	shalt  }
0x86: {  	_ =	shalt  }
0x87: {  	_ =	shalt  }
.Lfunc_end0:
.L_simem_size_0:
called_computation_lowered:
.L_overlay_start_0:
0x88: {  	s2 =	sld [smem:$0x3FD9]  }
0x89: {  	s3 =	sld [smem:$0x3FFE];
	_ =	sdelay $0x1  }
0x8a: {  	s1 =	srdreg.scid  }
0x8b: {  	s0 =	sand.u32 $0x1, s1  }
0x8c: {  	s17 =	sshll.u32 s0, $0xA;
	s2 =	sadd.s32 s3, s2  }
0x8d: {  	s2 =	sadd.s32 s2, s17  }
0x8e: {  	[smem:$0x3FB4] =	sst s2  }
0x8f: {  	_ = 	snop  }
0x90: {  	s2 =	sld [smem:$0x3FB8];
	(tm) =	ssettm $0x1  }
0x91: {  	s18 =	sld [smem:$0x3FFB];
	_ =	sdelay $0x3  }
0x92: {  	_ =	strace s18  }
0x93: {  	s3 =	sld [smem:$0x3FFC];
	_ =	sdelay $0x3  }
0x94: {  	_ =	strace s3  }
0x95: {  	s3 =	sld [smem:$0x3FFD];
	_ =	sdelay $0x3  }
0x96: {  	_ =	strace s3  }
0x97: {  	_ =	strace $0x8FFFFFFF  }
0x98: {  	s19 =	sld [smem:$0x3FDB];
	_ =	sdelay $0x1  }
0x99: {  	s4 =	simm.s32 $_scs_section_size  }
0x9a: {  	s5 =	simm.s32 $_size__tile_overlayer_lowered;
	s6 =	simm.s32 $_tile_overlayer_lowered  }
0x9b: {  	s22 =	simm.s32 $0x1BFF;
	s21 =	sshll.u32 s6, $0x1;
	s3 =	sadd.s32 s4, s19  }
0x9c: {  	s7 =	simm.s32 $0x0;
	s20 =	sshll.u32 s5, $0x1;
	s5 =	sadd.s32 s21, s3  }
0x9d: {  	[timem:s7], [sflag:s22] =	dma.local [hbm:s5], s20  }
0x9e: {  	_ =	swait.ge [sflag:s22], s20  }
0x9f: {  	s4 =	ssub.s32 $0x0, s20;
	[sflag:s22] =	ssyncset.done $0x0  }
0xa0: {  	[sflag:s22] =	ssyncadd.s32 s4;
	_ =	sdelay $0x1  }
0xa1: {  	s23 =	simm.s32 $0x1B8B  }
0xa2: {  	_ =	swait.ge [sflag:s23], $0x1  }
0xa3: {  	[sflag:s23] =	ssyncset.done $0x0  }
0xa4: {  	s25 =	simm.s32 $0x1B8E;
	s24 =	sld [smem:$0x3FFE];
	[sflag:s23] =	ssyncadd.s32 $0xFFFFFFFF  }
0xa5: {  	s26 =	simm.s32 $execute0_lowered;
	[smem:$0x3FD2] =	sst s25  }
0xa6: {  	s5 =	sshll.u32 s26, $0x1;
	_ =	strace $0x80000046;
	[dreg:$0x1] =	wrdreg $0xFFFFFFFF  }
0xa7: {  	s28 =	simm.s32 $_size_execute0_lowered;
	s3 =	sadd.s32 s3, s5;
	[dreg:$0x0] =	wrdreg $0x0  }
0xa8: {  	s5 =	sshll.u32 s28, $0x1;
	[dreg:$0x2] =	wrdreg s3  }
0xa9: {  	[dreg:$0x3] =	wrdreg s5  }
0xaa: {  	[dreg:$0x4] =	wrdreg $0xC0  }
0xab: {  	_ =	task [dreg:s7], $0x5FFFF  }
0xac: {  	[dreg:$0x1] =	wrdreg $0xFFFFFFFF  }
0xad: {  	[dreg:$0x0] =	wrdreg $0x60  }
0xae: {  	[dreg:$0x2] =	wrdreg s2  }
0xaf: {  	[dreg:$0x3] =	wrdreg s24  }
0xb0: {  	[dreg:$0x4] =	wrdreg $0x9  }
0xb1: {  	_ =	task.clear_ibuf [dreg:s7], $0x5FFFF;
	_ =	strace $0x90000046  }
0xb2: {  	s29 =	simm.s32 $0x9;
	_ =	strace $0x80000048  }
0xb3: {  	_ =	swait.ge [sflag:s29], $0x1  }
0xb4: {  	[sflag:s29] =	ssyncadd.s32 $0xFFFFFFFF  }
0xb5: {  	_ =	strace $0x90000048  }
0xb6: {  	_ =	sfence  }
0xb7: {  	s30 =	sld [smem:$0x0];
	_ =	sdelay $0x2  }
0xb8: {  	s31 =	sshll.u32 s1, $0xD;
	s1 =	sshrl.u32 s1, $0x2  }
0xb9: {  	s3 =	sand.u32 $0x4000, s31;
	s1 =	sadd.s32 s1, s30  }
0xba: {  	s0 =	sor.u32 s3, s0;
	s1 =	sshll.u32 s1, $0x11  }
0xbb: {  	s0 =	sor.u32 s1, s0  }
0xbc: {  	s0 =	sadd.s32 $0x8F2B, s0  }
0xbd: {  	[sflag:s0] =	ssyncadd.remote.s32 $0x1  }
0xbe: {  	_ =	sfence.sel $0xFFFF  }
0xbf: {  	[dreg:$0x0] =	wrdreg $0xFFFFFFFF;
	(pc) =	sbr.abs _section_cstart, $3  }
0xc0: {  	[dreg:$0x1] =	wrdreg $0xFFFFFFFF  }
0xc1: {  	_ =	task.clear_ibuf [dreg:s7], $0x2FFFF;
	_ =	strace $0x9FFFFFFF  }
0xc2: {  	(tm) =	ssettm $0x7FFFFFFF  }
0xc3: {  	_ =	shalt  }
tec
execute0_lowered:
.L_overlay_start_1:
0x0: {  	(tag) =	ssettag $0x1  }
0x1: {  	s1 =	srdreg.scid;
	s2 =	rddreg [dreg:$0x0]  }
0x2: {  	s0 =	stileid.u32;
	s5 =	rddreg [dreg:$0x1];
	s6 =	simm.s32 $0x1  }
0x3: {  	s9 =	simm.s32 $0x1;
	s10 =	simm.s32 $0x3;
	s1 =	sshll.u32 s1, $0x7  }
0x4: {  	s13 =	simm.s32 $0x0;
	s3 =	sshll.u32 s0, $0x8;
	s4 =	sand.u32 $0x80, s1  }
0x5: {  	s12 =	simm.s32 $0x0;
	s1 =	rddreg [dreg:$0x2];
	s3 =	sor.u32 s3, s4  }
0x6: {  	_ =	strace $0x80000047;
	s4 =	sadd.s32 $0x5000, s5;
	s8 =	ssub.s32 $0x2000, s3  }
.Ltmp0:
0x7: {  	s5 =	sadd.s32 $0x12AE00, s5;
	s7 =	sand.u32 $0xF80, s8;
	(pc) =	sbr.rel .LBB2_1-.Ltmp0, $4  }
0x8: {  	[sflag:s6] =	ssyncpa.u1 $0x0;
	s11 =	smov.u32 s3;
	p0 =	sne.s32 s7, $0x0  }
0x9: {  	s8 =	sshrl.u32 s8, $0xC;
	s7 =	simm.s32 $0x2;
	s9 =	simm.s32 @!p0 $0x0  }
0xa: {  	[sflag:s7] =	ssyncpa.u1 $0x0;
	p0 =	por $0x0, $0x0;
	s8 =	sadd.s32 s9, s8  }
0xb: {  	vm0 =	vmmov $0xffff;
	[sflag:s10] =	ssyncpa.u1 $0x0;
	s10 =	simm.s32 $0x0;
	s9 =	sadd.s32 $0x1, s8  }
.LBB2_4:
0xc: {  	v5 =	vld.msk [tilespmem:s18+$0x0 ss:$0x1], $0xffff  }
0xd: {  	v6 =	vand.u32 $0x7, v1;
	v7 =	vshrl.u32 v1, $0x3  }
0xe: {  	v3 =	vor.u32 v4, v3;
	vm1 =	veq.s32 v1, $0x80000000;
	v53 =	vand.u32 $0x3FF, v7  }
0xf: {  	v2 =	vor.u32 v2, v3;
	v54 =	vsel vm1, $0xFFFFFFFF, v6;
	v1 =	vsel vm1, $0xFFFFFFFF, v53  }
0x10: {  	v6 =	vshll.u32 v54, $0x7;
	v3 =	vand.u32 $0xFFFFE000, v54;
	v55 =	vand.u32 $0x7F, v1  }
0x11: {  	v1 =	vshll.u32 v1, $0x3;
	v6 =	vand.u32 $0x380, v6;
	v56 =	vshrl.u32 v5, $0x3  }
0x12: {  	v1 =	vand.u32 $0xFFFFFC00, v1;
	vm1 =	veq.s32 v5, $0x80000000;
	v57 =	vand.u32 $0x3FF, v56  }
0x13: {  	v1 =	vadd.s32 v3, v1;
	v5 =	vand.u32 $0x7, v5;
	v3 =	vsel vm1, $0xFFFFFFFF, v57  }
0x14: {  	v1 =	vor.u32 v6, v1;
	v5 =	vsel vm1, $0xFFFFFFFF, v5;
	v58 =	vshll.u32 v3, $0x3  }
0x15: {  	v59 =	vshll.u32 v5, $0x7;
	v5 =	vand.u32 $0xFFFFE000, v5;
	v6 =	vand.u32 $0xFFFFFC00, v58  }
0x16: {  	v1 =	vor.u32 v55, v1;
	v61 =	vand.u32 $0x380, v59;
	v60 =	vadd.s32 v5, v6  }
0x17: {  	[tilespmem:s16], [sflag:$0x1] =	stream.indirect_vreg.gather [hbm4b:s2+s10], $0x1, v0, vm0, $0x4038;
	v62 =	vand.u32 $0x7F, v3;
	v63 =	vor.u32 v61, v60;
	[tilespmem:$0x200] =	vst v63  }
0x18: {  	(ifvalue) =	ssetifvalue $0x7FFFFFFF;
	v0 =	vor.u32 v62, v63  }
0x19: {  	[tilespmem:s15], [sflag:$0x1] =	stream.indirect_vreg.gather [hbm4b:s2+s10], $0x1, v2, vm0, $0x4038;
	[tilespmem:$0x200] =	vst v63  }
0x1a: {  	s29 =	sadd.s32 $0x10, s15;
	(ifvalue) =	ssetifvalue $0x7FFFFFFF  }
0x1b: {  	[tilespmem:s29], [sflag:$0x1] =	stream.indirect_vreg.gather [hbm4b:s2+s10], $0x1, v1, vm0, $0x4038;
	[tilespmem:$0x200] =	vst v63  }
0x1c: {  	s15 =	sadd.s32 $0x10, s29;
	(ifvalue) =	ssetifvalue $0x7FFFFFFF  }
0x1d: {  	[tilespmem:s15], [sflag:$0x1] =	stream.indirect_vreg.gather [hbm4b:s2+s10], $0x1, v0, vm0, $0x4038;
	[tilespmem:$0x200] =	vst v63  }
0x1e: {  	_ =	swait.ge [sflag:s6], $0x80  }
0x1f: {  	s30 =	sshrl.u32 s13, $0x3;
	[sflag:s6] =	ssyncset.done $0x0  }
0x20: {  	s31 =	sand.u32 $0x7, s13;
	s15 =	sadd.s32 s5, s30;
	[sflag:s6] =	ssyncadd.s32 $0xFFFFFF80  }
0x21: {  	[hbm4b:s15+s31] =	stream.linear.scatter [tilespmem:s14], [sflag:$0x3], $0x80, $0x38;
	[tilespmem:$0x200] =	vst v63  }
.LBB2_5:
0x22: {  	s15 =	sadd.s32 $0x1000, s11  }
0x23: {  	p2 =	sgt.s32 s15, $0x1FFF  }
0x24: {  	s15 =	smov.u32 @p2 s3;
	p2 =	sne.s32 s12, s9  }
.Ltmp1:
0x25: {  	p1 =	slt.u32 s12, $0x2;
	(pc) =	sbr.rel @!p2 .LBB2_6-.Ltmp1, $4  }
0x26: {  	s14 =	simm.s32 @!p1 $0x3  }
0x27: {  	s16 =	sadd.s32 $0x1, s12;
	_ =	swait.ge @!p1 [sflag:s14], $0x80  }
0x28: {  	s13 =	smov.u32 s11;
	p0 =	por !p0, !p0;
	[sflag:s14] =	ssyncset.done @!p1 $0x0  }
0x29: {  	s12 =	smov.u32 s16;
	s11 =	smov.u32 s15;
	[sflag:s14] =	ssyncadd.s32 @!p1 $0xFFFFFF80  }
.LBB2_1:
0x2a: {  	p1 =	sge.u32 s12, s8  }
0x2b: {  	s14 =	sxor.u32 @!p1 $0xFFFFFFFF, s12  }
0x2c: {  	s31 =	sadd.s32 $0xFFFFFFFF, s12;
	s15 =	sshrl.u32 @!p1 s11, $0x3;
	s14 =	sshll.u32 @!p1 s14, $0x7  }
0x2d: {  	s16 =	sand.u32 @!p1 $0x7, s11;
	s15 =	sadd.s32 @!p1 s4, s15;
	s14 =	sand.u32 @!p1 $0x80, s14  }
0x2e: {  	[tilespmem:s14], [sflag:$0x2] =	stream.linear.gather @!p1 [hbm4b:s15+s16], $0x80, $0x38;
	[tilespmem:$0x200] =	vst v63  }
0x2f: {  	p1 =	sge.u32 s31, s8  }
.Ltmp2:
0x30: {  	_ = 	snop;
	(pc) =	sbr.rel @p1 .LBB2_5-.Ltmp2, $1  }
0x31: {  	_ =	sdelay $0x3  }
0x32: {  	s14 =	simm.s32 $0x1  }
0x33: {  	_ =	swait.ge [sflag:s7], $0x80;
	s14 =	simm.s32 @!p0 $0x0  }
0x34: {  	[sflag:s7] =	ssyncset.done $0x0;
	s14 =	sshll.u32 s14, $0x7  }
0x35: {  	[sflag:s7] =	ssyncadd.s32 $0xFFFFFF80;
	(ifvalue) =	ssetifvalue $0x7FFFFFFF;
	v0 =	vld.msk [tilespmem:s14+$0x0 ss:$0x1], $0xffff;
	_ =	sdelay $0x4  }
0x36: {  	s15 =	sadd.s32 $0x10, s14;
	v2 =	vshrl.u32 v0, $0x3  }
0x37: {  	v1 =	vld.msk [tilespmem:s15+$0x0 ss:$0x1], $0xffff;
	vm1 =	veq.s32 v0, $0x80000000;
	v2 =	vand.u32 $0x3FF, v2  }
0x38: {  	v0 =	vand.u32 $0x7, v0;
	v2 =	vsel vm1, $0xFFFFFFFF, v2  }
0x39: {  	v0 =	vsel vm1, $0xFFFFFFFF, v0;
	v3 =	vshll.u32 v2, $0x3  }
0x3a: {  	v4 =	vand.u32 $0xFFFFE000, v0;
	v0 =	vshll.u32 v0, $0x7;
	v3 =	vand.u32 $0xFFFFFC00, v3  }
0x3b: {  	v0 =	vand.u32 $0x380, v0;
	v3 =	vadd.s32 v4, v3  }
0x3c: {  	v2 =	vand.u32 $0x7F, v2;
	v4 =	vshrl.u32 v1, $0x3;
	v0 =	vor.u32 v0, v3  }
0x3d: {  	vm1 =	veq.s32 v1, $0x80000000;
	v4 =	vand.u32 $0x3FF, v4;
	v0 =	vor.u32 v2, v0  }
0x3e: {  	s16 =	sshll.u32 s12, $0x7;
	s15 =	sadd.s32 $0x10, s15;
	v1 =	vand.u32 $0x7, v1;
	v3 =	vsel vm1, $0xFFFFFFFF, v4  }
0x3f: {  	s17 =	sand.u32 $0x80, s16;
	v2 =	vsel vm1, $0xFFFFFFFF, v1;
	v1 =	vld.msk [tilespmem:s15+$0x0 ss:$0x1], $0xffff;
	v4 =	vshll.u32 v3, $0x3  }
0x40: {  	s16 =	sor.u32 $0x100, s14;
	s14 =	sor.u32 $0x100, s17;
	s17 =	simm.s32 $0x30;
	v5 =	vshll.u32 v2, $0x7;
	v6 =	vand.u32 $0xFFFFE000, v2;
	v4 =	vand.u32 $0xFFFFFC00, v4  }
0x41: {  	s18 =	sadd.s32 $0x10, s15;
	(ifvalue) =	ssetifvalue $0x7FFFFFFF;
	s15 =	sadd.s32 $0x10, s16;
	v2 =	vand.u32 $0x7F, v3;
	v3 =	vadd.s32 v6, v4;
	v4 =	vand.u32 $0x380, v5  }
.LBB2_3:
0x42: {  	[tilespmem:s16], [sflag:$0x1] =	stream.indirect_vreg.gather [hbm4b:s2+s10], $0x1, v0, vm0, $0x4038;
	[tilespmem:$0x200] =	vst v63  }
0x43: {  	s17 =	sadd.s32 $0x10, s17  }
0x44: {  	v5 =	vand.u32 $0x7, v1;
	v6 =	vshrl.u32 v1, $0x3;
	v3 =	vor.u32 v4, v3;
	v0 =	vmovc v1;
	v1 =	vld.msk [tilespmem:s18+$0x0 ss:$0x1], $0xffff;
	p1 =	slt.u32 s17, $0x70  }
.Ltmp3:
0x45: {  	s16 =	smov.u32 s15;
	vm1 =	veq.s32 v0, $0x80000000;
	v4 =	vand.u32 $0x3FF, v6;
	v0 =	vor.u32 v2, v3;
	(pc) =	sbr.rel @p1 .LBB2_3-.Ltmp3, $4  }
0x46: {  	v3 =	vsel vm1, $0xFFFFFFFF, v5;
	v4 =	vsel vm1, $0xFFFFFFFF, v4  }
0x47: {  	v2 =	vand.u32 $0x7F, v4;
	v4 =	vshll.u32 v4, $0x3;
	v5 =	vshll.u32 v3, $0x7  }
0x48: {  	v3 =	vand.u32 $0xFFFFE000, v3;
	v4 =	vand.u32 $0xFFFFFC00, v4  }
0x49: {  	s18 =	sadd.s32 $0x10, s18;
	s15 =	sadd.s32 $0x10, s15;
	v3 =	vadd.s32 v3, v4;
	v4 =	vand.u32 $0x380, v5;
	(ifvalue) =	ssetifvalue $0x7FFFFFFF  }
.Ltmp4:
0x4a: {  	_ = 	snop;
	(pc) =	sbr.rel .LBB2_4-.Ltmp4, $1  }
0x4b: {  	_ =	sdelay $0x3  }
.LBB2_6:
0x4c: {  	_ =	sfence.sel $0x180000  }
0x4d: {  	s2 =	simm.s32 $0x2;
	[bflag:$0x0] =	sbarrier.arrive $0xFFFF  }
0x4e: {  	s30 =	simm.s32 $0x3;
	[sflag:s2] =	ssyncpa.u1 $0x1  }
0x4f: {  	s31 =	simm.s32 $0x1;
	[sflag:s30] =	ssyncpa.u1 $0x1  }
0x50: {  	[sflag:s31] =	ssyncpa.u1 $0x1  }
0x51: {  	p0 =	sne.s32 s0, $0x0;
	_ =	strace $0x90000047  }
0x52: {  	s0 =	sadd.s32 @!p0 $0x100000, s1;
	[bflag:$0x2] =	sbarrier.arrive $0xFFFF  }
0x53: {  	[sflag:s0] =	ssyncadd.tile.s32 @!p0 $0x1;
	_ =	shalt  }
.Lfunc_end2:
_tile_overlayer_lowered:
.L_overlay_start_2:
0x54: {  	(tag) =	ssettag $0x2  }
0x55: {  	s0 =	rddreg [dreg:$0x0];
	s2 =	stileid.u32  }
0x56: {  	s1 =	rddreg [dreg:$0x1];
	p0 =	sne.s32 s2, $0x0  }
0x57: {  	s3 =	rddreg [dreg:$0x2];
	[bflag:$0x3] =	sbarrier.arrive $0xFFFF;
	s2 =	simm.s32 @!p0 $0x1C01  }
0x58: {  	[timem:s3], [sflag:s2] =	dma.local @!p0 [hbm:s0], s1  }
0x59: {  	s0 =	simm.s32 @!p0 $0x1  }
0x5a: {  	_ =	swait.ge @!p0 [sflag:s0], s1  }
0x5b: {  	s1 =	ssub.s32 @!p0 $0x0, s1;
	[sflag:s0] =	ssyncset.done @!p0 $0x0  }
0x5c: {  	[sflag:s0] =	ssyncadd.s32 @!p0 s1  }
0x5d: {  	[bflag:$0x3] =	sbarrier.arrive $0xFFFF  }
0x5e: {  	_ =	shalt  }

// kernel: kernel.5.cloned.1.call-start
scs
__scs_entry_jumppad:
0x0: {  	(pc) =	sbr.rel $0x88, $3  }
0x1: {  	(tag) =	ssettag $0x0;
	lr =	simm.s32 $0x1  }
0x2: {  	[smem:$0x3F8D] =	sst lr;
	_ =	strace $0xD0000000  }
0x3: {  	_ = 	snop  }
0x4: {  	_ = 	snop  }
0x5: {  	_ = 	snop  }
0x6: {  	_ = 	snop  }
0x7: {  	_ = 	snop  }
__scs_overlays_trampoline_lowered:
0x8: {  	[smem:$0x3F9C] =	sst s0  }
0x9: {  	[smem:$0x3F9D] =	sst s1  }
0xa: {  	[smem:$0x3F9E] =	sst s2  }
0xb: {  	[smem:$0x3F9F] =	sst s3  }
0xc: {  	[smem:$0x3FA0] =	sst s4  }
0xd: {  	[smem:$0x3FA1] =	sst s5  }
0xe: {  	[smem:$0x3FA2] =	sst s6  }
0xf: {  	[smem:$0x3FA3] =	sst s7  }
0x10: {  	[smem:$0x3FA4] =	sst s8  }
0x11: {  	[smem:$0x3FA5] =	sst s9;
	s0 =	simm.s32 @!p0 $0x0  }
0x12: {  	s1 =	sld [smem:$0x3F8B];
	s0 =	simm.s32 @p0 $0x1  }
0x13: {  	[smem:$0x3FA6] =	sst s0;
	s0 =	simm.s32 @!p1 $0x0  }
0x14: {  	s2 =	sld [smem:$0x3F8A];
	s0 =	simm.s32 @p1 $0x1  }
0x15: {  	[smem:$0x3FA7] =	sst s0;
	s0 =	simm.s32 @!p2 $0x0  }
0x16: {  	s3 =	sld [smem:$0x3FDB];
	s0 =	simm.s32 @p2 $0x1  }
0x17: {  	s4 =	simm.s32 $0x1BF5;
	[smem:$0x3FA9] =	sst s0  }
0x18: {  	s0 =	sld [smem:$0x3F8C];
	_ =	swait.ge [sflag:s4], $0x0  }
0x19: {  	s7 =	sld [smem:$0x3F8D]  }
0x1a: {  	s8 =	sadd.s32 $0xFFFFE003, lr  }
0x1b: {  	s9 =	sadd.s32 $0xFFFFFEF7, lr;
	s5 =	simm.s32 $0xFFFFFFFF;
	p2 =	slt.u32 s8, $0xFFFFF086  }
0x1c: {  	p1 =	slt.u32 s9, $0xF7A;
	s5 =	simm.s32 @!p2 $0x0  }
0x1d: {  	s5 =	simm.s32 @p1 $0x1;
	p0 =	seq.s32 s7, s2  }
0x1e: {  	s7 =	smul.u32 @!p0 $0xF7A, s2;
	p2 =	seq.s32 @!p0 s5, $0x0  }
0x1f: {  	s9 =	smul.u32 $0xF7A, s1;
	s8 =	simm.s32 @!p0 $0x1BF5;
	p2 =	por !p2, p0  }
0x20: {  	[sflag:s8] =	ssyncset.s32 @!p0 $0xFFFFF086;
	s6 =	sadd.s32 @!p0 s3, s7;
	s7 =	simm.s32 @!p0 $0x108  }
0x21: {  	s3 =	sadd.s32 s3, s9;
	s6 =	sadd.s32 @!p0 $0x88, s6;
	s7 =	simm.s32 @p2 $0x1082  }
0x22: {  	[simem:s7], [sflag:s8] =	dma.local @!p0 [hbm:s6], $0xF7A  }
0x23: {  	s9 =	sor.u32 $0xD0000000, s2;
	s6 =	simm.s32 $0x108;
	_ =	swait.ge @!p0 [sflag:s8], $0x0  }
0x24: {  	s3 =	sadd.s32 $0x88, s3;
	s6 =	simm.s32 @!p1 $0x1082;
	[sflag:s4] =	ssyncset.s32 $0xFFFFF086  }
0x25: {  	[simem:s6], [sflag:s4] =	dma.local [hbm:s3], $0xF7A  }
0x26: {  	[smem:$0x3F8D] =	sst s1;
	(tag) =	ssettag s2;
	_ =	strace s9  }
0x27: {  	s1 =	sld [smem:$0x3F9D]  }
0x28: {  	s2 =	sld [smem:$0x3F9E]  }
0x29: {  	s4 =	sld [smem:$0x3FA0]  }
0x2a: {  	p0 =	seq.s32 s5, $0x0;
	s5 =	sld [smem:$0x3FA1]  }
0x2b: {  	s6 =	sld [smem:$0x3FA2]  }
0x2c: {  	s7 =	sld [smem:$0x3FA3]  }
0x2d: {  	s3 =	simm.s32 $0x108;
	s8 =	sld [smem:$0x3FA4]  }
0x2e: {  	s3 =	simm.s32 @!p0 $0x1082;
	s9 =	sld [smem:$0x3FA5]  }
0x2f: {  	lr =	sadd.s32 s0, s3;
	s0 =	sld [smem:$0x3F9C]  }
0x30: {  	s3 =	sld [smem:$0x3F9F]  }
0x31: {  	[smem:$0x3FA8] =	sst s10  }
0x32: {  	s10 =	sld [smem:$0x3FA6];
	_ =	sdelay $0x3  }
0x33: {  	p0 =	seq.s32 s10, $0x1;
	s10 =	sld [smem:$0x3FA8];
	_ =	sdelay $0x3  }
0x34: {  	[smem:$0x3FA8] =	sst s10  }
0x35: {  	s10 =	sld [smem:$0x3FA7];
	_ =	sdelay $0x3  }
0x36: {  	p1 =	seq.s32 s10, $0x1;
	s10 =	sld [smem:$0x3FA8];
	_ =	sdelay $0x3  }
0x37: {  	[smem:$0x3FA8] =	sst s10  }
0x38: {  	s10 =	sld [smem:$0x3FA9]  }
0x39: {  	_ = 	snop;
	(pc) =	sbr.ind lr, $3  }
0x3a: {  	_ = 	snop  }
0x3b: {  	_ = 	snop  }
0x3c: {  	p2 =	seq.s32 s10, $0x1;
	s10 =	sld [smem:$0x3FA8]  }
0x3d: {  	_ =	shalt  }
0x3e: {  	_ =	shalt  }
0x3f: {  	_ =	shalt  }
0x40: {  	_ =	shalt  }
0x41: {  	_ =	shalt  }
0x42: {  	_ =	shalt  }
0x43: {  	_ =	shalt  }
0x44: {  	_ =	shalt  }
0x45: {  	_ =	shalt  }
0x46: {  	_ =	shalt  }
0x47: {  	_ =	shalt  }
0x48: {  	_ =	shalt  }
0x49: {  	_ =	shalt  }
0x4a: {  	_ =	shalt  }
0x4b: {  	_ =	shalt  }
0x4c: {  	_ =	shalt  }
0x4d: {  	_ =	shalt  }
0x4e: {  	_ =	shalt  }
0x4f: {  	_ =	shalt  }
0x50: {  	_ =	shalt  }
0x51: {  	_ =	shalt  }
0x52: {  	_ =	shalt  }
0x53: {  	_ =	shalt  }
0x54: {  	_ =	shalt  }
0x55: {  	_ =	shalt  }
0x56: {  	_ =	shalt  }
0x57: {  	_ =	shalt  }
0x58: {  	_ =	shalt  }
0x59: {  	_ =	shalt  }
0x5a: {  	_ =	shalt  }
0x5b: {  	_ =	shalt  }
0x5c: {  	_ =	shalt  }
0x5d: {  	_ =	shalt  }
0x5e: {  	_ =	shalt  }
0x5f: {  	_ =	shalt  }
0x60: {  	_ =	shalt  }
0x61: {  	_ =	shalt  }
0x62: {  	_ =	shalt  }
0x63: {  	_ =	shalt  }
0x64: {  	_ =	shalt  }
0x65: {  	_ =	shalt  }
0x66: {  	_ =	shalt  }
0x67: {  	_ =	shalt  }
0x68: {  	_ =	shalt  }
0x69: {  	_ =	shalt  }
0x6a: {  	_ =	shalt  }
0x6b: {  	_ =	shalt  }
0x6c: {  	_ =	shalt  }
0x6d: {  	_ =	shalt  }
0x6e: {  	_ =	shalt  }
0x6f: {  	_ =	shalt  }
0x70: {  	_ =	shalt  }
0x71: {  	_ =	shalt  }
0x72: {  	_ =	shalt  }
0x73: {  	_ =	shalt  }
0x74: {  	_ =	shalt  }
0x75: {  	_ =	shalt  }
0x76: {  	_ =	shalt  }
0x77: {  	_ =	shalt  }
0x78: {  	_ =	shalt  }
0x79: {  	_ =	shalt  }
0x7a: {  	_ =	shalt  }
0x7b: {  	_ =	shalt  }
0x7c: {  	_ =	shalt  }
0x7d: {  	_ =	shalt  }
0x7e: {  	_ =	shalt  }
0x7f: {  	_ =	shalt  }
0x80: {  	_ =	shalt  }
0x81: {  	_ =	shalt  }
0x82: {  	_ =	shalt  }
0x83: {  	_ =	shalt  }
0x84: {  	_ =	shalt  }
0x85: {  	_ =	shalt  }
0x86: {  	_ =	shalt  }
0x87: {  	_ =	shalt  }
.Lfunc_end0:
.L_simem_size_0:
called_computation.1_lowered:
.L_overlay_start_0:
0x88: {  	s2 =	sld [smem:$0x3FD9]  }
0x89: {  	s3 =	sld [smem:$0x3FFE];
	_ =	sdelay $0x1  }
0x8a: {  	s1 =	srdreg.scid  }
0x8b: {  	s0 =	sand.u32 $0x1, s1  }
0x8c: {  	s16 =	sshll.u32 s0, $0xA;
	s2 =	sadd.s32 s3, s2  }
0x8d: {  	s2 =	sadd.s32 s2, s16  }
0x8e: {  	[smem:$0x3FB4] =	sst s2  }
0x8f: {  	_ = 	snop  }
0x90: {  	(tm) =	ssettm $0x1  }
0x91: {  	s17 =	sld [smem:$0x3FFB];
	_ =	sdelay $0x3  }
0x92: {  	_ =	strace s17  }
0x93: {  	s2 =	sld [smem:$0x3FFC];
	_ =	sdelay $0x3  }
0x94: {  	_ =	strace s2  }
0x95: {  	s2 =	sld [smem:$0x3FFD];
	_ =	sdelay $0x3  }
0x96: {  	_ =	strace s2  }
0x97: {  	_ =	strace $0x8FFFFFFF  }
0x98: {  	s18 =	sld [smem:$0x3FDB];
	_ =	sdelay $0x1  }
0x99: {  	s19 =	simm.s32 $_scs_section_size  }
0x9a: {  	s4 =	simm.s32 $_size__tile_overlayer_lowered;
	s5 =	simm.s32 $_tile_overlayer_lowered  }
0x9b: {  	s22 =	simm.s32 $0x1BFF;
	s21 =	sshll.u32 s5, $0x1;
	s2 =	sadd.s32 s19, s18  }
0x9c: {  	s6 =	simm.s32 $0x0;
	s20 =	sshll.u32 s4, $0x1;
	s4 =	sadd.s32 s21, s2  }
0x9d: {  	[timem:s6], [sflag:s22] =	dma.local [hbm:s4], s20  }
0x9e: {  	_ =	swait.ge [sflag:s22], s20  }
0x9f: {  	s3 =	ssub.s32 $0x0, s20;
	[sflag:s22] =	ssyncset.done $0x0  }
0xa0: {  	[sflag:s22] =	ssyncadd.s32 s3;
	_ =	sdelay $0x1  }
0xa1: {  	s23 =	simm.s32 $0x1B8B  }
0xa2: {  	_ =	swait.ge [sflag:s23], $0x1  }
0xa3: {  	[sflag:s23] =	ssyncset.done $0x0  }
0xa4: {  	s25 =	simm.s32 $0x1B8E;
	s24 =	sld [smem:$0x3FFE];
	[sflag:s23] =	ssyncadd.s32 $0xFFFFFFFF  }
0xa5: {  	s26 =	simm.s32 $execute0_lowered;
	[smem:$0x3FD2] =	sst s25  }
0xa6: {  	s4 =	sshll.u32 s26, $0x1;
	_ =	strace $0x80000049;
	[dreg:$0x1] =	wrdreg $0xFFFFFFFF  }
0xa7: {  	s28 =	simm.s32 $_size_execute0_lowered;
	s2 =	sadd.s32 s2, s4;
	[dreg:$0x0] =	wrdreg $0x0  }
0xa8: {  	s4 =	sshll.u32 s28, $0x1;
	[dreg:$0x2] =	wrdreg s2  }
0xa9: {  	[dreg:$0x3] =	wrdreg s4  }
0xaa: {  	[dreg:$0x4] =	wrdreg $0xC0  }
0xab: {  	_ =	task [dreg:s6], $0x5FFFF  }
0xac: {  	[dreg:$0x1] =	wrdreg $0xFFFFFFFF  }
0xad: {  	[dreg:$0x0] =	wrdreg $0x60  }
0xae: {  	[dreg:$0x2] =	wrdreg s24  }
0xaf: {  	[dreg:$0x3] =	wrdreg $0x9  }
0xb0: {  	_ =	task.clear_ibuf [dreg:s6], $0x4FFFF;
	_ =	strace $0x90000049  }
0xb1: {  	s29 =	simm.s32 $0x9;
	_ =	strace $0x8000004B  }
0xb2: {  	_ =	swait.ge [sflag:s29], $0x1  }
0xb3: {  	[sflag:s29] =	ssyncadd.s32 $0xFFFFFFFF  }
0xb4: {  	_ =	strace $0x9000004B  }
0xb5: {  	_ =	sfence  }
0xb6: {  	s30 =	sld [smem:$0x0];
	_ =	sdelay $0x2  }
0xb7: {  	s31 =	sshll.u32 s1, $0xD;
	s1 =	sshrl.u32 s1, $0x2  }
0xb8: {  	s3 =	sand.u32 $0x4000, s31;
	s1 =	sadd.s32 s1, s30  }
0xb9: {  	s0 =	sor.u32 s3, s0;
	s1 =	sshll.u32 s1, $0x11  }
0xba: {  	s0 =	sor.u32 s1, s0  }
0xbb: {  	s0 =	sadd.s32 $0x8F2B, s0  }
0xbc: {  	[sflag:s0] =	ssyncadd.remote.s32 $0x1  }
0xbd: {  	_ =	sfence.sel $0xFFFF  }
0xbe: {  	[dreg:$0x0] =	wrdreg $0xFFFFFFFF;
	(pc) =	sbr.abs _section_cstart, $3  }
0xbf: {  	[dreg:$0x1] =	wrdreg $0xFFFFFFFF  }
0xc0: {  	_ =	task.clear_ibuf [dreg:s6], $0x2FFFF;
	_ =	strace $0x9FFFFFFF  }
0xc1: {  	(tm) =	ssettm $0x7FFFFFFF  }
tec
execute0_lowered:
.L_overlay_start_1:
0x0: {  	(tag) =	ssettag $0x1  }
0x1: {  	s2 =	stileid.u32  }
0x2: {  	s31 =	rddreg [dreg:$0x0];
	s23 =	sshll.u32 s2, $0x1;
	s2 =	simm.s32 $0x0  }
0x3: {  	s11 =	simm.s32 $0x280;
	[smem:$0x7FF] =	sst s2  }
0x4: {  	s12 =	simm.s32 $0xA80;
	_ =	strace $0x8000004A;
	[dreg:$0xe] =	wrdreg s11  }
0x5: {  	s13 =	simm.s32 $0x300;
	[dreg:$0xf] =	wrdreg s12  }
0x6: {  	s14 =	simm.s32 $0xB00;
	[dreg:$0x10] =	wrdreg s13  }
0x7: {  	s0 =	srdreg.scid;
	s15 =	simm.s32 $0x380;
	[dreg:$0x11] =	wrdreg s14  }
0x8: {  	s16 =	simm.s32 $0xB80;
	s17 =	simm.s32 $0x400;
	[dreg:$0x12] =	wrdreg s15  }
0x9: {  	s18 =	simm.s32 $0xC00;
	s1 =	sand.u32 $0x1, s0;
	[dreg:$0x13] =	wrdreg s16  }
0xa: {  	s19 =	simm.s32 $0x480;
	s0 =	sor.u32 s1, s23;
	[dreg:$0x14] =	wrdreg s17  }
0xb: {  	s21 =	simm.s32 $0xC80;
	s4 =	sshll.u32 s0, $0x6;
	[dreg:$0x15] =	wrdreg s18  }
0xc: {  	s3 =	smul.u32 $0x50, s0;
	[dreg:$0x16] =	wrdreg s19;
	s4 =	sadd.s32 s4, s31  }
0xd: {  	s0 =	sshll.u32 s0, $0x8;
	[dreg:$0x17] =	wrdreg s21;
	s24 =	sadd.s32 $0x7400, s4  }
0xe: {  	s0 =	sadd.s32 s0, s31;
	s25 =	sadd.s32 $0x14F400, s4;
	[dreg:$0x4] =	wrdreg s24  }
0xf: {  	s26 =	sadd.s32 $0x5400, s0;
	[dreg:$0x5] =	wrdreg s25  }
0x10: {  	s0 =	sadd.s32 $0x14CC00, s0;
	[dreg:$0x6] =	wrdreg s26  }
0x11: {  	s6 =	sadd.s32 $0x14FC00, s4;
	[dreg:$0x7] =	wrdreg s0  }
0x12: {  	s7 =	sadd.s32 $0x14BA00, s4;
	[dreg:$0x9] =	wrdreg s6  }
0x13: {  	s8 =	sadd.s32 $0x150400, s4;
	[dreg:$0xa] =	wrdreg s7  }
0x14: {  	s9 =	sadd.s32 $0x8600, s4;
	[dreg:$0xb] =	wrdreg s8  }
0x15: {  	s3 =	sadd.s32 s3, s31;
	s10 =	sadd.s32 $0x14EC00, s4;
	[dreg:$0xc] =	wrdreg s9  }
0x16: {  	s5 =	sadd.s32 $0x7C00, s3;
	[dreg:$0xd] =	wrdreg s10  }
0x17: {  	s3 =	sadd.s32 $0x14C200, s3;
	[dreg:$0x2] =	wrdreg s5  }
0x18: {  	[dreg:$0x3] =	wrdreg s3;
	s5 =	sadd.s32 $0x14B200, s4  }
0x19: {  	[dreg:$0x8] =	wrdreg s5  }
0x1a: {  	s3 =	simm.s32 $0x2;
	s20 =	rddreg [dreg:$0x2]  }
0x1b: {  	[tilespmem:s2], [sflag:$0x2] =	stream.linear.gather [hbm4b:s20+s2], $0x280, $0x38;
	[tilespmem:$0x1000] =	vst v63  }
0x1c: {  	_ =	swait.ge [sflag:s3], $0x280  }
0x1d: {  	s6 =	simm.s32 $0x80;
	s7 =	simm.s32 $0x1;
	[sflag:s3] =	ssyncset.done $0x0  }
0x1e: {  	s4 =	sadd.s32 $0x10AE00, s31;
	s5 =	simm.s32 $0x800;
	[sflag:s3] =	ssyncadd.s32 $0xFFFFFD80  }
0x1f: {  	[tilespmem:s5], [sflag:$0x1] =	stream.indirect.gather [hbm4b:s4+s6], $0x1, s2, s6, $0xb8;
	[tilespmem:$0x1000] =	vst v63  }
0x20: {  	_ =	swait.ge [sflag:s7], $0x80  }
0x21: {  	[sflag:s7] =	ssyncset.done $0x0  }
0x22: {  	s8 =	simm.s32 $0x880;
	[sflag:s7] =	ssyncadd.s32 $0xFFFFFF80  }
0x23: {  	[tilespmem:s8], [sflag:$0x1] =	stream.indirect.gather [hbm4b:s4+s6], $0x1, s6, s6, $0xb8;
	[tilespmem:$0x1000] =	vst v63  }
0x24: {  	_ =	swait.ge [sflag:s7], $0x80  }
0x25: {  	[sflag:s7] =	ssyncset.done $0x0  }
0x26: {  	s9 =	simm.s32 $0x100;
	s10 =	simm.s32 $0x900;
	[sflag:s7] =	ssyncadd.s32 $0xFFFFFF80  }
0x27: {  	[tilespmem:s10], [sflag:$0x1] =	stream.indirect.gather [hbm4b:s4+s6], $0x1, s9, s6, $0xb8;
	[tilespmem:$0x1000] =	vst v63  }
0x28: {  	_ =	swait.ge [sflag:s7], $0x80  }
0x29: {  	[sflag:s7] =	ssyncset.done $0x0  }
0x2a: {  	s11 =	simm.s32 $0x180;
	s12 =	simm.s32 $0x980;
	[sflag:s7] =	ssyncadd.s32 $0xFFFFFF80  }
0x2b: {  	[tilespmem:s12], [sflag:$0x1] =	stream.indirect.gather [hbm4b:s4+s6], $0x1, s11, s6, $0xb8;
	[tilespmem:$0x1000] =	vst v63  }
0x2c: {  	_ =	swait.ge [sflag:s7], $0x80  }
0x2d: {  	[sflag:s7] =	ssyncset.done $0x0  }
0x2e: {  	s13 =	simm.s32 $0x200;
	s14 =	simm.s32 $0xA00;
	[sflag:s7] =	ssyncadd.s32 $0xFFFFFF80  }
0x2f: {  	[tilespmem:s14], [sflag:$0x1] =	stream.indirect.gather [hbm4b:s4+s6], $0x1, s13, s6, $0xb8;
	[tilespmem:$0x1000] =	vst v63  }
0x30: {  	_ =	swait.ge [sflag:s7], $0x80  }
0x31: {  	[sflag:s7] =	ssyncset.done $0x0  }
0x32: {  	s22 =	rddreg [dreg:$0x3];
	[sflag:s7] =	ssyncadd.s32 $0xFFFFFF80  }
0x33: {  	[hbm4b:s22+s2] =	stream.linear.scatter [tilespmem:s5], [sflag:$0x2], $0x280, $0x38;
	[tilespmem:$0x1000] =	vst v63  }
0x34: {  	_ =	swait.ge [sflag:s3], $0x280  }
0x35: {  	[sflag:s3] =	ssyncset.done $0x0  }
0x36: {  	s23 =	rddreg [dreg:$0x4];
	[sflag:s3] =	ssyncadd.s32 $0xFFFFFD80  }
0x37: {  	[tilespmem:s2], [sflag:$0x2] =	stream.linear.gather [hbm4b:s23+s2], $0x200, $0x38;
	[tilespmem:$0x1000] =	vst v63  }
0x38: {  	_ =	swait.ge [sflag:s3], $0x200  }
0x39: {  	[sflag:s3] =	ssyncset.done $0x0  }
0x3a: {  	s15 =	sadd.s32 $0xAE00, s31;
	[sflag:s3] =	ssyncadd.s32 $0xFFFFFE00  }
0x3b: {  	[tilespmem:s5], [sflag:$0x1] =	stream.indirect.gather [hbm4b:s15+s6], $0x1, s2, s6, $0xb8;
	[tilespmem:$0x1000] =	vst v63  }
0x3c: {  	_ =	swait.ge [sflag:s7], $0x80  }
0x3d: {  	[sflag:s7] =	ssyncset.done $0x0  }
0x3e: {  	[sflag:s7] =	ssyncadd.s32 $0xFFFFFF80  }
0x3f: {  	[tilespmem:s8], [sflag:$0x1] =	stream.indirect.gather [hbm4b:s15+s6], $0x1, s6, s6, $0xb8;
	[tilespmem:$0x1000] =	vst v63  }
0x40: {  	_ =	swait.ge [sflag:s7], $0x80  }
0x41: {  	[sflag:s7] =	ssyncset.done $0x0  }
0x42: {  	[sflag:s7] =	ssyncadd.s32 $0xFFFFFF80  }
0x43: {  	[tilespmem:s10], [sflag:$0x1] =	stream.indirect.gather [hbm4b:s15+s6], $0x1, s9, s6, $0xb8;
	[tilespmem:$0x1000] =	vst v63  }
0x44: {  	_ =	swait.ge [sflag:s7], $0x80  }
0x45: {  	[sflag:s7] =	ssyncset.done $0x0  }
0x46: {  	[sflag:s7] =	ssyncadd.s32 $0xFFFFFF80  }
0x47: {  	[tilespmem:s12], [sflag:$0x1] =	stream.indirect.gather [hbm4b:s15+s6], $0x1, s11, s6, $0xb8;
	[tilespmem:$0x1000] =	vst v63  }
0x48: {  	_ =	swait.ge [sflag:s7], $0x80  }
0x49: {  	[sflag:s7] =	ssyncset.done $0x0  }
0x4a: {  	s24 =	rddreg [dreg:$0x5];
	[sflag:s7] =	ssyncadd.s32 $0xFFFFFF80  }
0x4b: {  	[hbm4b:s24+s2] =	stream.linear.scatter [tilespmem:s5], [sflag:$0x2], $0x200, $0x38;
	[tilespmem:$0x1000] =	vst v63  }
0x4c: {  	_ =	swait.ge [sflag:s3], $0x200  }
0x4d: {  	[sflag:s3] =	ssyncset.done $0x0  }
0x4e: {  	s25 =	rddreg [dreg:$0x6];
	[sflag:s3] =	ssyncadd.s32 $0xFFFFFE00  }
0x4f: {  	[tilespmem:s2], [sflag:$0x2] =	stream.linear.gather [hbm4b:s25+s2], $0x800, $0x38;
	[tilespmem:$0x1000] =	vst v63  }
0x50: {  	_ =	swait.ge [sflag:s3], $0x800  }
0x51: {  	[sflag:s3] =	ssyncset.done $0x0  }
0x52: {  	s16 =	sadd.s32 $0x8AE00, s31;
	[sflag:s3] =	ssyncadd.s32 $0xFFFFF800  }
0x53: {  	[tilespmem:s5], [sflag:$0x1] =	stream.indirect.gather [hbm4b:s16+s6], $0x1, s2, s6, $0xb8;
	[tilespmem:$0x1000] =	vst v63  }
0x54: {  	_ =	swait.ge [sflag:s7], $0x80  }
0x55: {  	[sflag:s7] =	ssyncset.done $0x0  }
0x56: {  	[sflag:s7] =	ssyncadd.s32 $0xFFFFFF80  }
0x57: {  	[tilespmem:s8], [sflag:$0x1] =	stream.indirect.gather [hbm4b:s16+s6], $0x1, s6, s6, $0xb8;
	[tilespmem:$0x1000] =	vst v63  }
0x58: {  	_ =	swait.ge [sflag:s7], $0x80  }
0x59: {  	[sflag:s7] =	ssyncset.done $0x0  }
0x5a: {  	[sflag:s7] =	ssyncadd.s32 $0xFFFFFF80  }
0x5b: {  	[tilespmem:s10], [sflag:$0x1] =	stream.indirect.gather [hbm4b:s16+s6], $0x1, s9, s6, $0xb8;
	[tilespmem:$0x1000] =	vst v63  }
0x5c: {  	_ =	swait.ge [sflag:s7], $0x80  }
0x5d: {  	[sflag:s7] =	ssyncset.done $0x0  }
0x5e: {  	[sflag:s7] =	ssyncadd.s32 $0xFFFFFF80  }
0x5f: {  	[tilespmem:s12], [sflag:$0x1] =	stream.indirect.gather [hbm4b:s16+s6], $0x1, s11, s6, $0xb8;
	[tilespmem:$0x1000] =	vst v63  }
0x60: {  	_ =	swait.ge [sflag:s7], $0x80  }
0x61: {  	[sflag:s7] =	ssyncset.done $0x0  }
0x62: {  	[sflag:s7] =	ssyncadd.s32 $0xFFFFFF80  }
0x63: {  	[tilespmem:s14], [sflag:$0x1] =	stream.indirect.gather [hbm4b:s16+s6], $0x1, s13, s6, $0xb8;
	[tilespmem:$0x1000] =	vst v63  }
0x64: {  	_ =	swait.ge [sflag:s7], $0x80  }
0x65: {  	s26 =	rddreg [dreg:$0xe];
	[sflag:s7] =	ssyncset.done $0x0  }
0x66: {  	s17 =	rddreg [dreg:$0xf];
	[sflag:s7] =	ssyncadd.s32 $0xFFFFFF80  }
0x67: {  	[tilespmem:s17], [sflag:$0x1] =	stream.indirect.gather [hbm4b:s16+s6], $0x1, s26, s6, $0xb8;
	[tilespmem:$0x1000] =	vst v63  }
0x68: {  	_ =	swait.ge [sflag:s7], $0x80  }
0x69: {  	s17 =	rddreg [dreg:$0x10];
	[sflag:s7] =	ssyncset.done $0x0  }
0x6a: {  	s18 =	rddreg [dreg:$0x11];
	[sflag:s7] =	ssyncadd.s32 $0xFFFFFF80  }
0x6b: {  	[tilespmem:s18], [sflag:$0x1] =	stream.indirect.gather [hbm4b:s16+s6], $0x1, s17, s6, $0xb8;
	[tilespmem:$0x1000] =	vst v63  }
0x6c: {  	_ =	swait.ge [sflag:s7], $0x80  }
0x6d: {  	s19 =	rddreg [dreg:$0x12];
	[sflag:s7] =	ssyncset.done $0x0  }
0x6e: {  	s20 =	rddreg [dreg:$0x13];
	[sflag:s7] =	ssyncadd.s32 $0xFFFFFF80  }
0x6f: {  	[tilespmem:s20], [sflag:$0x1] =	stream.indirect.gather [hbm4b:s16+s6], $0x1, s19, s6, $0xb8;
	[tilespmem:$0x1000] =	vst v63  }
0x70: {  	_ =	swait.ge [sflag:s7], $0x80  }
0x71: {  	s21 =	rddreg [dreg:$0x14];
	[sflag:s7] =	ssyncset.done $0x0  }
0x72: {  	s22 =	rddreg [dreg:$0x15];
	[sflag:s7] =	ssyncadd.s32 $0xFFFFFF80  }
0x73: {  	[tilespmem:s22], [sflag:$0x1] =	stream.indirect.gather [hbm4b:s16+s6], $0x1, s21, s6, $0xb8;
	[tilespmem:$0x1000] =	vst v63  }
0x74: {  	_ =	swait.ge [sflag:s7], $0x80  }
0x75: {  	s23 =	rddreg [dreg:$0x16];
	[sflag:s7] =	ssyncset.done $0x0  }
0x76: {  	s24 =	rddreg [dreg:$0x17];
	[sflag:s7] =	ssyncadd.s32 $0xFFFFFF80  }
0x77: {  	[tilespmem:s24], [sflag:$0x1] =	stream.indirect.gather [hbm4b:s16+s6], $0x1, s23, s6, $0xb8;
	[tilespmem:$0x1000] =	vst v63  }
0x78: {  	_ =	swait.ge [sflag:s7], $0x80  }
0x79: {  	[sflag:s7] =	ssyncset.done $0x0  }
0x7a: {  	s25 =	simm.s32 $0x500;
	s26 =	simm.s32 $0xD00;
	[sflag:s7] =	ssyncadd.s32 $0xFFFFFF80  }
0x7b: {  	[tilespmem:s26], [sflag:$0x1] =	stream.indirect.gather [hbm4b:s16+s6], $0x1, s25, s6, $0xb8;
	[tilespmem:$0x1000] =	vst v63  }
0x7c: {  	_ =	swait.ge [sflag:s7], $0x80  }
0x7d: {  	[sflag:s7] =	ssyncset.done $0x0  }
0x7e: {  	s19 =	simm.s32 $0x580;
	s20 =	simm.s32 $0xD80;
	[sflag:s7] =	ssyncadd.s32 $0xFFFFFF80  }
0x7f: {  	[tilespmem:s20], [sflag:$0x1] =	stream.indirect.gather [hbm4b:s16+s6], $0x1, s19, s6, $0xb8;
	[tilespmem:$0x1000] =	vst v63  }
0x80: {  	_ =	swait.ge [sflag:s7], $0x80  }
0x81: {  	[sflag:s7] =	ssyncset.done $0x0  }
0x82: {  	s21 =	simm.s32 $0x600;
	s22 =	simm.s32 $0xE00;
	[sflag:s7] =	ssyncadd.s32 $0xFFFFFF80  }
0x83: {  	[tilespmem:s22], [sflag:$0x1] =	stream.indirect.gather [hbm4b:s16+s6], $0x1, s21, s6, $0xb8;
	[tilespmem:$0x1000] =	vst v63  }
0x84: {  	_ =	swait.ge [sflag:s7], $0x80  }
0x85: {  	[sflag:s7] =	ssyncset.done $0x0  }
0x86: {  	s23 =	simm.s32 $0x680;
	s24 =	simm.s32 $0xE80;
	[sflag:s7] =	ssyncadd.s32 $0xFFFFFF80  }
0x87: {  	[tilespmem:s24], [sflag:$0x1] =	stream.indirect.gather [hbm4b:s16+s6], $0x1, s23, s6, $0xb8;
	[tilespmem:$0x1000] =	vst v63  }
0x88: {  	_ =	swait.ge [sflag:s7], $0x80  }
0x89: {  	[sflag:s7] =	ssyncset.done $0x0  }
0x8a: {  	s25 =	simm.s32 $0x700;
	s26 =	simm.s32 $0xF00;
	[sflag:s7] =	ssyncadd.s32 $0xFFFFFF80  }
0x8b: {  	[tilespmem:s26], [sflag:$0x1] =	stream.indirect.gather [hbm4b:s16+s6], $0x1, s25, s6, $0xb8;
	[tilespmem:$0x1000] =	vst v63  }
0x8c: {  	_ =	swait.ge [sflag:s7], $0x80  }
0x8d: {  	[sflag:s7] =	ssyncset.done $0x0  }
0x8e: {  	s28 =	simm.s32 $0x780;
	s29 =	simm.s32 $0xF80;
	[sflag:s7] =	ssyncadd.s32 $0xFFFFFF80  }
0x8f: {  	[tilespmem:s29], [sflag:$0x1] =	stream.indirect.gather [hbm4b:s16+s6], $0x1, s28, s6, $0xb8;
	[tilespmem:$0x1000] =	vst v63  }
0x90: {  	_ =	swait.ge [sflag:s7], $0x80  }
0x91: {  	[sflag:s7] =	ssyncset.done $0x0  }
0x92: {  	s17 =	rddreg [dreg:$0x7];
	[sflag:s7] =	ssyncadd.s32 $0xFFFFFF80  }
0x93: {  	[hbm4b:s17+s2] =	stream.linear.scatter [tilespmem:s5], [sflag:$0x2], $0x800, $0x38;
	[tilespmem:$0x1000] =	vst v63  }
0x94: {  	_ =	swait.ge [sflag:s3], $0x800  }
0x95: {  	[sflag:s3] =	ssyncset.done $0x0  }
0x96: {  	s17 =	rddreg [dreg:$0x8];
	[sflag:s3] =	ssyncadd.s32 $0xFFFFF800  }
0x97: {  	[tilespmem:s2], [sflag:$0x2] =	stream.linear.gather [hbm4b:s17+s2], $0x200, $0x38;
	[tilespmem:$0x1000] =	vst v63  }
0x98: {  	_ =	swait.ge [sflag:s3], $0x200  }
0x99: {  	[sflag:s3] =	ssyncset.done $0x0  }
0x9a: {  	[sflag:s3] =	ssyncadd.s32 $0xFFFFFE00  }
0x9b: {  	[tilespmem:s5], [sflag:$0x1] =	stream.indirect.gather [hbm4b:s16+s6], $0x1, s2, s6, $0xb8;
	[tilespmem:$0x1000] =	vst v63  }
0x9c: {  	_ =	swait.ge [sflag:s7], $0x80  }
0x9d: {  	[sflag:s7] =	ssyncset.done $0x0  }
0x9e: {  	[sflag:s7] =	ssyncadd.s32 $0xFFFFFF80  }
0x9f: {  	[tilespmem:s8], [sflag:$0x1] =	stream.indirect.gather [hbm4b:s16+s6], $0x1, s6, s6, $0xb8;
	[tilespmem:$0x1000] =	vst v63  }
0xa0: {  	_ =	swait.ge [sflag:s7], $0x80  }
0xa1: {  	[sflag:s7] =	ssyncset.done $0x0  }
0xa2: {  	[sflag:s7] =	ssyncadd.s32 $0xFFFFFF80  }
0xa3: {  	[tilespmem:s10], [sflag:$0x1] =	stream.indirect.gather [hbm4b:s16+s6], $0x1, s9, s6, $0xb8;
	[tilespmem:$0x1000] =	vst v63  }
0xa4: {  	_ =	swait.ge [sflag:s7], $0x80  }
0xa5: {  	[sflag:s7] =	ssyncset.done $0x0  }
0xa6: {  	[sflag:s7] =	ssyncadd.s32 $0xFFFFFF80  }
0xa7: {  	[tilespmem:s12], [sflag:$0x1] =	stream.indirect.gather [hbm4b:s16+s6], $0x1, s11, s6, $0xb8;
	[tilespmem:$0x1000] =	vst v63  }
0xa8: {  	_ =	swait.ge [sflag:s7], $0x80  }
0xa9: {  	[sflag:s7] =	ssyncset.done $0x0  }
0xaa: {  	s17 =	rddreg [dreg:$0x9];
	[sflag:s7] =	ssyncadd.s32 $0xFFFFFF80  }
0xab: {  	[hbm4b:s17+s2] =	stream.linear.scatter [tilespmem:s5], [sflag:$0x2], $0x200, $0x38;
	[tilespmem:$0x1000] =	vst v63  }
0xac: {  	_ =	swait.ge [sflag:s3], $0x200  }
0xad: {  	[sflag:s3] =	ssyncset.done $0x0  }
0xae: {  	s17 =	rddreg [dreg:$0xa];
	[sflag:s3] =	ssyncadd.s32 $0xFFFFFE00  }
0xaf: {  	[tilespmem:s2], [sflag:$0x2] =	stream.linear.gather [hbm4b:s17+s2], $0x200, $0x38;
	[tilespmem:$0x1000] =	vst v63  }
0xb0: {  	_ =	swait.ge [sflag:s3], $0x200  }
0xb1: {  	[sflag:s3] =	ssyncset.done $0x0  }
0xb2: {  	s30 =	sadd.s32 $0x8E00, s31;
	[sflag:s3] =	ssyncadd.s32 $0xFFFFFE00  }
0xb3: {  	[tilespmem:s5], [sflag:$0x1] =	stream.indirect.gather [hbm4b:s30+s6], $0x1, s2, s6, $0xb8;
	[tilespmem:$0x1000] =	vst v63  }
0xb4: {  	_ =	swait.ge [sflag:s7], $0x80  }
0xb5: {  	[sflag:s7] =	ssyncset.done $0x0  }
0xb6: {  	[sflag:s7] =	ssyncadd.s32 $0xFFFFFF80  }
0xb7: {  	[tilespmem:s8], [sflag:$0x1] =	stream.indirect.gather [hbm4b:s30+s6], $0x1, s6, s6, $0xb8;
	[tilespmem:$0x1000] =	vst v63  }
0xb8: {  	_ =	swait.ge [sflag:s7], $0x80  }
0xb9: {  	[sflag:s7] =	ssyncset.done $0x0  }
0xba: {  	[sflag:s7] =	ssyncadd.s32 $0xFFFFFF80  }
0xbb: {  	[tilespmem:s10], [sflag:$0x1] =	stream.indirect.gather [hbm4b:s30+s6], $0x1, s9, s6, $0xb8;
	[tilespmem:$0x1000] =	vst v63  }
0xbc: {  	_ =	swait.ge [sflag:s7], $0x80  }
0xbd: {  	[sflag:s7] =	ssyncset.done $0x0  }
0xbe: {  	[sflag:s7] =	ssyncadd.s32 $0xFFFFFF80  }
0xbf: {  	[tilespmem:s12], [sflag:$0x1] =	stream.indirect.gather [hbm4b:s30+s6], $0x1, s11, s6, $0xb8;
	[tilespmem:$0x1000] =	vst v63  }
0xc0: {  	_ =	swait.ge [sflag:s7], $0x80  }
0xc1: {  	[sflag:s7] =	ssyncset.done $0x0  }
0xc2: {  	s17 =	rddreg [dreg:$0xb];
	[sflag:s7] =	ssyncadd.s32 $0xFFFFFF80  }
0xc3: {  	[hbm4b:s17+s2] =	stream.linear.scatter [tilespmem:s5], [sflag:$0x2], $0x200, $0x38;
	[tilespmem:$0x1000] =	vst v63  }
0xc4: {  	_ =	swait.ge [sflag:s3], $0x200  }
0xc5: {  	[sflag:s3] =	ssyncset.done $0x0  }
0xc6: {  	s17 =	rddreg [dreg:$0xc];
	[sflag:s3] =	ssyncadd.s32 $0xFFFFFE00  }
0xc7: {  	[tilespmem:s2], [sflag:$0x2] =	stream.linear.gather [hbm4b:s17+s2], $0x200, $0x38;
	[tilespmem:$0x1000] =	vst v63  }
0xc8: {  	_ =	swait.ge [sflag:s3], $0x200  }
0xc9: {  	[sflag:s3] =	ssyncset.done $0x0  }
0xca: {  	s31 =	sadd.s32 $0x12B200, s31;
	[sflag:s3] =	ssyncadd.s32 $0xFFFFFE00  }
0xcb: {  	[tilespmem:s5], [sflag:$0x1] =	stream.indirect.gather [hbm4b:s31+s6], $0x1, s2, s6, $0xb8;
	[tilespmem:$0x1000] =	vst v63  }
0xcc: {  	_ =	swait.ge [sflag:s7], $0x80  }
0xcd: {  	[sflag:s7] =	ssyncset.done $0x0  }
0xce: {  	s17 =	ssub.s32 $0x2, s1;
	[sflag:s7] =	ssyncadd.s32 $0xFFFFFF80  }
0xcf: {  	[tilespmem:s8], [sflag:$0x1] =	stream.indirect.gather [hbm4b:s31+s6], $0x1, s6, s6, $0xb8;
	[tilespmem:$0x1000] =	vst v63  }
0xd0: {  	s1 =	sshrl.u32 s17, $0x1;
	_ =	swait.ge [sflag:s7], $0x80  }
0xd1: {  	s0 =	ssub.s32 s17, s1;
	[sflag:s7] =	ssyncset.done $0x0  }
0xd2: {  	s0 =	smax.u32 s0, $0x1;
	[sflag:s7] =	ssyncadd.s32 $0xFFFFFF80  }
0xd3: {  	[tilespmem:s10], [sflag:$0x1] =	stream.indirect.gather [hbm4b:s31+s6], $0x1, s9, s6, $0xb8;
	[tilespmem:$0x1000] =	vst v63  }
0xd4: {  	p0 =	sne.s32 s0, $0x1;
	_ =	swait.ge [sflag:s7], $0x80  }
.Ltmp0:
0xd5: {  	[sflag:s7] =	ssyncset.done $0x0;
	(pc) =	sbr.rel @!p0 .LBB2_2-.Ltmp0, $4  }
0xd6: {  	[sflag:s7] =	ssyncadd.s32 $0xFFFFFF80  }
0xd7: {  	[tilespmem:s12], [sflag:$0x1] =	stream.indirect.gather [hbm4b:s31+s6], $0x1, s11, s6, $0xb8;
	[tilespmem:$0x1000] =	vst v63  }
0xd8: {  	s18 =	simm.s32 $0xD00;
	_ =	swait.ge [sflag:s7], $0x80  }
0xd9: {  	s1 =	sadd.s32 $0xFFFFFFFF, s0;
	[sflag:s7] =	ssyncset.done $0x0;
	s0 =	rddreg [dreg:$0xd]  }
.LBB2_1:
0xda: {  	[sflag:s7] =	ssyncadd.s32 $0xFFFFFF80  }
0xdb: {  	[hbm4b:s0+s2] =	stream.linear.scatter [tilespmem:s5], [sflag:$0x2], $0x200, $0x38;
	[tilespmem:$0x1000] =	vst v63  }
0xdc: {  	_ =	swait.ge [sflag:s3], $0x200  }
0xdd: {  	[sflag:s3] =	ssyncset.done $0x0  }
0xde: {  	s17 =	rddreg [dreg:$0x2];
	[sflag:s3] =	ssyncadd.s32 $0xFFFFFE00  }
0xdf: {  	[tilespmem:s2], [sflag:$0x2] =	stream.linear.gather [hbm4b:s17+s2], $0x280, $0x38;
	[tilespmem:$0x1000] =	vst v63  }
0xe0: {  	_ =	swait.ge [sflag:s3], $0x280  }
0xe1: {  	[sflag:s3] =	ssyncset.done $0x0  }
0xe2: {  	[sflag:s3] =	ssyncadd.s32 $0xFFFFFD80  }
0xe3: {  	[tilespmem:s5], [sflag:$0x1] =	stream.indirect.gather [hbm4b:s4+s6], $0x1, s2, s6, $0xb8;
	[tilespmem:$0x1000] =	vst v63  }
0xe4: {  	_ =	swait.ge [sflag:s7], $0x80  }
0xe5: {  	[sflag:s7] =	ssyncset.done $0x0  }
0xe6: {  	[sflag:s7] =	ssyncadd.s32 $0xFFFFFF80  }
0xe7: {  	[tilespmem:s8], [sflag:$0x1] =	stream.indirect.gather [hbm4b:s4+s6], $0x1, s6, s6, $0xb8;
	[tilespmem:$0x1000] =	vst v63  }
0xe8: {  	_ =	swait.ge [sflag:s7], $0x80  }
0xe9: {  	[sflag:s7] =	ssyncset.done $0x0  }
0xea: {  	[sflag:s7] =	ssyncadd.s32 $0xFFFFFF80  }
0xeb: {  	[tilespmem:s10], [sflag:$0x1] =	stream.indirect.gather [hbm4b:s4+s6], $0x1, s9, s6, $0xb8;
	[tilespmem:$0x1000] =	vst v63  }
0xec: {  	_ =	swait.ge [sflag:s7], $0x80  }
0xed: {  	[sflag:s7] =	ssyncset.done $0x0  }
0xee: {  	[sflag:s7] =	ssyncadd.s32 $0xFFFFFF80  }
0xef: {  	[tilespmem:s12], [sflag:$0x1] =	stream.indirect.gather [hbm4b:s4+s6], $0x1, s11, s6, $0xb8;
	[tilespmem:$0x1000] =	vst v63  }
0xf0: {  	_ =	swait.ge [sflag:s7], $0x80  }
0xf1: {  	[sflag:s7] =	ssyncset.done $0x0  }
0xf2: {  	[sflag:s7] =	ssyncadd.s32 $0xFFFFFF80  }
0xf3: {  	[tilespmem:s14], [sflag:$0x1] =	stream.indirect.gather [hbm4b:s4+s6], $0x1, s13, s6, $0xb8;
	[tilespmem:$0x1000] =	vst v63  }
0xf4: {  	_ =	swait.ge [sflag:s7], $0x80  }
0xf5: {  	[sflag:s7] =	ssyncset.done $0x0  }
0xf6: {  	s17 =	rddreg [dreg:$0x3];
	[sflag:s7] =	ssyncadd.s32 $0xFFFFFF80  }
0xf7: {  	[hbm4b:s17+s2] =	stream.linear.scatter [tilespmem:s5], [sflag:$0x2], $0x280, $0x38;
	[tilespmem:$0x1000] =	vst v63  }
0xf8: {  	_ =	swait.ge [sflag:s3], $0x280  }
0xf9: {  	[sflag:s3] =	ssyncset.done $0x0  }
0xfa: {  	s17 =	rddreg [dreg:$0x4];
	[sflag:s3] =	ssyncadd.s32 $0xFFFFFD80  }
0xfb: {  	[tilespmem:s2], [sflag:$0x2] =	stream.linear.gather [hbm4b:s17+s2], $0x200, $0x38;
	[tilespmem:$0x1000] =	vst v63  }
0xfc: {  	_ =	swait.ge [sflag:s3], $0x200  }
0xfd: {  	[sflag:s3] =	ssyncset.done $0x0  }
0xfe: {  	[sflag:s3] =	ssyncadd.s32 $0xFFFFFE00  }
0xff: {  	[tilespmem:s5], [sflag:$0x1] =	stream.indirect.gather [hbm4b:s15+s6], $0x1, s2, s6, $0xb8;
	[tilespmem:$0x1000] =	vst v63  }
0x100: {  	_ =	swait.ge [sflag:s7], $0x80  }
0x101: {  	[sflag:s7] =	ssyncset.done $0x0  }
0x102: {  	[sflag:s7] =	ssyncadd.s32 $0xFFFFFF80  }
0x103: {  	[tilespmem:s8], [sflag:$0x1] =	stream.indirect.gather [hbm4b:s15+s6], $0x1, s6, s6, $0xb8;
	[tilespmem:$0x1000] =	vst v63  }
0x104: {  	_ =	swait.ge [sflag:s7], $0x80  }
0x105: {  	[sflag:s7] =	ssyncset.done $0x0  }
0x106: {  	[sflag:s7] =	ssyncadd.s32 $0xFFFFFF80  }
0x107: {  	[tilespmem:s10], [sflag:$0x1] =	stream.indirect.gather [hbm4b:s15+s6], $0x1, s9, s6, $0xb8;
	[tilespmem:$0x1000] =	vst v63  }
0x108: {  	_ =	swait.ge [sflag:s7], $0x80  }
0x109: {  	[sflag:s7] =	ssyncset.done $0x0  }
0x10a: {  	[sflag:s7] =	ssyncadd.s32 $0xFFFFFF80  }
0x10b: {  	[tilespmem:s12], [sflag:$0x1] =	stream.indirect.gather [hbm4b:s15+s6], $0x1, s11, s6, $0xb8;
	[tilespmem:$0x1000] =	vst v63  }
0x10c: {  	_ =	swait.ge [sflag:s7], $0x80  }
0x10d: {  	[sflag:s7] =	ssyncset.done $0x0  }
0x10e: {  	s17 =	rddreg [dreg:$0x5];
	[sflag:s7] =	ssyncadd.s32 $0xFFFFFF80  }
0x10f: {  	[hbm4b:s17+s2] =	stream.linear.scatter [tilespmem:s5], [sflag:$0x2], $0x200, $0x38;
	[tilespmem:$0x1000] =	vst v63  }
0x110: {  	_ =	swait.ge [sflag:s3], $0x200  }
0x111: {  	[sflag:s3] =	ssyncset.done $0x0  }
0x112: {  	s17 =	rddreg [dreg:$0x6];
	[sflag:s3] =	ssyncadd.s32 $0xFFFFFE00  }
0x113: {  	[tilespmem:s2], [sflag:$0x2] =	stream.linear.gather [hbm4b:s17+s2], $0x800, $0x38;
	[tilespmem:$0x1000] =	vst v63  }
0x114: {  	_ =	swait.ge [sflag:s3], $0x800  }
0x115: {  	[sflag:s3] =	ssyncset.done $0x0  }
0x116: {  	[sflag:s3] =	ssyncadd.s32 $0xFFFFF800  }
0x117: {  	[tilespmem:s5], [sflag:$0x1] =	stream.indirect.gather [hbm4b:s16+s6], $0x1, s2, s6, $0xb8;
	[tilespmem:$0x1000] =	vst v63  }
0x118: {  	_ =	swait.ge [sflag:s7], $0x80  }
0x119: {  	[sflag:s7] =	ssyncset.done $0x0  }
0x11a: {  	[sflag:s7] =	ssyncadd.s32 $0xFFFFFF80  }
0x11b: {  	[tilespmem:s8], [sflag:$0x1] =	stream.indirect.gather [hbm4b:s16+s6], $0x1, s6, s6, $0xb8;
	[tilespmem:$0x1000] =	vst v63  }
0x11c: {  	_ =	swait.ge [sflag:s7], $0x80  }
0x11d: {  	[sflag:s7] =	ssyncset.done $0x0  }
0x11e: {  	[sflag:s7] =	ssyncadd.s32 $0xFFFFFF80  }
0x11f: {  	[tilespmem:s10], [sflag:$0x1] =	stream.indirect.gather [hbm4b:s16+s6], $0x1, s9, s6, $0xb8;
	[tilespmem:$0x1000] =	vst v63  }
0x120: {  	_ =	swait.ge [sflag:s7], $0x80  }
0x121: {  	[sflag:s7] =	ssyncset.done $0x0  }
0x122: {  	[sflag:s7] =	ssyncadd.s32 $0xFFFFFF80  }
0x123: {  	[tilespmem:s12], [sflag:$0x1] =	stream.indirect.gather [hbm4b:s16+s6], $0x1, s11, s6, $0xb8;
	[tilespmem:$0x1000] =	vst v63  }
0x124: {  	_ =	swait.ge [sflag:s7], $0x80  }
0x125: {  	[sflag:s7] =	ssyncset.done $0x0  }
0x126: {  	[sflag:s7] =	ssyncadd.s32 $0xFFFFFF80  }
0x127: {  	[tilespmem:s14], [sflag:$0x1] =	stream.indirect.gather [hbm4b:s16+s6], $0x1, s13, s6, $0xb8;
	[tilespmem:$0x1000] =	vst v63  }
0x128: {  	_ =	swait.ge [sflag:s7], $0x80  }
0x129: {  	s0 =	rddreg [dreg:$0xe];
	[sflag:s7] =	ssyncset.done $0x0  }
0x12a: {  	s17 =	rddreg [dreg:$0xf];
	[sflag:s7] =	ssyncadd.s32 $0xFFFFFF80  }
0x12b: {  	[tilespmem:s17], [sflag:$0x1] =	stream.indirect.gather [hbm4b:s16+s6], $0x1, s0, s6, $0xb8;
	[tilespmem:$0x1000] =	vst v63  }
0x12c: {  	_ =	swait.ge [sflag:s7], $0x80  }
0x12d: {  	[sflag:s7] =	ssyncset.done $0x0;
	s0 =	rddreg [dreg:$0x10]  }
0x12e: {  	s17 =	rddreg [dreg:$0x11];
	[sflag:s7] =	ssyncadd.s32 $0xFFFFFF80  }
0x12f: {  	[tilespmem:s17], [sflag:$0x1] =	stream.indirect.gather [hbm4b:s16+s6], $0x1, s0, s6, $0xb8;
	[tilespmem:$0x1000] =	vst v63  }
0x130: {  	_ =	swait.ge [sflag:s7], $0x80  }
0x131: {  	[sflag:s7] =	ssyncset.done $0x0;
	s0 =	rddreg [dreg:$0x12]  }
0x132: {  	s17 =	rddreg [dreg:$0x13];
	[sflag:s7] =	ssyncadd.s32 $0xFFFFFF80  }
0x133: {  	[tilespmem:s17], [sflag:$0x1] =	stream.indirect.gather [hbm4b:s16+s6], $0x1, s0, s6, $0xb8;
	[tilespmem:$0x1000] =	vst v63  }
0x134: {  	_ =	swait.ge [sflag:s7], $0x80  }
0x135: {  	[sflag:s7] =	ssyncset.done $0x0;
	s0 =	rddreg [dreg:$0x14]  }
0x136: {  	s17 =	rddreg [dreg:$0x15];
	[sflag:s7] =	ssyncadd.s32 $0xFFFFFF80  }
0x137: {  	[tilespmem:s17], [sflag:$0x1] =	stream.indirect.gather [hbm4b:s16+s6], $0x1, s0, s6, $0xb8;
	[tilespmem:$0x1000] =	vst v63  }
0x138: {  	_ =	swait.ge [sflag:s7], $0x80  }
0x139: {  	[sflag:s7] =	ssyncset.done $0x0;
	s0 =	rddreg [dreg:$0x16]  }
0x13a: {  	s17 =	rddreg [dreg:$0x17];
	[sflag:s7] =	ssyncadd.s32 $0xFFFFFF80  }
0x13b: {  	[tilespmem:s17], [sflag:$0x1] =	stream.indirect.gather [hbm4b:s16+s6], $0x1, s0, s6, $0xb8;
	[tilespmem:$0x1000] =	vst v63  }
0x13c: {  	_ =	swait.ge [sflag:s7], $0x80  }
0x13d: {  	[sflag:s7] =	ssyncset.done $0x0  }
0x13e: {  	s17 =	simm.s32 $0x500;
	[sflag:s7] =	ssyncadd.s32 $0xFFFFFF80  }
0x13f: {  	[tilespmem:s18], [sflag:$0x1] =	stream.indirect.gather [hbm4b:s16+s6], $0x1, s17, s6, $0xb8;
	[tilespmem:$0x1000] =	vst v63  }
0x140: {  	_ =	swait.ge [sflag:s7], $0x80  }
0x141: {  	[sflag:s7] =	ssyncset.done $0x0  }
0x142: {  	[sflag:s7] =	ssyncadd.s32 $0xFFFFFF80  }
0x143: {  	[tilespmem:s20], [sflag:$0x1] =	stream.indirect.gather [hbm4b:s16+s6], $0x1, s19, s6, $0xb8;
	[tilespmem:$0x1000] =	vst v63  }
0x144: {  	_ =	swait.ge [sflag:s7], $0x80  }
0x145: {  	[sflag:s7] =	ssyncset.done $0x0  }
0x146: {  	[sflag:s7] =	ssyncadd.s32 $0xFFFFFF80  }
0x147: {  	[tilespmem:s22], [sflag:$0x1] =	stream.indirect.gather [hbm4b:s16+s6], $0x1, s21, s6, $0xb8;
	[tilespmem:$0x1000] =	vst v63  }
0x148: {  	_ =	swait.ge [sflag:s7], $0x80  }
0x149: {  	[sflag:s7] =	ssyncset.done $0x0  }
0x14a: {  	[sflag:s7] =	ssyncadd.s32 $0xFFFFFF80  }
0x14b: {  	[tilespmem:s24], [sflag:$0x1] =	stream.indirect.gather [hbm4b:s16+s6], $0x1, s23, s6, $0xb8;
	[tilespmem:$0x1000] =	vst v63  }
0x14c: {  	_ =	swait.ge [sflag:s7], $0x80  }
0x14d: {  	[sflag:s7] =	ssyncset.done $0x0  }
0x14e: {  	[sflag:s7] =	ssyncadd.s32 $0xFFFFFF80  }
0x14f: {  	[tilespmem:s26], [sflag:$0x1] =	stream.indirect.gather [hbm4b:s16+s6], $0x1, s25, s6, $0xb8;
	[tilespmem:$0x1000] =	vst v63  }
0x150: {  	_ =	swait.ge [sflag:s7], $0x80  }
0x151: {  	[sflag:s7] =	ssyncset.done $0x0  }
0x152: {  	[sflag:s7] =	ssyncadd.s32 $0xFFFFFF80  }
0x153: {  	[tilespmem:s29], [sflag:$0x1] =	stream.indirect.gather [hbm4b:s16+s6], $0x1, s28, s6, $0xb8;
	[tilespmem:$0x1000] =	vst v63  }
0x154: {  	_ =	swait.ge [sflag:s7], $0x80  }
0x155: {  	[sflag:s7] =	ssyncset.done $0x0  }
0x156: {  	s17 =	rddreg [dreg:$0x7];
	[sflag:s7] =	ssyncadd.s32 $0xFFFFFF80  }
0x157: {  	[hbm4b:s17+s2] =	stream.linear.scatter [tilespmem:s5], [sflag:$0x2], $0x800, $0x38;
	[tilespmem:$0x1000] =	vst v63  }
0x158: {  	_ =	swait.ge [sflag:s3], $0x800  }
0x159: {  	[sflag:s3] =	ssyncset.done $0x0  }
0x15a: {  	s17 =	rddreg [dreg:$0x8];
	[sflag:s3] =	ssyncadd.s32 $0xFFFFF800  }
0x15b: {  	[tilespmem:s2], [sflag:$0x2] =	stream.linear.gather [hbm4b:s17+s2], $0x200, $0x38;
	[tilespmem:$0x1000] =	vst v63  }
0x15c: {  	_ =	swait.ge [sflag:s3], $0x200  }
0x15d: {  	[sflag:s3] =	ssyncset.done $0x0  }
0x15e: {  	[sflag:s3] =	ssyncadd.s32 $0xFFFFFE00  }
0x15f: {  	[tilespmem:s5], [sflag:$0x1] =	stream.indirect.gather [hbm4b:s16+s6], $0x1, s2, s6, $0xb8;
	[tilespmem:$0x1000] =	vst v63  }
0x160: {  	_ =	swait.ge [sflag:s7], $0x80  }
0x161: {  	[sflag:s7] =	ssyncset.done $0x0  }
0x162: {  	[sflag:s7] =	ssyncadd.s32 $0xFFFFFF80  }
0x163: {  	[tilespmem:s8], [sflag:$0x1] =	stream.indirect.gather [hbm4b:s16+s6], $0x1, s6, s6, $0xb8;
	[tilespmem:$0x1000] =	vst v63  }
0x164: {  	_ =	swait.ge [sflag:s7], $0x80  }
0x165: {  	[sflag:s7] =	ssyncset.done $0x0  }
0x166: {  	[sflag:s7] =	ssyncadd.s32 $0xFFFFFF80  }
0x167: {  	[tilespmem:s10], [sflag:$0x1] =	stream.indirect.gather [hbm4b:s16+s6], $0x1, s9, s6, $0xb8;
	[tilespmem:$0x1000] =	vst v63  }
0x168: {  	_ =	swait.ge [sflag:s7], $0x80  }
0x169: {  	[sflag:s7] =	ssyncset.done $0x0  }
0x16a: {  	[sflag:s7] =	ssyncadd.s32 $0xFFFFFF80  }
0x16b: {  	[tilespmem:s12], [sflag:$0x1] =	stream.indirect.gather [hbm4b:s16+s6], $0x1, s11, s6, $0xb8;
	[tilespmem:$0x1000] =	vst v63  }
0x16c: {  	_ =	swait.ge [sflag:s7], $0x80  }
0x16d: {  	[sflag:s7] =	ssyncset.done $0x0  }
0x16e: {  	s17 =	rddreg [dreg:$0x9];
	[sflag:s7] =	ssyncadd.s32 $0xFFFFFF80  }
0x16f: {  	[hbm4b:s17+s2] =	stream.linear.scatter [tilespmem:s5], [sflag:$0x2], $0x200, $0x38;
	[tilespmem:$0x1000] =	vst v63  }
0x170: {  	_ =	swait.ge [sflag:s3], $0x200  }
0x171: {  	[sflag:s3] =	ssyncset.done $0x0  }
0x172: {  	s17 =	rddreg [dreg:$0xa];
	[sflag:s3] =	ssyncadd.s32 $0xFFFFFE00  }
0x173: {  	[tilespmem:s2], [sflag:$0x2] =	stream.linear.gather [hbm4b:s17+s2], $0x200, $0x38;
	[tilespmem:$0x1000] =	vst v63  }
0x174: {  	_ =	swait.ge [sflag:s3], $0x200  }
0x175: {  	[sflag:s3] =	ssyncset.done $0x0  }
0x176: {  	[sflag:s3] =	ssyncadd.s32 $0xFFFFFE00  }
0x177: {  	[tilespmem:s5], [sflag:$0x1] =	stream.indirect.gather [hbm4b:s30+s6], $0x1, s2, s6, $0xb8;
	[tilespmem:$0x1000] =	vst v63  }
0x178: {  	_ =	swait.ge [sflag:s7], $0x80  }
0x179: {  	[sflag:s7] =	ssyncset.done $0x0  }
0x17a: {  	[sflag:s7] =	ssyncadd.s32 $0xFFFFFF80  }
0x17b: {  	[tilespmem:s8], [sflag:$0x1] =	stream.indirect.gather [hbm4b:s30+s6], $0x1, s6, s6, $0xb8;
	[tilespmem:$0x1000] =	vst v63  }
0x17c: {  	_ =	swait.ge [sflag:s7], $0x80  }
0x17d: {  	[sflag:s7] =	ssyncset.done $0x0  }
0x17e: {  	[sflag:s7] =	ssyncadd.s32 $0xFFFFFF80  }
0x17f: {  	[tilespmem:s10], [sflag:$0x1] =	stream.indirect.gather [hbm4b:s30+s6], $0x1, s9, s6, $0xb8;
	[tilespmem:$0x1000] =	vst v63  }
0x180: {  	_ =	swait.ge [sflag:s7], $0x80  }
0x181: {  	[sflag:s7] =	ssyncset.done $0x0  }
0x182: {  	[sflag:s7] =	ssyncadd.s32 $0xFFFFFF80  }
0x183: {  	[tilespmem:s12], [sflag:$0x1] =	stream.indirect.gather [hbm4b:s30+s6], $0x1, s11, s6, $0xb8;
	[tilespmem:$0x1000] =	vst v63  }
0x184: {  	_ =	swait.ge [sflag:s7], $0x80  }
0x185: {  	[sflag:s7] =	ssyncset.done $0x0  }
0x186: {  	s17 =	rddreg [dreg:$0xb];
	[sflag:s7] =	ssyncadd.s32 $0xFFFFFF80  }
0x187: {  	[hbm4b:s17+s2] =	stream.linear.scatter [tilespmem:s5], [sflag:$0x2], $0x200, $0x38;
	[tilespmem:$0x1000] =	vst v63  }
0x188: {  	_ =	swait.ge [sflag:s3], $0x200  }
0x189: {  	[sflag:s3] =	ssyncset.done $0x0  }
0x18a: {  	s17 =	rddreg [dreg:$0xc];
	[sflag:s3] =	ssyncadd.s32 $0xFFFFFE00  }
0x18b: {  	[tilespmem:s2], [sflag:$0x2] =	stream.linear.gather [hbm4b:s17+s2], $0x200, $0x38;
	[tilespmem:$0x1000] =	vst v63  }
0x18c: {  	_ =	swait.ge [sflag:s3], $0x200  }
0x18d: {  	[sflag:s3] =	ssyncset.done $0x0  }
0x18e: {  	[sflag:s3] =	ssyncadd.s32 $0xFFFFFE00  }
0x18f: {  	[tilespmem:s5], [sflag:$0x1] =	stream.indirect.gather [hbm4b:s31+s6], $0x1, s2, s6, $0xb8;
	[tilespmem:$0x1000] =	vst v63  }
0x190: {  	_ =	swait.ge [sflag:s7], $0x80  }
0x191: {  	[sflag:s7] =	ssyncset.done $0x0  }
0x192: {  	[sflag:s7] =	ssyncadd.s32 $0xFFFFFF80  }
0x193: {  	[tilespmem:s8], [sflag:$0x1] =	stream.indirect.gather [hbm4b:s31+s6], $0x1, s6, s6, $0xb8;
	[tilespmem:$0x1000] =	vst v63  }
0x194: {  	_ =	swait.ge [sflag:s7], $0x80  }
0x195: {  	[sflag:s7] =	ssyncset.done $0x0  }
0x196: {  	[sflag:s7] =	ssyncadd.s32 $0xFFFFFF80  }
0x197: {  	[tilespmem:s10], [sflag:$0x1] =	stream.indirect.gather [hbm4b:s31+s6], $0x1, s9, s6, $0xb8;
	[tilespmem:$0x1000] =	vst v63  }
0x198: {  	p0 =	sne.s32 s1, $0x1;
	_ =	swait.ge [sflag:s7], $0x80  }
.Ltmp1:
0x199: {  	[sflag:s7] =	ssyncset.done $0x0;
	(pc) =	sbr.rel @p0 .LBB2_1-.Ltmp1, $4  }
0x19a: {  	[sflag:s7] =	ssyncadd.s32 $0xFFFFFF80  }
0x19b: {  	[tilespmem:s12], [sflag:$0x1] =	stream.indirect.gather [hbm4b:s31+s6], $0x1, s11, s6, $0xb8;
	[tilespmem:$0x1000] =	vst v63  }
0x19c: {  	_ =	swait.ge [sflag:s7], $0x80  }
0x19d: {  	s1 =	sadd.s32 $0xFFFFFFFF, s1;
	[sflag:s7] =	ssyncset.done $0x0;
	s0 =	rddreg [dreg:$0xd]  }
.LBB2_2:
0x19e: {  	[sflag:s7] =	ssyncadd.s32 $0xFFFFFF80  }
0x19f: {  	[hbm4b:s0+s2] =	stream.linear.scatter [tilespmem:s5], [sflag:$0x2], $0x200, $0x38;
	[tilespmem:$0x1000] =	vst v63  }
0x1a0: {  	_ =	swait.ge [sflag:s3], $0x200  }
0x1a1: {  	[sflag:s3] =	ssyncset.done $0x0  }
0x1a2: {  	[sflag:s3] =	ssyncadd.s32 $0xFFFFFE00  }
0x1a3: {  	_ =	sfence.sel $0x180000  }
0x1a4: {  	[bflag:$0x0] =	sbarrier.arrive $0xFFFF  }
0x1a5: {  	_ =	strace $0x9000004A  }
0x1a6: {  	s31 =	stileid.u32;
	[bflag:$0x2] =	sbarrier.arrive $0xFFFF  }
0x1a7: {  	p0 =	sne.s32 s31, $0x0;
	s0 =	rddreg [dreg:$0x1]  }
0x1a8: {  	s0 =	sadd.s32 @!p0 $0x100000, s0  }
0x1a9: {  	[sflag:s0] =	ssyncadd.tile.s32 @!p0 $0x1;
	_ =	shalt  }
.Lfunc_end2:
_tile_overlayer_lowered:
.L_overlay_start_2:
0x1aa: {  	(tag) =	ssettag $0x2  }
0x1ab: {  	s0 =	rddreg [dreg:$0x0];
	s2 =	stileid.u32  }
0x1ac: {  	s1 =	rddreg [dreg:$0x1];
	p0 =	sne.s32 s2, $0x0  }
0x1ad: {  	s3 =	rddreg [dreg:$0x2];
	[bflag:$0x3] =	sbarrier.arrive $0xFFFF;
	s2 =	simm.s32 @!p0 $0x1C02  }
0x1ae: {  	[timem:s3], [sflag:s2] =	dma.local @!p0 [hbm:s0], s1  }
0x1af: {  	s0 =	simm.s32 @!p0 $0x2  }
0x1b0: {  	_ =	swait.ge @!p0 [sflag:s0], s1  }
0x1b1: {  	s1 =	ssub.s32 @!p0 $0x0, s1;
	[sflag:s0] =	ssyncset.done @!p0 $0x0  }
0x1b2: {  	[sflag:s0] =	ssyncadd.s32 @!p0 s1  }
0x1b3: {  	[bflag:$0x3] =	sbarrier.arrive $0xFFFF  }
0x1b4: {  	_ =	shalt  }

</sc_bundles>
